<compile_context>
chip_gen: v7x
topology: tpu7x:2x2x1
jax: 0.10.2.dev20260603
libtpu: 0.0.44.dev20260713+nightly
codegen_flags: <defaults>
</compile_context>

<pallas_src>
import jax
import jax.numpy as jnp
from jax import lax
from jax.experimental import pallas as pl
from jax.experimental.pallas import tpu as pltpu
from jax.experimental.pallas import tpu_sc as plsc

B, H, S, D = 8, 4, 2048, 128
SW = 512
BH = B * H
CACHE_ROWS = BH * S
SLABS = 2
TS = SLABS * S


def _tc_copy_body(k0, v0, k1, v1, out):
    out[0] = k0[...]
    out[1] = v0[...]
    out[2] = k1[...]
    out[3] = v1[...]


def _sc_patch(out_ref, lat_ref, pos_ref):
    mesh = plsc.ScalarSubcoreMesh(axis_name="c", num_cores=1)

    @pl.core_map(
        mesh,
        scratch_shapes=[pltpu.SMEM((24,), jnp.int32), pltpu.SemaphoreType.DMA],
    )
    def _(pos_s, sem):
        pltpu.sync_copy(pos_ref, pos_s)
        rcps = []
        for w in range(32):
            p0 = pos_s[w // H]
            p1 = lax.bitwise_and(p0, SW - 1)
            row_lo = w * S
            for c in range(4):
                rcps.append(pltpu.make_async_copy(
                    lat_ref.at[pl.ds(c * BH + w, 1)],
                    out_ref.at[pl.ds(
                        c * CACHE_ROWS + row_lo + (p0 if c < 2 else p1), 1)],
                    sem,
                ))
        for cp in rcps:
            cp.start()
        for cp in rcps:
            cp.wait()


def kernel(k_cache_0, v_cache_0, k_cache_1, v_cache_1,
           latest_k_0, latest_v_0, latest_k_1, latest_v_1, position_ids):
    caches = [cc.reshape(BH * S, D)
              for cc in (k_cache_0, v_cache_0, k_cache_1, v_cache_1)]
    lat = jnp.stack([latest_k_0, latest_v_0, latest_k_1, latest_v_1],
                    axis=0).reshape(4 * BH, D)
    pos = jnp.pad(position_ids.reshape(B).astype(jnp.int32), (0, 16))

    out0 = pl.pallas_call(
        _tc_copy_body,
        grid=(BH // SLABS,),
        in_specs=[pl.BlockSpec((TS, D), lambda t: (t, 0))] * 4,
        out_specs=pl.BlockSpec((4, TS, D), lambda t: (0, t, 0)),
        out_shape=jax.ShapeDtypeStruct((4, CACHE_ROWS, D), jnp.float32),
    )(*caches)
    out0 = out0.reshape(4 * CACHE_ROWS, D)

    def upd(refs):
        out_ref, lat_ref, pos_ref = refs
        _sc_patch(out_ref, lat_ref, pos_ref)

    out1, _, _ = pl.run_state(upd)((out0, lat, pos))
    return out1.reshape(4, B, H, S, D)

# --- scband reference (transcript-rebuilt; emitter-appended) ---
"""Pipeline reference for scband-trinity-kvcache-manager-80376017977946 (READ-ONLY COPY).

The authoritative reference and input builder live on the scoring server;
editing this copy changes nothing except your own understanding.
"""

import jax, jax.numpy as jnp
import numpy as np

B, H, S, D = 8, 4, 2048, 128
SLIDING_WINDOW = 512
LAYER_TYPES = ["full_attention", "sliding_attention"]


def setup_inputs(seed: int = 0) -> dict:
    key = jax.random.key(seed)
    ks = jax.random.split(key, 10)
    inp = {}
    inp["k_cache_0"] = jax.random.normal(ks[0], (B, H, S, D), dtype=jnp.float32)
    inp["v_cache_0"] = jax.random.normal(ks[1], (B, H, S, D), dtype=jnp.float32)
    inp["k_cache_1"] = jax.random.normal(ks[2], (B, H, S, D), dtype=jnp.float32)
    inp["v_cache_1"] = jax.random.normal(ks[3], (B, H, S, D), dtype=jnp.float32)
    inp["latest_k_0"] = jax.random.normal(ks[4], (B, H, 1, D), dtype=jnp.float32)
    inp["latest_v_0"] = jax.random.normal(ks[5], (B, H, 1, D), dtype=jnp.float32)
    inp["latest_k_1"] = jax.random.normal(ks[6], (B, H, 1, D), dtype=jnp.float32)
    inp["latest_v_1"] = jax.random.normal(ks[7], (B, H, 1, D), dtype=jnp.float32)
    inp["position_ids"] = jax.random.randint(ks[8], (B, 1), 0, S, dtype=jnp.int32)
    return inp


def _scatter_update(cache, latest, pos):
    # torch.scatter(cache, dim=2, index=pos expanded to src shape, src=latest)
    # latest: [B, H, 1, D]; pos: [B, 1] -> write latest[b, h, 0, :] into cache[b, h, pos[b, 0], :]
    b_idx = jnp.arange(cache.shape[0])[:, None]  # [B, 1]
    latest_s = jnp.swapaxes(latest, 1, 2)  # [B, 1, H, D]
    return cache.at[b_idx, :, pos, :].set(latest_s)


def reference(k_cache_0, v_cache_0, k_cache_1, v_cache_1,
              latest_k_0, latest_v_0, latest_k_1, latest_v_1, position_ids):
    # Token-generation (decode) update_cache path: per-layer scatter with
    # sliding-window position modulation for 'sliding_attention' layers.
    caches = [(k_cache_0, v_cache_0), (k_cache_1, v_cache_1)]
    latests = [(latest_k_0, latest_v_0), (latest_k_1, latest_v_1)]
    outs = []
    for idx in range(len(LAYER_TYPES)):
        pos = position_ids
        if LAYER_TYPES[idx] == "sliding_attention" and SLIDING_WINDOW:
            pos = pos % SLIDING_WINDOW
        k_new = _scatter_update(caches[idx][0], latests[idx][0], pos)
        v_new = _scatter_update(caches[idx][1], latests[idx][1], pos)
        outs.append(k_new)
        outs.append(v_new)
    return jnp.stack(outs, axis=0)

if __name__ == "__main__":
    import jax
    _d = setup_inputs()
    print(jax.jit(kernel)(*tuple(_d.values())))

</pallas_src>

<mosaic_0001>
#map = affine_map<(d0) -> (0)>
#map1 = affine_map<(d0) -> (0, 0)>
module attributes {stable_mosaic.version = 14 : i64} {
  func.func @_(%arg0: i32, %arg1: memref<24xi32, #tpu.memory_space<hbm>>, %arg2: memref<128x128xf32, #tpu.memory_space<hbm>>, %arg3: memref<262144x128xf32, #tpu.memory_space<hbm>>, %arg4: memref<262144x128xf32, #tpu.memory_space<hbm>>, %arg5: memref<24xi32, #tpu.memory_space<smem>>, %arg6: memref<!tpu.dma_semaphore, #tpu.memory_space<semaphore_mem>>) attributes {dimension_semantics = [#tpu.dimension_semantics<core_parallel>], iteration_bounds = array<i64: 1>, scalar_prefetch = 0 : i64, scratch_operands = 2 : i64, tpu.core_type = #tpu.core_type<sc_scalar_subcore>, window_params = [{transform_indices = #map}, {transform_indices = #map1}, {transform_indices = #map1}, {transform_indices = #map1}]} {
    "tpu.region"() ({
      %run_scoped3A = tpu.sem_alloc : memref<!tpu.dma_semaphore, #tpu.memory_space<semaphore_mem>>
      tpu.enqueue_dma source(%arg1 : memref<24xi32, #tpu.memory_space<hbm>>) target(%arg5 : memref<24xi32, #tpu.memory_space<smem>>) target_semaphore(%run_scoped3A : memref<!tpu.dma_semaphore, #tpu.memory_space<semaphore_mem>>)
      tpu.wait_dma2 semaphore(%run_scoped3A : memref<!tpu.dma_semaphore, #tpu.memory_space<semaphore_mem>>) src(%arg1 : memref<24xi32, #tpu.memory_space<hbm>>) dst(%arg5 : memref<24xi32, #tpu.memory_space<smem>>)
      tpu.yield
    }) : () -> ()
    %get3A = arith.constant 0 : i32
    %get3A_0 = arith.index_cast %get3A : i32 to index
    %get3A_1 = memref.load %arg5[%get3A_0] : memref<24xi32, #tpu.memory_space<smem>>
    %and3A = arith.constant 511 : i32
    %and3A_2 = arith.andi %get3A_1, %and3A : i32
    %add3A = arith.constant 0 : i32
    %add3A_3 = arith.addi %add3A, %get3A_1 : i32
    %add3A_4 = arith.constant 65536 : i32
    %add3A_5 = arith.addi %add3A_4, %get3A_1 : i32
    %add3A_6 = arith.constant 131072 : i32
    %add3A_7 = arith.addi %add3A_6, %and3A_2 : i32
    %add3A_8 = arith.constant 196608 : i32
    %add3A_9 = arith.addi %add3A_8, %and3A_2 : i32
    %get3A_10 = arith.constant 0 : i32
    %get3A_11 = arith.index_cast %get3A_10 : i32 to index
    %get3A_12 = memref.load %arg5[%get3A_11] : memref<24xi32, #tpu.memory_space<smem>>
    %and3A_13 = arith.constant 511 : i32
    %and3A_14 = arith.andi %get3A_12, %and3A_13 : i32
    %add3A_15 = arith.constant 2048 : i32
    %add3A_16 = arith.addi %add3A_15, %get3A_12 : i32
    %add3A_17 = arith.constant 67584 : i32
    %add3A_18 = arith.addi %add3A_17, %get3A_12 : i32
    %add3A_19 = arith.constant 133120 : i32
    %add3A_20 = arith.addi %add3A_19, %and3A_14 : i32
    %add3A_21 = arith.constant 198656 : i32
    %add3A_22 = arith.addi %add3A_21, %and3A_14 : i32
    %get3A_23 = arith.constant 0 : i32
    %get3A_24 = arith.index_cast %get3A_23 : i32 to index
    %get3A_25 = memref.load %arg5[%get3A_24] : memref<24xi32, #tpu.memory_space<smem>>
    %and3A_26 = arith.constant 511 : i32
    %and3A_27 = arith.andi %get3A_25, %and3A_26 : i32
    %add3A_28 = arith.constant 4096 : i32
    %add3A_29 = arith.addi %add3A_28, %get3A_25 : i32
    %add3A_30 = arith.constant 69632 : i32
    %add3A_31 = arith.addi %add3A_30, %get3A_25 : i32
    %add3A_32 = arith.constant 135168 : i32
    %add3A_33 = arith.addi %add3A_32, %and3A_27 : i32
    %add3A_34 = arith.constant 200704 : i32
    %add3A_35 = arith.addi %add3A_34, %and3A_27 : i32
    %get3A_36 = arith.constant 0 : i32
    %get3A_37 = arith.index_cast %get3A_36 : i32 to index
    %get3A_38 = memref.load %arg5[%get3A_37] : memref<24xi32, #tpu.memory_space<smem>>
    %and3A_39 = arith.constant 511 : i32
    %and3A_40 = arith.andi %get3A_38, %and3A_39 : i32
    %add3A_41 = arith.constant 6144 : i32
    %add3A_42 = arith.addi %add3A_41, %get3A_38 : i32
    %add3A_43 = arith.constant 71680 : i32
    %add3A_44 = arith.addi %add3A_43, %get3A_38 : i32
    %add3A_45 = arith.constant 137216 : i32
    %add3A_46 = arith.addi %add3A_45, %and3A_40 : i32
    %add3A_47 = arith.constant 202752 : i32
    %add3A_48 = arith.addi %add3A_47, %and3A_40 : i32
    %get3A_49 = arith.constant 1 : i32
    %get3A_50 = arith.index_cast %get3A_49 : i32 to index
    %get3A_51 = memref.load %arg5[%get3A_50] : memref<24xi32, #tpu.memory_space<smem>>
    %and3A_52 = arith.constant 511 : i32
    %and3A_53 = arith.andi %get3A_51, %and3A_52 : i32
    %add3A_54 = arith.constant 8192 : i32
    %add3A_55 = arith.addi %add3A_54, %get3A_51 : i32
    %add3A_56 = arith.constant 73728 : i32
    %add3A_57 = arith.addi %add3A_56, %get3A_51 : i32
    %add3A_58 = arith.constant 139264 : i32
    %add3A_59 = arith.addi %add3A_58, %and3A_53 : i32
    %add3A_60 = arith.constant 204800 : i32
    %add3A_61 = arith.addi %add3A_60, %and3A_53 : i32
    %get3A_62 = arith.constant 1 : i32
    %get3A_63 = arith.index_cast %get3A_62 : i32 to index
    %get3A_64 = memref.load %arg5[%get3A_63] : memref<24xi32, #tpu.memory_space<smem>>
    %and3A_65 = arith.constant 511 : i32
    %and3A_66 = arith.andi %get3A_64, %and3A_65 : i32
    %add3A_67 = arith.constant 10240 : i32
    %add3A_68 = arith.addi %add3A_67, %get3A_64 : i32
    %add3A_69 = arith.constant 75776 : i32
    %add3A_70 = arith.addi %add3A_69, %get3A_64 : i32
    %add3A_71 = arith.constant 141312 : i32
    %add3A_72 = arith.addi %add3A_71, %and3A_66 : i32
    %add3A_73 = arith.constant 206848 : i32
    %add3A_74 = arith.addi %add3A_73, %and3A_66 : i32
    %get3A_75 = arith.constant 1 : i32
    %get3A_76 = arith.index_cast %get3A_75 : i32 to index
    %get3A_77 = memref.load %arg5[%get3A_76] : memref<24xi32, #tpu.memory_space<smem>>
    %and3A_78 = arith.constant 511 : i32
    %and3A_79 = arith.andi %get3A_77, %and3A_78 : i32
    %add3A_80 = arith.constant 12288 : i32
    %add3A_81 = arith.addi %add3A_80, %get3A_77 : i32
    %add3A_82 = arith.constant 77824 : i32
    %add3A_83 = arith.addi %add3A_82, %get3A_77 : i32
    %add3A_84 = arith.constant 143360 : i32
    %add3A_85 = arith.addi %add3A_84, %and3A_79 : i32
    %add3A_86 = arith.constant 208896 : i32
    %add3A_87 = arith.addi %add3A_86, %and3A_79 : i32
    %get3A_88 = arith.constant 1 : i32
    %get3A_89 = arith.index_cast %get3A_88 : i32 to index
    %get3A_90 = memref.load %arg5[%get3A_89] : memref<24xi32, #tpu.memory_space<smem>>
    %and3A_91 = arith.constant 511 : i32
    %and3A_92 = arith.andi %get3A_90, %and3A_91 : i32
    %add3A_93 = arith.constant 14336 : i32
    %add3A_94 = arith.addi %add3A_93, %get3A_90 : i32
    %add3A_95 = arith.constant 79872 : i32
    %add3A_96 = arith.addi %add3A_95, %get3A_90 : i32
    %add3A_97 = arith.constant 145408 : i32
    %add3A_98 = arith.addi %add3A_97, %and3A_92 : i32
    %add3A_99 = arith.constant 210944 : i32
    %add3A_100 = arith.addi %add3A_99, %and3A_92 : i32
    %get3A_101 = arith.constant 2 : i32
    %get3A_102 = arith.index_cast %get3A_101 : i32 to index
    %get3A_103 = memref.load %arg5[%get3A_102] : memref<24xi32, #tpu.memory_space<smem>>
    %and3A_104 = arith.constant 511 : i32
    %and3A_105 = arith.andi %get3A_103, %and3A_104 : i32
    %add3A_106 = arith.constant 16384 : i32
    %add3A_107 = arith.addi %add3A_106, %get3A_103 : i32
    %add3A_108 = arith.constant 81920 : i32
    %add3A_109 = arith.addi %add3A_108, %get3A_103 : i32
    %add3A_110 = arith.constant 147456 : i32
    %add3A_111 = arith.addi %add3A_110, %and3A_105 : i32
    %add3A_112 = arith.constant 212992 : i32
    %add3A_113 = arith.addi %add3A_112, %and3A_105 : i32
    %get3A_114 = arith.constant 2 : i32
    %get3A_115 = arith.index_cast %get3A_114 : i32 to index
    %get3A_116 = memref.load %arg5[%get3A_115] : memref<24xi32, #tpu.memory_space<smem>>
    %and3A_117 = arith.constant 511 : i32
    %and3A_118 = arith.andi %get3A_116, %and3A_117 : i32
    %add3A_119 = arith.constant 18432 : i32
    %add3A_120 = arith.addi %add3A_119, %get3A_116 : i32
    %add3A_121 = arith.constant 83968 : i32
    %add3A_122 = arith.addi %add3A_121, %get3A_116 : i32
    %add3A_123 = arith.constant 149504 : i32
    %add3A_124 = arith.addi %add3A_123, %and3A_118 : i32
    %add3A_125 = arith.constant 215040 : i32
    %add3A_126 = arith.addi %add3A_125, %and3A_118 : i32
    %get3A_127 = arith.constant 2 : i32
    %get3A_128 = arith.index_cast %get3A_127 : i32 to index
    %get3A_129 = memref.load %arg5[%get3A_128] : memref<24xi32, #tpu.memory_space<smem>>
    %and3A_130 = arith.constant 511 : i32
    %and3A_131 = arith.andi %get3A_129, %and3A_130 : i32
    %add3A_132 = arith.constant 20480 : i32
    %add3A_133 = arith.addi %add3A_132, %get3A_129 : i32
    %add3A_134 = arith.constant 86016 : i32
    %add3A_135 = arith.addi %add3A_134, %get3A_129 : i32
    %add3A_136 = arith.constant 151552 : i32
    %add3A_137 = arith.addi %add3A_136, %and3A_131 : i32
    %add3A_138 = arith.constant 217088 : i32
    %add3A_139 = arith.addi %add3A_138, %and3A_131 : i32
    %get3A_140 = arith.constant 2 : i32
    %get3A_141 = arith.index_cast %get3A_140 : i32 to index
    %get3A_142 = memref.load %arg5[%get3A_141] : memref<24xi32, #tpu.memory_space<smem>>
    %and3A_143 = arith.constant 511 : i32
    %and3A_144 = arith.andi %get3A_142, %and3A_143 : i32
    %add3A_145 = arith.constant 22528 : i32
    %add3A_146 = arith.addi %add3A_145, %get3A_142 : i32
    %add3A_147 = arith.constant 88064 : i32
    %add3A_148 = arith.addi %add3A_147, %get3A_142 : i32
    %add3A_149 = arith.constant 153600 : i32
    %add3A_150 = arith.addi %add3A_149, %and3A_144 : i32
    %add3A_151 = arith.constant 219136 : i32
    %add3A_152 = arith.addi %add3A_151, %and3A_144 : i32
    %get3A_153 = arith.constant 3 : i32
    %get3A_154 = arith.index_cast %get3A_153 : i32 to index
    %get3A_155 = memref.load %arg5[%get3A_154] : memref<24xi32, #tpu.memory_space<smem>>
    %and3A_156 = arith.constant 511 : i32
    %and3A_157 = arith.andi %get3A_155, %and3A_156 : i32
    %add3A_158 = arith.constant 24576 : i32
    %add3A_159 = arith.addi %add3A_158, %get3A_155 : i32
    %add3A_160 = arith.constant 90112 : i32
    %add3A_161 = arith.addi %add3A_160, %get3A_155 : i32
    %add3A_162 = arith.constant 155648 : i32
    %add3A_163 = arith.addi %add3A_162, %and3A_157 : i32
    %add3A_164 = arith.constant 221184 : i32
    %add3A_165 = arith.addi %add3A_164, %and3A_157 : i32
    %get3A_166 = arith.constant 3 : i32
    %get3A_167 = arith.index_cast %get3A_166 : i32 to index
    %get3A_168 = memref.load %arg5[%get3A_167] : memref<24xi32, #tpu.memory_space<smem>>
    %and3A_169 = arith.constant 511 : i32
    %and3A_170 = arith.andi %get3A_168, %and3A_169 : i32
    %add3A_171 = arith.constant 26624 : i32
    %add3A_172 = arith.addi %add3A_171, %get3A_168 : i32
    %add3A_173 = arith.constant 92160 : i32
    %add3A_174 = arith.addi %add3A_173, %get3A_168 : i32
    %add3A_175 = arith.constant 157696 : i32
    %add3A_176 = arith.addi %add3A_175, %and3A_170 : i32
    %add3A_177 = arith.constant 223232 : i32
    %add3A_178 = arith.addi %add3A_177, %and3A_170 : i32
    %get3A_179 = arith.constant 3 : i32
    %get3A_180 = arith.index_cast %get3A_179 : i32 to index
    %get3A_181 = memref.load %arg5[%get3A_180] : memref<24xi32, #tpu.memory_space<smem>>
    %and3A_182 = arith.constant 511 : i32
    %and3A_183 = arith.andi %get3A_181, %and3A_182 : i32
    %add3A_184 = arith.constant 28672 : i32
    %add3A_185 = arith.addi %add3A_184, %get3A_181 : i32
    %add3A_186 = arith.constant 94208 : i32
    %add3A_187 = arith.addi %add3A_186, %get3A_181 : i32
    %add3A_188 = arith.constant 159744 : i32
    %add3A_189 = arith.addi %add3A_188, %and3A_183 : i32
    %add3A_190 = arith.constant 225280 : i32
    %add3A_191 = arith.addi %add3A_190, %and3A_183 : i32
    %get3A_192 = arith.constant 3 : i32
    %get3A_193 = arith.index_cast %get3A_192 : i32 to index
    %get3A_194 = memref.load %arg5[%get3A_193] : memref<24xi32, #tpu.memory_space<smem>>
    %and3A_195 = arith.constant 511 : i32
    %and3A_196 = arith.andi %get3A_194, %and3A_195 : i32
    %add3A_197 = arith.constant 30720 : i32
    %add3A_198 = arith.addi %add3A_197, %get3A_194 : i32
    %add3A_199 = arith.constant 96256 : i32
    %add3A_200 = arith.addi %add3A_199, %get3A_194 : i32
    %add3A_201 = arith.constant 161792 : i32
    %add3A_202 = arith.addi %add3A_201, %and3A_196 : i32
    %add3A_203 = arith.constant 227328 : i32
    %add3A_204 = arith.addi %add3A_203, %and3A_196 : i32
    %get3A_205 = arith.constant 4 : i32
    %get3A_206 = arith.index_cast %get3A_205 : i32 to index
    %get3A_207 = memref.load %arg5[%get3A_206] : memref<24xi32, #tpu.memory_space<smem>>
    %and3A_208 = arith.constant 511 : i32
    %and3A_209 = arith.andi %get3A_207, %and3A_208 : i32
    %add3A_210 = arith.constant 32768 : i32
    %add3A_211 = arith.addi %add3A_210, %get3A_207 : i32
    %add3A_212 = arith.constant 98304 : i32
    %add3A_213 = arith.addi %add3A_212, %get3A_207 : i32
    %add3A_214 = arith.constant 163840 : i32
    %add3A_215 = arith.addi %add3A_214, %and3A_209 : i32
    %add3A_216 = arith.constant 229376 : i32
    %add3A_217 = arith.addi %add3A_216, %and3A_209 : i32
    %get3A_218 = arith.constant 4 : i32
    %get3A_219 = arith.index_cast %get3A_218 : i32 to index
    %get3A_220 = memref.load %arg5[%get3A_219] : memref<24xi32, #tpu.memory_space<smem>>
    %and3A_221 = arith.constant 511 : i32
    %and3A_222 = arith.andi %get3A_220, %and3A_221 : i32
    %add3A_223 = arith.constant 34816 : i32
    %add3A_224 = arith.addi %add3A_223, %get3A_220 : i32
    %add3A_225 = arith.constant 100352 : i32
    %add3A_226 = arith.addi %add3A_225, %get3A_220 : i32
    %add3A_227 = arith.constant 165888 : i32
    %add3A_228 = arith.addi %add3A_227, %and3A_222 : i32
    %add3A_229 = arith.constant 231424 : i32
    %add3A_230 = arith.addi %add3A_229, %and3A_222 : i32
    %get3A_231 = arith.constant 4 : i32
    %get3A_232 = arith.index_cast %get3A_231 : i32 to index
    %get3A_233 = memref.load %arg5[%get3A_232] : memref<24xi32, #tpu.memory_space<smem>>
    %and3A_234 = arith.constant 511 : i32
    %and3A_235 = arith.andi %get3A_233, %and3A_234 : i32
    %add3A_236 = arith.constant 36864 : i32
    %add3A_237 = arith.addi %add3A_236, %get3A_233 : i32
    %add3A_238 = arith.constant 102400 : i32
    %add3A_239 = arith.addi %add3A_238, %get3A_233 : i32
    %add3A_240 = arith.constant 167936 : i32
    %add3A_241 = arith.addi %add3A_240, %and3A_235 : i32
    %add3A_242 = arith.constant 233472 : i32
    %add3A_243 = arith.addi %add3A_242, %and3A_235 : i32
    %get3A_244 = arith.constant 4 : i32
    %get3A_245 = arith.index_cast %get3A_244 : i32 to index
    %get3A_246 = memref.load %arg5[%get3A_245] : memref<24xi32, #tpu.memory_space<smem>>
    %and3A_247 = arith.constant 511 : i32
    %and3A_248 = arith.andi %get3A_246, %and3A_247 : i32
    %add3A_249 = arith.constant 38912 : i32
    %add3A_250 = arith.addi %add3A_249, %get3A_246 : i32
    %add3A_251 = arith.constant 104448 : i32
    %add3A_252 = arith.addi %add3A_251, %get3A_246 : i32
    %add3A_253 = arith.constant 169984 : i32
    %add3A_254 = arith.addi %add3A_253, %and3A_248 : i32
    %add3A_255 = arith.constant 235520 : i32
    %add3A_256 = arith.addi %add3A_255, %and3A_248 : i32
    %get3A_257 = arith.constant 5 : i32
    %get3A_258 = arith.index_cast %get3A_257 : i32 to index
    %get3A_259 = memref.load %arg5[%get3A_258] : memref<24xi32, #tpu.memory_space<smem>>
    %and3A_260 = arith.constant 511 : i32
    %and3A_261 = arith.andi %get3A_259, %and3A_260 : i32
    %add3A_262 = arith.constant 40960 : i32
    %add3A_263 = arith.addi %add3A_262, %get3A_259 : i32
    %add3A_264 = arith.constant 106496 : i32
    %add3A_265 = arith.addi %add3A_264, %get3A_259 : i32
    %add3A_266 = arith.constant 172032 : i32
    %add3A_267 = arith.addi %add3A_266, %and3A_261 : i32
    %add3A_268 = arith.constant 237568 : i32
    %add3A_269 = arith.addi %add3A_268, %and3A_261 : i32
    %get3A_270 = arith.constant 5 : i32
    %get3A_271 = arith.index_cast %get3A_270 : i32 to index
    %get3A_272 = memref.load %arg5[%get3A_271] : memref<24xi32, #tpu.memory_space<smem>>
    %and3A_273 = arith.constant 511 : i32
    %and3A_274 = arith.andi %get3A_272, %and3A_273 : i32
    %add3A_275 = arith.constant 43008 : i32
    %add3A_276 = arith.addi %add3A_275, %get3A_272 : i32
    %add3A_277 = arith.constant 108544 : i32
    %add3A_278 = arith.addi %add3A_277, %get3A_272 : i32
    %add3A_279 = arith.constant 174080 : i32
    %add3A_280 = arith.addi %add3A_279, %and3A_274 : i32
    %add3A_281 = arith.constant 239616 : i32
    %add3A_282 = arith.addi %add3A_281, %and3A_274 : i32
    %get3A_283 = arith.constant 5 : i32
    %get3A_284 = arith.index_cast %get3A_283 : i32 to index
    %get3A_285 = memref.load %arg5[%get3A_284] : memref<24xi32, #tpu.memory_space<smem>>
    %and3A_286 = arith.constant 511 : i32
    %and3A_287 = arith.andi %get3A_285, %and3A_286 : i32
    %add3A_288 = arith.constant 45056 : i32
    %add3A_289 = arith.addi %add3A_288, %get3A_285 : i32
    %add3A_290 = arith.constant 110592 : i32
    %add3A_291 = arith.addi %add3A_290, %get3A_285 : i32
    %add3A_292 = arith.constant 176128 : i32
    %add3A_293 = arith.addi %add3A_292, %and3A_287 : i32
    %add3A_294 = arith.constant 241664 : i32
    %add3A_295 = arith.addi %add3A_294, %and3A_287 : i32
    %get3A_296 = arith.constant 5 : i32
    %get3A_297 = arith.index_cast %get3A_296 : i32 to index
    %get3A_298 = memref.load %arg5[%get3A_297] : memref<24xi32, #tpu.memory_space<smem>>
    %and3A_299 = arith.constant 511 : i32
    %and3A_300 = arith.andi %get3A_298, %and3A_299 : i32
    %add3A_301 = arith.constant 47104 : i32
    %add3A_302 = arith.addi %add3A_301, %get3A_298 : i32
    %add3A_303 = arith.constant 112640 : i32
    %add3A_304 = arith.addi %add3A_303, %get3A_298 : i32
    %add3A_305 = arith.constant 178176 : i32
    %add3A_306 = arith.addi %add3A_305, %and3A_300 : i32
    %add3A_307 = arith.constant 243712 : i32
    %add3A_308 = arith.addi %add3A_307, %and3A_300 : i32
    %get3A_309 = arith.constant 6 : i32
    %get3A_310 = arith.index_cast %get3A_309 : i32 to index
    %get3A_311 = memref.load %arg5[%get3A_310] : memref<24xi32, #tpu.memory_space<smem>>
    %and3A_312 = arith.constant 511 : i32
    %and3A_313 = arith.andi %get3A_311, %and3A_312 : i32
    %add3A_314 = arith.constant 49152 : i32
    %add3A_315 = arith.addi %add3A_314, %get3A_311 : i32
    %add3A_316 = arith.constant 114688 : i32
    %add3A_317 = arith.addi %add3A_316, %get3A_311 : i32
    %add3A_318 = arith.constant 180224 : i32
    %add3A_319 = arith.addi %add3A_318, %and3A_313 : i32
    %add3A_320 = arith.constant 245760 : i32
    %add3A_321 = arith.addi %add3A_320, %and3A_313 : i32
    %get3A_322 = arith.constant 6 : i32
    %get3A_323 = arith.index_cast %get3A_322 : i32 to index
    %get3A_324 = memref.load %arg5[%get3A_323] : memref<24xi32, #tpu.memory_space<smem>>
    %and3A_325 = arith.constant 511 : i32
    %and3A_326 = arith.andi %get3A_324, %and3A_325 : i32
    %add3A_327 = arith.constant 51200 : i32
    %add3A_328 = arith.addi %add3A_327, %get3A_324 : i32
    %add3A_329 = arith.constant 116736 : i32
    %add3A_330 = arith.addi %add3A_329, %get3A_324 : i32
    %add3A_331 = arith.constant 182272 : i32
    %add3A_332 = arith.addi %add3A_331, %and3A_326 : i32
    %add3A_333 = arith.constant 247808 : i32
    %add3A_334 = arith.addi %add3A_333, %and3A_326 : i32
    %get3A_335 = arith.constant 6 : i32
    %get3A_336 = arith.index_cast %get3A_335 : i32 to index
    %get3A_337 = memref.load %arg5[%get3A_336] : memref<24xi32, #tpu.memory_space<smem>>
    %and3A_338 = arith.constant 511 : i32
    %and3A_339 = arith.andi %get3A_337, %and3A_338 : i32
    %add3A_340 = arith.constant 53248 : i32
    %add3A_341 = arith.addi %add3A_340, %get3A_337 : i32
    %add3A_342 = arith.constant 118784 : i32
    %add3A_343 = arith.addi %add3A_342, %get3A_337 : i32
    %add3A_344 = arith.constant 184320 : i32
    %add3A_345 = arith.addi %add3A_344, %and3A_339 : i32
    %add3A_346 = arith.constant 249856 : i32
    %add3A_347 = arith.addi %add3A_346, %and3A_339 : i32
    %get3A_348 = arith.constant 6 : i32
    %get3A_349 = arith.index_cast %get3A_348 : i32 to index
    %get3A_350 = memref.load %arg5[%get3A_349] : memref<24xi32, #tpu.memory_space<smem>>
    %and3A_351 = arith.constant 511 : i32
    %and3A_352 = arith.andi %get3A_350, %and3A_351 : i32
    %add3A_353 = arith.constant 55296 : i32
    %add3A_354 = arith.addi %add3A_353, %get3A_350 : i32
    %add3A_355 = arith.constant 120832 : i32
    %add3A_356 = arith.addi %add3A_355, %get3A_350 : i32
    %add3A_357 = arith.constant 186368 : i32
    %add3A_358 = arith.addi %add3A_357, %and3A_352 : i32
    %add3A_359 = arith.constant 251904 : i32
    %add3A_360 = arith.addi %add3A_359, %and3A_352 : i32
    %get3A_361 = arith.constant 7 : i32
    %get3A_362 = arith.index_cast %get3A_361 : i32 to index
    %get3A_363 = memref.load %arg5[%get3A_362] : memref<24xi32, #tpu.memory_space<smem>>
    %and3A_364 = arith.constant 511 : i32
    %and3A_365 = arith.andi %get3A_363, %and3A_364 : i32
    %add3A_366 = arith.constant 57344 : i32
    %add3A_367 = arith.addi %add3A_366, %get3A_363 : i32
    %add3A_368 = arith.constant 122880 : i32
    %add3A_369 = arith.addi %add3A_368, %get3A_363 : i32
    %add3A_370 = arith.constant 188416 : i32
    %add3A_371 = arith.addi %add3A_370, %and3A_365 : i32
    %add3A_372 = arith.constant 253952 : i32
    %add3A_373 = arith.addi %add3A_372, %and3A_365 : i32
    %get3A_374 = arith.constant 7 : i32
    %get3A_375 = arith.index_cast %get3A_374 : i32 to index
    %get3A_376 = memref.load %arg5[%get3A_375] : memref<24xi32, #tpu.memory_space<smem>>
    %and3A_377 = arith.constant 511 : i32
    %and3A_378 = arith.andi %get3A_376, %and3A_377 : i32
    %add3A_379 = arith.constant 59392 : i32
    %add3A_380 = arith.addi %add3A_379, %get3A_376 : i32
    %add3A_381 = arith.constant 124928 : i32
    %add3A_382 = arith.addi %add3A_381, %get3A_376 : i32
    %add3A_383 = arith.constant 190464 : i32
    %add3A_384 = arith.addi %add3A_383, %and3A_378 : i32
    %add3A_385 = arith.constant 256000 : i32
    %add3A_386 = arith.addi %add3A_385, %and3A_378 : i32
    %get3A_387 = arith.constant 7 : i32
    %get3A_388 = arith.index_cast %get3A_387 : i32 to index
    %get3A_389 = memref.load %arg5[%get3A_388] : memref<24xi32, #tpu.memory_space<smem>>
    %and3A_390 = arith.constant 511 : i32
    %and3A_391 = arith.andi %get3A_389, %and3A_390 : i32
    %add3A_392 = arith.constant 61440 : i32
    %add3A_393 = arith.addi %add3A_392, %get3A_389 : i32
    %add3A_394 = arith.constant 126976 : i32
    %add3A_395 = arith.addi %add3A_394, %get3A_389 : i32
    %add3A_396 = arith.constant 192512 : i32
    %add3A_397 = arith.addi %add3A_396, %and3A_391 : i32
    %add3A_398 = arith.constant 258048 : i32
    %add3A_399 = arith.addi %add3A_398, %and3A_391 : i32
    %get3A_400 = arith.constant 7 : i32
    %get3A_401 = arith.index_cast %get3A_400 : i32 to index
    %get3A_402 = memref.load %arg5[%get3A_401] : memref<24xi32, #tpu.memory_space<smem>>
    %and3A_403 = arith.constant 511 : i32
    %and3A_404 = arith.andi %get3A_402, %and3A_403 : i32
    %add3A_405 = arith.constant 63488 : i32
    %add3A_406 = arith.addi %add3A_405, %get3A_402 : i32
    %add3A_407 = arith.constant 129024 : i32
    %add3A_408 = arith.addi %add3A_407, %get3A_402 : i32
    %add3A_409 = arith.constant 194560 : i32
    %add3A_410 = arith.addi %add3A_409, %and3A_404 : i32
    %add3A_411 = arith.constant 260096 : i32
    %add3A_412 = arith.addi %add3A_411, %and3A_404 : i32
    %dma_start3A = arith.constant 0 : i32
    %dma_start3A_413 = tpu.memref_slice %arg3[%add3A_3, %dma_start3A] : memref<262144x128xf32, #tpu.memory_space<hbm>> -> memref<1x128xf32, #tpu.memory_space<hbm>>
    %dma_start3A_414 = arith.constant 0 : i32
    %dma_start3A_415 = arith.constant 0 : i32
    %dma_start3A_416 = tpu.memref_slice %arg2[%dma_start3A_414, %dma_start3A_415] : memref<128x128xf32, #tpu.memory_space<hbm>> -> memref<1x128xf32, #tpu.memory_space<hbm>>
    tpu.enqueue_dma source(%dma_start3A_416 : memref<1x128xf32, #tpu.memory_space<hbm>>) target(%dma_start3A_413 : memref<1x128xf32, #tpu.memory_space<hbm>>) target_semaphore(%arg6 : memref<!tpu.dma_semaphore, #tpu.memory_space<semaphore_mem>>)
    %dma_start3A_417 = arith.constant 0 : i32
    %dma_start3A_418 = tpu.memref_slice %arg3[%add3A_5, %dma_start3A_417] : memref<262144x128xf32, #tpu.memory_space<hbm>> -> memref<1x128xf32, #tpu.memory_space<hbm>>
    %dma_start3A_419 = arith.constant 32 : i32
    %dma_start3A_420 = arith.constant 0 : i32
    %dma_start3A_421 = tpu.memref_slice %arg2[%dma_start3A_419, %dma_start3A_420] : memref<128x128xf32, #tpu.memory_space<hbm>> -> memref<1x128xf32, #tpu.memory_space<hbm>>
    tpu.enqueue_dma source(%dma_start3A_421 : memref<1x128xf32, #tpu.memory_space<hbm>>) target(%dma_start3A_418 : memref<1x128xf32, #tpu.memory_space<hbm>>) target_semaphore(%arg6 : memref<!tpu.dma_semaphore, #tpu.memory_space<semaphore_mem>>)
    %dma_start3A_422 = arith.constant 0 : i32
    %dma_start3A_423 = tpu.memref_slice %arg3[%add3A_7, %dma_start3A_422] : memref<262144x128xf32, #tpu.memory_space<hbm>> -> memref<1x128xf32, #tpu.memory_space<hbm>>
    %dma_start3A_424 = arith.constant 64 : i32
    %dma_start3A_425 = arith.constant 0 : i32
    %dma_start3A_426 = tpu.memref_slice %arg2[%dma_start3A_424, %dma_start3A_425] : memref<128x128xf32, #tpu.memory_space<hbm>> -> memref<1x128xf32, #tpu.memory_space<hbm>>
    tpu.enqueue_dma source(%dma_start3A_426 : memref<1x128xf32, #tpu.memory_space<hbm>>) target(%dma_start3A_423 : memref<1x128xf32, #tpu.memory_space<hbm>>) target_semaphore(%arg6 : memref<!tpu.dma_semaphore, #tpu.memory_space<semaphore_mem>>)
    %dma_start3A_427 = arith.constant 0 : i32
    %dma_start3A_428 = tpu.memref_slice %arg3[%add3A_9, %dma_start3A_427] : memref<262144x128xf32, #tpu.memory_space<hbm>> -> memref<1x128xf32, #tpu.memory_space<hbm>>
    %dma_start3A_429 = arith.constant 96 : i32
    %dma_start3A_430 = arith.constant 0 : i32
    %dma_start3A_431 = tpu.memref_slice %arg2[%dma_start3A_429, %dma_start3A_430] : memref<128x128xf32, #tpu.memory_space<hbm>> -> memref<1x128xf32, #tpu.memory_space<hbm>>
    tpu.enqueue_dma source(%dma_start3A_431 : memref<1x128xf32, #tpu.memory_space<hbm>>) target(%dma_start3A_428 : memref<1x128xf32, #tpu.memory_space<hbm>>) target_semaphore(%arg6 : memref<!tpu.dma_semaphore, #tpu.memory_space<semaphore_mem>>)
    %dma_start3A_432 = arith.constant 0 : i32
    %dma_start3A_433 = tpu.memref_slice %arg3[%add3A_16, %dma_start3A_432] : memref<262144x128xf32, #tpu.memory_space<hbm>> -> memref<1x128xf32, #tpu.memory_space<hbm>>
    %dma_start3A_434 = arith.constant 1 : i32
    %dma_start3A_435 = arith.constant 0 : i32
    %dma_start3A_436 = tpu.memref_slice %arg2[%dma_start3A_434, %dma_start3A_435] : memref<128x128xf32, #tpu.memory_space<hbm>> -> memref<1x128xf32, #tpu.memory_space<hbm>>
    tpu.enqueue_dma source(%dma_start3A_436 : memref<1x128xf32, #tpu.memory_space<hbm>>) target(%dma_start3A_433 : memref<1x128xf32, #tpu.memory_space<hbm>>) target_semaphore(%arg6 : memref<!tpu.dma_semaphore, #tpu.memory_space<semaphore_mem>>)
    %dma_start3A_437 = arith.constant 0 : i32
    %dma_start3A_438 = tpu.memref_slice %arg3[%add3A_18, %dma_start3A_437] : memref<262144x128xf32, #tpu.memory_space<hbm>> -> memref<1x128xf32, #tpu.memory_space<hbm>>
    %dma_start3A_439 = arith.constant 33 : i32
    %dma_start3A_440 = arith.constant 0 : i32
    %dma_start3A_441 = tpu.memref_slice %arg2[%dma_start3A_439, %dma_start3A_440] : memref<128x128xf32, #tpu.memory_space<hbm>> -> memref<1x128xf32, #tpu.memory_space<hbm>>
    tpu.enqueue_dma source(%dma_start3A_441 : memref<1x128xf32, #tpu.memory_space<hbm>>) target(%dma_start3A_438 : memref<1x128xf32, #tpu.memory_space<hbm>>) target_semaphore(%arg6 : memref<!tpu.dma_semaphore, #tpu.memory_space<semaphore_mem>>)
    %dma_start3A_442 = arith.constant 0 : i32
    %dma_start3A_443 = tpu.memref_slice %arg3[%add3A_20, %dma_start3A_442] : memref<262144x128xf32, #tpu.memory_space<hbm>> -> memref<1x128xf32, #tpu.memory_space<hbm>>
    %dma_start3A_444 = arith.constant 65 : i32
    %dma_start3A_445 = arith.constant 0 : i32
    %dma_start3A_446 = tpu.memref_slice %arg2[%dma_start3A_444, %dma_start3A_445] : memref<128x128xf32, #tpu.memory_space<hbm>> -> memref<1x128xf32, #tpu.memory_space<hbm>>
    tpu.enqueue_dma source(%dma_start3A_446 : memref<1x128xf32, #tpu.memory_space<hbm>>) target(%dma_start3A_443 : memref<1x128xf32, #tpu.memory_space<hbm>>) target_semaphore(%arg6 : memref<!tpu.dma_semaphore, #tpu.memory_space<semaphore_mem>>)
    %dma_start3A_447 = arith.constant 0 : i32
    %dma_start3A_448 = tpu.memref_slice %arg3[%add3A_22, %dma_start3A_447] : memref<262144x128xf32, #tpu.memory_space<hbm>> -> memref<1x128xf32, #tpu.memory_space<hbm>>
    %dma_start3A_449 = arith.constant 97 : i32
    %dma_start3A_450 = arith.constant 0 : i32
    %dma_start3A_451 = tpu.memref_slice %arg2[%dma_start3A_449, %dma_start3A_450] : memref<128x128xf32, #tpu.memory_space<hbm>> -> memref<1x128xf32, #tpu.memory_space<hbm>>
    tpu.enqueue_dma source(%dma_start3A_451 : memref<1x128xf32, #tpu.memory_space<hbm>>) target(%dma_start3A_448 : memref<1x128xf32, #tpu.memory_space<hbm>>) target_semaphore(%arg6 : memref<!tpu.dma_semaphore, #tpu.memory_space<semaphore_mem>>)
    %dma_start3A_452 = arith.constant 0 : i32
    %dma_start3A_453 = tpu.memref_slice %arg3[%add3A_29, %dma_start3A_452] : memref<262144x128xf32, #tpu.memory_space<hbm>> -> memref<1x128xf32, #tpu.memory_space<hbm>>
    %dma_start3A_454 = arith.constant 2 : i32
    %dma_start3A_455 = arith.constant 0 : i32
    %dma_start3A_456 = tpu.memref_slice %arg2[%dma_start3A_454, %dma_start3A_455] : memref<128x128xf32, #tpu.memory_space<hbm>> -> memref<1x128xf32, #tpu.memory_space<hbm>>
    tpu.enqueue_dma source(%dma_start3A_456 : memref<1x128xf32, #tpu.memory_space<hbm>>) target(%dma_start3A_453 : memref<1x128xf32, #tpu.memory_space<hbm>>) target_semaphore(%arg6 : memref<!tpu.dma_semaphore, #tpu.memory_space<semaphore_mem>>)
    %dma_start3A_457 = arith.constant 0 : i32
    %dma_start3A_458 = tpu.memref_slice %arg3[%add3A_31, %dma_start3A_457] : memref<262144x128xf32, #tpu.memory_space<hbm>> -> memref<1x128xf32, #tpu.memory_space<hbm>>
    %dma_start3A_459 = arith.constant 34 : i32
    %dma_start3A_460 = arith.constant 0 : i32
    %dma_start3A_461 = tpu.memref_slice %arg2[%dma_start3A_459, %dma_start3A_460] : memref<128x128xf32, #tpu.memory_space<hbm>> -> memref<1x128xf32, #tpu.memory_space<hbm>>
    tpu.enqueue_dma source(%dma_start3A_461 : memref<1x128xf32, #tpu.memory_space<hbm>>) target(%dma_start3A_458 : memref<1x128xf32, #tpu.memory_space<hbm>>) target_semaphore(%arg6 : memref<!tpu.dma_semaphore, #tpu.memory_space<semaphore_mem>>)
    %dma_start3A_462 = arith.constant 0 : i32
    %dma_start3A_463 = tpu.memref_slice %arg3[%add3A_33, %dma_start3A_462] : memref<262144x128xf32, #tpu.memory_space<hbm>> -> memref<1x128xf32, #tpu.memory_space<hbm>>
    %dma_start3A_464 = arith.constant 66 : i32
    %dma_start3A_465 = arith.constant 0 : i32
    %dma_start3A_466 = tpu.memref_slice %arg2[%dma_start3A_464, %dma_start3A_465] : memref<128x128xf32, #tpu.memory_space<hbm>> -> memref<1x128xf32, #tpu.memory_space<hbm>>
    tpu.enqueue_dma source(%dma_start3A_466 : memref<1x128xf32, #tpu.memory_space<hbm>>) target(%dma_start3A_463 : memref<1x128xf32, #tpu.memory_space<hbm>>) target_semaphore(%arg6 : memref<!tpu.dma_semaphore, #tpu.memory_space<semaphore_mem>>)
    %dma_start3A_467 = arith.constant 0 : i32
    %dma_start3A_468 = tpu.memref_slice %arg3[%add3A_35, %dma_start3A_467] : memref<262144x128xf32, #tpu.memory_space<hbm>> -> memref<1x128xf32, #tpu.memory_space<hbm>>
    %dma_start3A_469 = arith.constant 98 : i32
    %dma_start3A_470 = arith.constant 0 : i32
    %dma_start3A_471 = tpu.memref_slice %arg2[%dma_start3A_469, %dma_start3A_470] : memref<128x128xf32, #tpu.memory_space<hbm>> -> memref<1x128xf32, #tpu.memory_space<hbm>>
    tpu.enqueue_dma source(%dma_start3A_471 : memref<1x128xf32, #tpu.memory_space<hbm>>) target(%dma_start3A_468 : memref<1x128xf32, #tpu.memory_space<hbm>>) target_semaphore(%arg6 : memref<!tpu.dma_semaphore, #tpu.memory_space<semaphore_mem>>)
    %dma_start3A_472 = arith.constant 0 : i32
    %dma_start3A_473 = tpu.memref_slice %arg3[%add3A_42, %dma_start3A_472] : memref<262144x128xf32, #tpu.memory_space<hbm>> -> memref<1x128xf32, #tpu.memory_space<hbm>>
    %dma_start3A_474 = arith.constant 3 : i32
    %dma_start3A_475 = arith.constant 0 : i32
    %dma_start3A_476 = tpu.memref_slice %arg2[%dma_start3A_474, %dma_start3A_475] : memref<128x128xf32, #tpu.memory_space<hbm>> -> memref<1x128xf32, #tpu.memory_space<hbm>>
    tpu.enqueue_dma source(%dma_start3A_476 : memref<1x128xf32, #tpu.memory_space<hbm>>) target(%dma_start3A_473 : memref<1x128xf32, #tpu.memory_space<hbm>>) target_semaphore(%arg6 : memref<!tpu.dma_semaphore, #tpu.memory_space<semaphore_mem>>)
    %dma_start3A_477 = arith.constant 0 : i32
    %dma_start3A_478 = tpu.memref_slice %arg3[%add3A_44, %dma_start3A_477] : memref<262144x128xf32, #tpu.memory_space<hbm>> -> memref<1x128xf32, #tpu.memory_space<hbm>>
    %dma_start3A_479 = arith.constant 35 : i32
    %dma_start3A_480 = arith.constant 0 : i32
    %dma_start3A_481 = tpu.memref_slice %arg2[%dma_start3A_479, %dma_start3A_480] : memref<128x128xf32, #tpu.memory_space<hbm>> -> memref<1x128xf32, #tpu.memory_space<hbm>>
    tpu.enqueue_dma source(%dma_start3A_481 : memref<1x128xf32, #tpu.memory_space<hbm>>) target(%dma_start3A_478 : memref<1x128xf32, #tpu.memory_space<hbm>>) target_semaphore(%arg6 : memref<!tpu.dma_semaphore, #tpu.memory_space<semaphore_mem>>)
    %dma_start3A_482 = arith.constant 0 : i32
    %dma_start3A_483 = tpu.memref_slice %arg3[%add3A_46, %dma_start3A_482] : memref<262144x128xf32, #tpu.memory_space<hbm>> -> memref<1x128xf32, #tpu.memory_space<hbm>>
    %dma_start3A_484 = arith.constant 67 : i32
    %dma_start3A_485 = arith.constant 0 : i32
    %dma_start3A_486 = tpu.memref_slice %arg2[%dma_start3A_484, %dma_start3A_485] : memref<128x128xf32, #tpu.memory_space<hbm>> -> memref<1x128xf32, #tpu.memory_space<hbm>>
    tpu.enqueue_dma source(%dma_start3A_486 : memref<1x128xf32, #tpu.memory_space<hbm>>) target(%dma_start3A_483 : memref<1x128xf32, #tpu.memory_space<hbm>>) target_semaphore(%arg6 : memref<!tpu.dma_semaphore, #tpu.memory_space<semaphore_mem>>)
    %dma_start3A_487 = arith.constant 0 : i32
    %dma_start3A_488 = tpu.memref_slice %arg3[%add3A_48, %dma_start3A_487] : memref<262144x128xf32, #tpu.memory_space<hbm>> -> memref<1x128xf32, #tpu.memory_space<hbm>>
    %dma_start3A_489 = arith.constant 99 : i32
    %dma_start3A_490 = arith.constant 0 : i32
    %dma_start3A_491 = tpu.memref_slice %arg2[%dma_start3A_489, %dma_start3A_490] : memref<128x128xf32, #tpu.memory_space<hbm>> -> memref<1x128xf32, #tpu.memory_space<hbm>>
    tpu.enqueue_dma source(%dma_start3A_491 : memref<1x128xf32, #tpu.memory_space<hbm>>) target(%dma_start3A_488 : memref<1x128xf32, #tpu.memory_space<hbm>>) target_semaphore(%arg6 : memref<!tpu.dma_semaphore, #tpu.memory_space<semaphore_mem>>)
    %dma_start3A_492 = arith.constant 0 : i32
    %dma_start3A_493 = tpu.memref_slice %arg3[%add3A_55, %dma_start3A_492] : memref<262144x128xf32, #tpu.memory_space<hbm>> -> memref<1x128xf32, #tpu.memory_space<hbm>>
    %dma_start3A_494 = arith.constant 4 : i32
    %dma_start3A_495 = arith.constant 0 : i32
    %dma_start3A_496 = tpu.memref_slice %arg2[%dma_start3A_494, %dma_start3A_495] : memref<128x128xf32, #tpu.memory_space<hbm>> -> memref<1x128xf32, #tpu.memory_space<hbm>>
    tpu.enqueue_dma source(%dma_start3A_496 : memref<1x128xf32, #tpu.memory_space<hbm>>) target(%dma_start3A_493 : memref<1x128xf32, #tpu.memory_space<hbm>>) target_semaphore(%arg6 : memref<!tpu.dma_semaphore, #tpu.memory_space<semaphore_mem>>)
    %dma_start3A_497 = arith.constant 0 : i32
    %dma_start3A_498 = tpu.memref_slice %arg3[%add3A_57, %dma_start3A_497] : memref<262144x128xf32, #tpu.memory_space<hbm>> -> memref<1x128xf32, #tpu.memory_space<hbm>>
    %dma_start3A_499 = arith.constant 36 : i32
    %dma_start3A_500 = arith.constant 0 : i32
    %dma_start3A_501 = tpu.memref_slice %arg2[%dma_start3A_499, %dma_start3A_500] : memref<128x128xf32, #tpu.memory_space<hbm>> -> memref<1x128xf32, #tpu.memory_space<hbm>>
    tpu.enqueue_dma source(%dma_start3A_501 : memref<1x128xf32, #tpu.memory_space<hbm>>) target(%dma_start3A_498 : memref<1x128xf32, #tpu.memory_space<hbm>>) target_semaphore(%arg6 : memref<!tpu.dma_semaphore, #tpu.memory_space<semaphore_mem>>)
    %dma_start3A_502 = arith.constant 0 : i32
    %dma_start3A_503 = tpu.memref_slice %arg3[%add3A_59, %dma_start3A_502] : memref<262144x128xf32, #tpu.memory_space<hbm>> -> memref<1x128xf32, #tpu.memory_space<hbm>>
    %dma_start3A_504 = arith.constant 68 : i32
    %dma_start3A_505 = arith.constant 0 : i32
    %dma_start3A_506 = tpu.memref_slice %arg2[%dma_start3A_504, %dma_start3A_505] : memref<128x128xf32, #tpu.memory_space<hbm>> -> memref<1x128xf32, #tpu.memory_space<hbm>>
    tpu.enqueue_dma source(%dma_start3A_506 : memref<1x128xf32, #tpu.memory_space<hbm>>) target(%dma_start3A_503 : memref<1x128xf32, #tpu.memory_space<hbm>>) target_semaphore(%arg6 : memref<!tpu.dma_semaphore, #tpu.memory_space<semaphore_mem>>)
    %dma_start3A_507 = arith.constant 0 : i32
    %dma_start3A_508 = tpu.memref_slice %arg3[%add3A_61, %dma_start3A_507] : memref<262144x128xf32, #tpu.memory_space<hbm>> -> memref<1x128xf32, #tpu.memory_space<hbm>>
    %dma_start3A_509 = arith.constant 100 : i32
    %dma_start3A_510 = arith.constant 0 : i32
    %dma_start3A_511 = tpu.memref_slice %arg2[%dma_start3A_509, %dma_start3A_510] : memref<128x128xf32, #tpu.memory_space<hbm>> -> memref<1x128xf32, #tpu.memory_space<hbm>>
    tpu.enqueue_dma source(%dma_start3A_511 : memref<1x128xf32, #tpu.memory_space<hbm>>) target(%dma_start3A_508 : memref<1x128xf32, #tpu.memory_space<hbm>>) target_semaphore(%arg6 : memref<!tpu.dma_semaphore, #tpu.memory_space<semaphore_mem>>)
    %dma_start3A_512 = arith.constant 0 : i32
    %dma_start3A_513 = tpu.memref_slice %arg3[%add3A_68, %dma_start3A_512] : memref<262144x128xf32, #tpu.memory_space<hbm>> -> memref<1x128xf32, #tpu.memory_space<hbm>>
    %dma_start3A_514 = arith.constant 5 : i32
    %dma_start3A_515 = arith.constant 0 : i32
    %dma_start3A_516 = tpu.memref_slice %arg2[%dma_start3A_514, %dma_start3A_515] : memref<128x128xf32, #tpu.memory_space<hbm>> -> memref<1x128xf32, #tpu.memory_space<hbm>>
    tpu.enqueue_dma source(%dma_start3A_516 : memref<1x128xf32, #tpu.memory_space<hbm>>) target(%dma_start3A_513 : memref<1x128xf32, #tpu.memory_space<hbm>>) target_semaphore(%arg6 : memref<!tpu.dma_semaphore, #tpu.memory_space<semaphore_mem>>)
    %dma_start3A_517 = arith.constant 0 : i32
    %dma_start3A_518 = tpu.memref_slice %arg3[%add3A_70, %dma_start3A_517] : memref<262144x128xf32, #tpu.memory_space<hbm>> -> memref<1x128xf32, #tpu.memory_space<hbm>>
    %dma_start3A_519 = arith.constant 37 : i32
    %dma_start3A_520 = arith.constant 0 : i32
    %dma_start3A_521 = tpu.memref_slice %arg2[%dma_start3A_519, %dma_start3A_520] : memref<128x128xf32, #tpu.memory_space<hbm>> -> memref<1x128xf32, #tpu.memory_space<hbm>>
    tpu.enqueue_dma source(%dma_start3A_521 : memref<1x128xf32, #tpu.memory_space<hbm>>) target(%dma_start3A_518 : memref<1x128xf32, #tpu.memory_space<hbm>>) target_semaphore(%arg6 : memref<!tpu.dma_semaphore, #tpu.memory_space<semaphore_mem>>)
    %dma_start3A_522 = arith.constant 0 : i32
    %dma_start3A_523 = tpu.memref_slice %arg3[%add3A_72, %dma_start3A_522] : memref<262144x128xf32, #tpu.memory_space<hbm>> -> memref<1x128xf32, #tpu.memory_space<hbm>>
    %dma_start3A_524 = arith.constant 69 : i32
    %dma_start3A_525 = arith.constant 0 : i32
    %dma_start3A_526 = tpu.memref_slice %arg2[%dma_start3A_524, %dma_start3A_525] : memref<128x128xf32, #tpu.memory_space<hbm>> -> memref<1x128xf32, #tpu.memory_space<hbm>>
    tpu.enqueue_dma source(%dma_start3A_526 : memref<1x128xf32, #tpu.memory_space<hbm>>) target(%dma_start3A_523 : memref<1x128xf32, #tpu.memory_space<hbm>>) target_semaphore(%arg6 : memref<!tpu.dma_semaphore, #tpu.memory_space<semaphore_mem>>)
    %dma_start3A_527 = arith.constant 0 : i32
    %dma_start3A_528 = tpu.memref_slice %arg3[%add3A_74, %dma_start3A_527] : memref<262144x128xf32, #tpu.memory_space<hbm>> -> memref<1x128xf32, #tpu.memory_space<hbm>>
    %dma_start3A_529 = arith.constant 101 : i32
    %dma_start3A_530 = arith.constant 0 : i32
    %dma_start3A_531 = tpu.memref_slice %arg2[%dma_start3A_529, %dma_start3A_530] : memref<128x128xf32, #tpu.memory_space<hbm>> -> memref<1x128xf32, #tpu.memory_space<hbm>>
    tpu.enqueue_dma source(%dma_start3A_531 : memref<1x128xf32, #tpu.memory_space<hbm>>) target(%dma_start3A_528 : memref<1x128xf32, #tpu.memory_space<hbm>>) target_semaphore(%arg6 : memref<!tpu.dma_semaphore, #tpu.memory_space<semaphore_mem>>)
    %dma_start3A_532 = arith.constant 0 : i32
    %dma_start3A_533 = tpu.memref_slice %arg3[%add3A_81, %dma_start3A_532] : memref<262144x128xf32, #tpu.memory_space<hbm>> -> memref<1x128xf32, #tpu.memory_space<hbm>>
    %dma_start3A_534 = arith.constant 6 : i32
    %dma_start3A_535 = arith.constant 0 : i32
    %dma_start3A_536 = tpu.memref_slice %arg2[%dma_start3A_534, %dma_start3A_535] : memref<128x128xf32, #tpu.memory_space<hbm>> -> memref<1x128xf32, #tpu.memory_space<hbm>>
    tpu.enqueue_dma source(%dma_start3A_536 : memref<1x128xf32, #tpu.memory_space<hbm>>) target(%dma_start3A_533 : memref<1x128xf32, #tpu.memory_space<hbm>>) target_semaphore(%arg6 : memref<!tpu.dma_semaphore, #tpu.memory_space<semaphore_mem>>)
    %dma_start3A_537 = arith.constant 0 : i32
    %dma_start3A_538 = tpu.memref_slice %arg3[%add3A_83, %dma_start3A_537] : memref<262144x128xf32, #tpu.memory_space<hbm>> -> memref<1x128xf32, #tpu.memory_space<hbm>>
    %dma_start3A_539 = arith.constant 38 : i32
    %dma_start3A_540 = arith.constant 0 : i32
    %dma_start3A_541 = tpu.memref_slice %arg2[%dma_start3A_539, %dma_start3A_540] : memref<128x128xf32, #tpu.memory_space<hbm>> -> memref<1x128xf32, #tpu.memory_space<hbm>>
    tpu.enqueue_dma source(%dma_start3A_541 : memref<1x128xf32, #tpu.memory_space<hbm>>) target(%dma_start3A_538 : memref<1x128xf32, #tpu.memory_space<hbm>>) target_semaphore(%arg6 : memref<!tpu.dma_semaphore, #tpu.memory_space<semaphore_mem>>)
    %dma_start3A_542 = arith.constant 0 : i32
    %dma_start3A_543 = tpu.memref_slice %arg3[%add3A_85, %dma_start3A_542] : memref<262144x128xf32, #tpu.memory_space<hbm>> -> memref<1x128xf32, #tpu.memory_space<hbm>>
    %dma_start3A_544 = arith.constant 70 : i32
    %dma_start3A_545 = arith.constant 0 : i32
    %dma_start3A_546 = tpu.memref_slice %arg2[%dma_start3A_544, %dma_start3A_545] : memref<128x128xf32, #tpu.memory_space<hbm>> -> memref<1x128xf32, #tpu.memory_space<hbm>>
    tpu.enqueue_dma source(%dma_start3A_546 : memref<1x128xf32, #tpu.memory_space<hbm>>) target(%dma_start3A_543 : memref<1x128xf32, #tpu.memory_space<hbm>>) target_semaphore(%arg6 : memref<!tpu.dma_semaphore, #tpu.memory_space<semaphore_mem>>)
    %dma_start3A_547 = arith.constant 0 : i32
    %dma_start3A_548 = tpu.memref_slice %arg3[%add3A_87, %dma_start3A_547] : memref<262144x128xf32, #tpu.memory_space<hbm>> -> memref<1x128xf32, #tpu.memory_space<hbm>>
    %dma_start3A_549 = arith.constant 102 : i32
    %dma_start3A_550 = arith.constant 0 : i32
    %dma_start3A_551 = tpu.memref_slice %arg2[%dma_start3A_549, %dma_start3A_550] : memref<128x128xf32, #tpu.memory_space<hbm>> -> memref<1x128xf32, #tpu.memory_space<hbm>>
    tpu.enqueue_dma source(%dma_start3A_551 : memref<1x128xf32, #tpu.memory_space<hbm>>) target(%dma_start3A_548 : memref<1x128xf32, #tpu.memory_space<hbm>>) target_semaphore(%arg6 : memref<!tpu.dma_semaphore, #tpu.memory_space<semaphore_mem>>)
    %dma_start3A_552 = arith.constant 0 : i32
    %dma_start3A_553 = tpu.memref_slice %arg3[%add3A_94, %dma_start3A_552] : memref<262144x128xf32, #tpu.memory_space<hbm>> -> memref<1x128xf32, #tpu.memory_space<hbm>>
    %dma_start3A_554 = arith.constant 7 : i32
    %dma_start3A_555 = arith.constant 0 : i32
    %dma_start3A_556 = tpu.memref_slice %arg2[%dma_start3A_554, %dma_start3A_555] : memref<128x128xf32, #tpu.memory_space<hbm>> -> memref<1x128xf32, #tpu.memory_space<hbm>>
    tpu.enqueue_dma source(%dma_start3A_556 : memref<1x128xf32, #tpu.memory_space<hbm>>) target(%dma_start3A_553 : memref<1x128xf32, #tpu.memory_space<hbm>>) target_semaphore(%arg6 : memref<!tpu.dma_semaphore, #tpu.memory_space<semaphore_mem>>)
    %dma_start3A_557 = arith.constant 0 : i32
    %dma_start3A_558 = tpu.memref_slice %arg3[%add3A_96, %dma_start3A_557] : memref<262144x128xf32, #tpu.memory_space<hbm>> -> memref<1x128xf32, #tpu.memory_space<hbm>>
    %dma_start3A_559 = arith.constant 39 : i32
    %dma_start3A_560 = arith.constant 0 : i32
    %dma_start3A_561 = tpu.memref_slice %arg2[%dma_start3A_559, %dma_start3A_560] : memref<128x128xf32, #tpu.memory_space<hbm>> -> memref<1x128xf32, #tpu.memory_space<hbm>>
    tpu.enqueue_dma source(%dma_start3A_561 : memref<1x128xf32, #tpu.memory_space<hbm>>) target(%dma_start3A_558 : memref<1x128xf32, #tpu.memory_space<hbm>>) target_semaphore(%arg6 : memref<!tpu.dma_semaphore, #tpu.memory_space<semaphore_mem>>)
    %dma_start3A_562 = arith.constant 0 : i32
    %dma_start3A_563 = tpu.memref_slice %arg3[%add3A_98, %dma_start3A_562] : memref<262144x128xf32, #tpu.memory_space<hbm>> -> memref<1x128xf32, #tpu.memory_space<hbm>>
    %dma_start3A_564 = arith.constant 71 : i32
    %dma_start3A_565 = arith.constant 0 : i32
    %dma_start3A_566 = tpu.memref_slice %arg2[%dma_start3A_564, %dma_start3A_565] : memref<128x128xf32, #tpu.memory_space<hbm>> -> memref<1x128xf32, #tpu.memory_space<hbm>>
    tpu.enqueue_dma source(%dma_start3A_566 : memref<1x128xf32, #tpu.memory_space<hbm>>) target(%dma_start3A_563 : memref<1x128xf32, #tpu.memory_space<hbm>>) target_semaphore(%arg6 : memref<!tpu.dma_semaphore, #tpu.memory_space<semaphore_mem>>)
    %dma_start3A_567 = arith.constant 0 : i32
    %dma_start3A_568 = tpu.memref_slice %arg3[%add3A_100, %dma_start3A_567] : memref<262144x128xf32, #tpu.memory_space<hbm>> -> memref<1x128xf32, #tpu.memory_space<hbm>>
    %dma_start3A_569 = arith.constant 103 : i32
    %dma_start3A_570 = arith.constant 0 : i32
    %dma_start3A_571 = tpu.memref_slice %arg2[%dma_start3A_569, %dma_start3A_570] : memref<128x128xf32, #tpu.memory_space<hbm>> -> memref<1x128xf32, #tpu.memory_space<hbm>>
    tpu.enqueue_dma source(%dma_start3A_571 : memref<1x128xf32, #tpu.memory_space<hbm>>) target(%dma_start3A_568 : memref<1x128xf32, #tpu.memory_space<hbm>>) target_semaphore(%arg6 : memref<!tpu.dma_semaphore, #tpu.memory_space<semaphore_mem>>)
    %dma_start3A_572 = arith.constant 0 : i32
    %dma_start3A_573 = tpu.memref_slice %arg3[%add3A_107, %dma_start3A_572] : memref<262144x128xf32, #tpu.memory_space<hbm>> -> memref<1x128xf32, #tpu.memory_space<hbm>>
    %dma_start3A_574 = arith.constant 8 : i32
    %dma_start3A_575 = arith.constant 0 : i32
    %dma_start3A_576 = tpu.memref_slice %arg2[%dma_start3A_574, %dma_start3A_575] : memref<128x128xf32, #tpu.memory_space<hbm>> -> memref<1x128xf32, #tpu.memory_space<hbm>>
    tpu.enqueue_dma source(%dma_start3A_576 : memref<1x128xf32, #tpu.memory_space<hbm>>) target(%dma_start3A_573 : memref<1x128xf32, #tpu.memory_space<hbm>>) target_semaphore(%arg6 : memref<!tpu.dma_semaphore, #tpu.memory_space<semaphore_mem>>)
    %dma_start3A_577 = arith.constant 0 : i32
    %dma_start3A_578 = tpu.memref_slice %arg3[%add3A_109, %dma_start3A_577] : memref<262144x128xf32, #tpu.memory_space<hbm>> -> memref<1x128xf32, #tpu.memory_space<hbm>>
    %dma_start3A_579 = arith.constant 40 : i32
    %dma_start3A_580 = arith.constant 0 : i32
    %dma_start3A_581 = tpu.memref_slice %arg2[%dma_start3A_579, %dma_start3A_580] : memref<128x128xf32, #tpu.memory_space<hbm>> -> memref<1x128xf32, #tpu.memory_space<hbm>>
    tpu.enqueue_dma source(%dma_start3A_581 : memref<1x128xf32, #tpu.memory_space<hbm>>) target(%dma_start3A_578 : memref<1x128xf32, #tpu.memory_space<hbm>>) target_semaphore(%arg6 : memref<!tpu.dma_semaphore, #tpu.memory_space<semaphore_mem>>)
    %dma_start3A_582 = arith.constant 0 : i32
    %dma_start3A_583 = tpu.memref_slice %arg3[%add3A_111, %dma_start3A_582] : memref<262144x128xf32, #tpu.memory_space<hbm>> -> memref<1x128xf32, #tpu.memory_space<hbm>>
    %dma_start3A_584 = arith.constant 72 : i32
    %dma_start3A_585 = arith.constant 0 : i32
    %dma_start3A_586 = tpu.memref_slice %arg2[%dma_start3A_584, %dma_start3A_585] : memref<128x128xf32, #tpu.memory_space<hbm>> -> memref<1x128xf32, #tpu.memory_space<hbm>>
    tpu.enqueue_dma source(%dma_start3A_586 : memref<1x128xf32, #tpu.memory_space<hbm>>) target(%dma_start3A_583 : memref<1x128xf32, #tpu.memory_space<hbm>>) target_semaphore(%arg6 : memref<!tpu.dma_semaphore, #tpu.memory_space<semaphore_mem>>)
    %dma_start3A_587 = arith.constant 0 : i32
    %dma_start3A_588 = tpu.memref_slice %arg3[%add3A_113, %dma_start3A_587] : memref<262144x128xf32, #tpu.memory_space<hbm>> -> memref<1x128xf32, #tpu.memory_space<hbm>>
    %dma_start3A_589 = arith.constant 104 : i32
    %dma_start3A_590 = arith.constant 0 : i32
    %dma_start3A_591 = tpu.memref_slice %arg2[%dma_start3A_589, %dma_start3A_590] : memref<128x128xf32, #tpu.memory_space<hbm>> -> memref<1x128xf32, #tpu.memory_space<hbm>>
    tpu.enqueue_dma source(%dma_start3A_591 : memref<1x128xf32, #tpu.memory_space<hbm>>) target(%dma_start3A_588 : memref<1x128xf32, #tpu.memory_space<hbm>>) target_semaphore(%arg6 : memref<!tpu.dma_semaphore, #tpu.memory_space<semaphore_mem>>)
    %dma_start3A_592 = arith.constant 0 : i32
    %dma_start3A_593 = tpu.memref_slice %arg3[%add3A_120, %dma_start3A_592] : memref<262144x128xf32, #tpu.memory_space<hbm>> -> memref<1x128xf32, #tpu.memory_space<hbm>>
    %dma_start3A_594 = arith.constant 9 : i32
    %dma_start3A_595 = arith.constant 0 : i32
    %dma_start3A_596 = tpu.memref_slice %arg2[%dma_start3A_594, %dma_start3A_595] : memref<128x128xf32, #tpu.memory_space<hbm>> -> memref<1x128xf32, #tpu.memory_space<hbm>>
    tpu.enqueue_dma source(%dma_start3A_596 : memref<1x128xf32, #tpu.memory_space<hbm>>) target(%dma_start3A_593 : memref<1x128xf32, #tpu.memory_space<hbm>>) target_semaphore(%arg6 : memref<!tpu.dma_semaphore, #tpu.memory_space<semaphore_mem>>)
    %dma_start3A_597 = arith.constant 0 : i32
    %dma_start3A_598 = tpu.memref_slice %arg3[%add3A_122, %dma_start3A_597] : memref<262144x128xf32, #tpu.memory_space<hbm>> -> memref<1x128xf32, #tpu.memory_space<hbm>>
    %dma_start3A_599 = arith.constant 41 : i32
    %dma_start3A_600 = arith.constant 0 : i32
    %dma_start3A_601 = tpu.memref_slice %arg2[%dma_start3A_599, %dma_start3A_600] : memref<128x128xf32, #tpu.memory_space<hbm>> -> memref<1x128xf32, #tpu.memory_space<hbm>>
    tpu.enqueue_dma source(%dma_start3A_601 : memref<1x128xf32, #tpu.memory_space<hbm>>) target(%dma_start3A_598 : memref<1x128xf32, #tpu.memory_space<hbm>>) target_semaphore(%arg6 : memref<!tpu.dma_semaphore, #tpu.memory_space<semaphore_mem>>)
    %dma_start3A_602 = arith.constant 0 : i32
    %dma_start3A_603 = tpu.memref_slice %arg3[%add3A_124, %dma_start3A_602] : memref<262144x128xf32, #tpu.memory_space<hbm>> -> memref<1x128xf32, #tpu.memory_space<hbm>>
    %dma_start3A_604 = arith.constant 73 : i32
    %dma_start3A_605 = arith.constant 0 : i32
    %dma_start3A_606 = tpu.memref_slice %arg2[%dma_start3A_604, %dma_start3A_605] : memref<128x128xf32, #tpu.memory_space<hbm>> -> memref<1x128xf32, #tpu.memory_space<hbm>>
    tpu.enqueue_dma source(%dma_start3A_606 : memref<1x128xf32, #tpu.memory_space<hbm>>) target(%dma_start3A_603 : memref<1x128xf32, #tpu.memory_space<hbm>>) target_semaphore(%arg6 : memref<!tpu.dma_semaphore, #tpu.memory_space<semaphore_mem>>)
    %dma_start3A_607 = arith.constant 0 : i32
    %dma_start3A_608 = tpu.memref_slice %arg3[%add3A_126, %dma_start3A_607] : memref<262144x128xf32, #tpu.memory_space<hbm>> -> memref<1x128xf32, #tpu.memory_space<hbm>>
    %dma_start3A_609 = arith.constant 105 : i32
    %dma_start3A_610 = arith.constant 0 : i32
    %dma_start3A_611 = tpu.memref_slice %arg2[%dma_start3A_609, %dma_start3A_610] : memref<128x128xf32, #tpu.memory_space<hbm>> -> memref<1x128xf32, #tpu.memory_space<hbm>>
    tpu.enqueue_dma source(%dma_start3A_611 : memref<1x128xf32, #tpu.memory_space<hbm>>) target(%dma_start3A_608 : memref<1x128xf32, #tpu.memory_space<hbm>>) target_semaphore(%arg6 : memref<!tpu.dma_semaphore, #tpu.memory_space<semaphore_mem>>)
    %dma_start3A_612 = arith.constant 0 : i32
    %dma_start3A_613 = tpu.memref_slice %arg3[%add3A_133, %dma_start3A_612] : memref<262144x128xf32, #tpu.memory_space<hbm>> -> memref<1x128xf32, #tpu.memory_space<hbm>>
    %dma_start3A_614 = arith.constant 10 : i32
    %dma_start3A_615 = arith.constant 0 : i32
    %dma_start3A_616 = tpu.memref_slice %arg2[%dma_start3A_614, %dma_start3A_615] : memref<128x128xf32, #tpu.memory_space<hbm>> -> memref<1x128xf32, #tpu.memory_space<hbm>>
    tpu.enqueue_dma source(%dma_start3A_616 : memref<1x128xf32, #tpu.memory_space<hbm>>) target(%dma_start3A_613 : memref<1x128xf32, #tpu.memory_space<hbm>>) target_semaphore(%arg6 : memref<!tpu.dma_semaphore, #tpu.memory_space<semaphore_mem>>)
    %dma_start3A_617 = arith.constant 0 : i32
    %dma_start3A_618 = tpu.memref_slice %arg3[%add3A_135, %dma_start3A_617] : memref<262144x128xf32, #tpu.memory_space<hbm>> -> memref<1x128xf32, #tpu.memory_space<hbm>>
    %dma_start3A_619 = arith.constant 42 : i32
    %dma_start3A_620 = arith.constant 0 : i32
    %dma_start3A_621 = tpu.memref_slice %arg2[%dma_start3A_619, %dma_start3A_620] : memref<128x128xf32, #tpu.memory_space<hbm>> -> memref<1x128xf32, #tpu.memory_space<hbm>>
    tpu.enqueue_dma source(%dma_start3A_621 : memref<1x128xf32, #tpu.memory_space<hbm>>) target(%dma_start3A_618 : memref<1x128xf32, #tpu.memory_space<hbm>>) target_semaphore(%arg6 : memref<!tpu.dma_semaphore, #tpu.memory_space<semaphore_mem>>)
    %dma_start3A_622 = arith.constant 0 : i32
    %dma_start3A_623 = tpu.memref_slice %arg3[%add3A_137, %dma_start3A_622] : memref<262144x128xf32, #tpu.memory_space<hbm>> -> memref<1x128xf32, #tpu.memory_space<hbm>>
    %dma_start3A_624 = arith.constant 74 : i32
    %dma_start3A_625 = arith.constant 0 : i32
    %dma_start3A_626 = tpu.memref_slice %arg2[%dma_start3A_624, %dma_start3A_625] : memref<128x128xf32, #tpu.memory_space<hbm>> -> memref<1x128xf32, #tpu.memory_space<hbm>>
    tpu.enqueue_dma source(%dma_start3A_626 : memref<1x128xf32, #tpu.memory_space<hbm>>) target(%dma_start3A_623 : memref<1x128xf32, #tpu.memory_space<hbm>>) target_semaphore(%arg6 : memref<!tpu.dma_semaphore, #tpu.memory_space<semaphore_mem>>)
    %dma_start3A_627 = arith.constant 0 : i32
    %dma_start3A_628 = tpu.memref_slice %arg3[%add3A_139, %dma_start3A_627] : memref<262144x128xf32, #tpu.memory_space<hbm>> -> memref<1x128xf32, #tpu.memory_space<hbm>>
    %dma_start3A_629 = arith.constant 106 : i32
    %dma_start3A_630 = arith.constant 0 : i32
    %dma_start3A_631 = tpu.memref_slice %arg2[%dma_start3A_629, %dma_start3A_630] : memref<128x128xf32, #tpu.memory_space<hbm>> -> memref<1x128xf32, #tpu.memory_space<hbm>>
    tpu.enqueue_dma source(%dma_start3A_631 : memref<1x128xf32, #tpu.memory_space<hbm>>) target(%dma_start3A_628 : memref<1x128xf32, #tpu.memory_space<hbm>>) target_semaphore(%arg6 : memref<!tpu.dma_semaphore, #tpu.memory_space<semaphore_mem>>)
    %dma_start3A_632 = arith.constant 0 : i32
    %dma_start3A_633 = tpu.memref_slice %arg3[%add3A_146, %dma_start3A_632] : memref<262144x128xf32, #tpu.memory_space<hbm>> -> memref<1x128xf32, #tpu.memory_space<hbm>>
    %dma_start3A_634 = arith.constant 11 : i32
    %dma_start3A_635 = arith.constant 0 : i32
    %dma_start3A_636 = tpu.memref_slice %arg2[%dma_start3A_634, %dma_start3A_635] : memref<128x128xf32, #tpu.memory_space<hbm>> -> memref<1x128xf32, #tpu.memory_space<hbm>>
    tpu.enqueue_dma source(%dma_start3A_636 : memref<1x128xf32, #tpu.memory_space<hbm>>) target(%dma_start3A_633 : memref<1x128xf32, #tpu.memory_space<hbm>>) target_semaphore(%arg6 : memref<!tpu.dma_semaphore, #tpu.memory_space<semaphore_mem>>)
    %dma_start3A_637 = arith.constant 0 : i32
    %dma_start3A_638 = tpu.memref_slice %arg3[%add3A_148, %dma_start3A_637] : memref<262144x128xf32, #tpu.memory_space<hbm>> -> memref<1x128xf32, #tpu.memory_space<hbm>>
    %dma_start3A_639 = arith.constant 43 : i32
    %dma_start3A_640 = arith.constant 0 : i32
    %dma_start3A_641 = tpu.memref_slice %arg2[%dma_start3A_639, %dma_start3A_640] : memref<128x128xf32, #tpu.memory_space<hbm>> -> memref<1x128xf32, #tpu.memory_space<hbm>>
    tpu.enqueue_dma source(%dma_start3A_641 : memref<1x128xf32, #tpu.memory_space<hbm>>) target(%dma_start3A_638 : memref<1x128xf32, #tpu.memory_space<hbm>>) target_semaphore(%arg6 : memref<!tpu.dma_semaphore, #tpu.memory_space<semaphore_mem>>)
    %dma_start3A_642 = arith.constant 0 : i32
    %dma_start3A_643 = tpu.memref_slice %arg3[%add3A_150, %dma_start3A_642] : memref<262144x128xf32, #tpu.memory_space<hbm>> -> memref<1x128xf32, #tpu.memory_space<hbm>>
    %dma_start3A_644 = arith.constant 75 : i32
    %dma_start3A_645 = arith.constant 0 : i32
    %dma_start3A_646 = tpu.memref_slice %arg2[%dma_start3A_644, %dma_start3A_645] : memref<128x128xf32, #tpu.memory_space<hbm>> -> memref<1x128xf32, #tpu.memory_space<hbm>>
    tpu.enqueue_dma source(%dma_start3A_646 : memref<1x128xf32, #tpu.memory_space<hbm>>) target(%dma_start3A_643 : memref<1x128xf32, #tpu.memory_space<hbm>>) target_semaphore(%arg6 : memref<!tpu.dma_semaphore, #tpu.memory_space<semaphore_mem>>)
    %dma_start3A_647 = arith.constant 0 : i32
    %dma_start3A_648 = tpu.memref_slice %arg3[%add3A_152, %dma_start3A_647] : memref<262144x128xf32, #tpu.memory_space<hbm>> -> memref<1x128xf32, #tpu.memory_space<hbm>>
    %dma_start3A_649 = arith.constant 107 : i32
    %dma_start3A_650 = arith.constant 0 : i32
    %dma_start3A_651 = tpu.memref_slice %arg2[%dma_start3A_649, %dma_start3A_650] : memref<128x128xf32, #tpu.memory_space<hbm>> -> memref<1x128xf32, #tpu.memory_space<hbm>>
    tpu.enqueue_dma source(%dma_start3A_651 : memref<1x128xf32, #tpu.memory_space<hbm>>) target(%dma_start3A_648 : memref<1x128xf32, #tpu.memory_space<hbm>>) target_semaphore(%arg6 : memref<!tpu.dma_semaphore, #tpu.memory_space<semaphore_mem>>)
    %dma_start3A_652 = arith.constant 0 : i32
    %dma_start3A_653 = tpu.memref_slice %arg3[%add3A_159, %dma_start3A_652] : memref<262144x128xf32, #tpu.memory_space<hbm>> -> memref<1x128xf32, #tpu.memory_space<hbm>>
    %dma_start3A_654 = arith.constant 12 : i32
    %dma_start3A_655 = arith.constant 0 : i32
    %dma_start3A_656 = tpu.memref_slice %arg2[%dma_start3A_654, %dma_start3A_655] : memref<128x128xf32, #tpu.memory_space<hbm>> -> memref<1x128xf32, #tpu.memory_space<hbm>>
    tpu.enqueue_dma source(%dma_start3A_656 : memref<1x128xf32, #tpu.memory_space<hbm>>) target(%dma_start3A_653 : memref<1x128xf32, #tpu.memory_space<hbm>>) target_semaphore(%arg6 : memref<!tpu.dma_semaphore, #tpu.memory_space<semaphore_mem>>)
    %dma_start3A_657 = arith.constant 0 : i32
    %dma_start3A_658 = tpu.memref_slice %arg3[%add3A_161, %dma_start3A_657] : memref<262144x128xf32, #tpu.memory_space<hbm>> -> memref<1x128xf32, #tpu.memory_space<hbm>>
    %dma_start3A_659 = arith.constant 44 : i32
    %dma_start3A_660 = arith.constant 0 : i32
    %dma_start3A_661 = tpu.memref_slice %arg2[%dma_start3A_659, %dma_start3A_660] : memref<128x128xf32, #tpu.memory_space<hbm>> -> memref<1x128xf32, #tpu.memory_space<hbm>>
    tpu.enqueue_dma source(%dma_start3A_661 : memref<1x128xf32, #tpu.memory_space<hbm>>) target(%dma_start3A_658 : memref<1x128xf32, #tpu.memory_space<hbm>>) target_semaphore(%arg6 : memref<!tpu.dma_semaphore, #tpu.memory_space<semaphore_mem>>)
    %dma_start3A_662 = arith.constant 0 : i32
    %dma_start3A_663 = tpu.memref_slice %arg3[%add3A_163, %dma_start3A_662] : memref<262144x128xf32, #tpu.memory_space<hbm>> -> memref<1x128xf32, #tpu.memory_space<hbm>>
    %dma_start3A_664 = arith.constant 76 : i32
    %dma_start3A_665 = arith.constant 0 : i32
    %dma_start3A_666 = tpu.memref_slice %arg2[%dma_start3A_664, %dma_start3A_665] : memref<128x128xf32, #tpu.memory_space<hbm>> -> memref<1x128xf32, #tpu.memory_space<hbm>>
    tpu.enqueue_dma source(%dma_start3A_666 : memref<1x128xf32, #tpu.memory_space<hbm>>) target(%dma_start3A_663 : memref<1x128xf32, #tpu.memory_space<hbm>>) target_semaphore(%arg6 : memref<!tpu.dma_semaphore, #tpu.memory_space<semaphore_mem>>)
    %dma_start3A_667 = arith.constant 0 : i32
    %dma_start3A_668 = tpu.memref_slice %arg3[%add3A_165, %dma_start3A_667] : memref<262144x128xf32, #tpu.memory_space<hbm>> -> memref<1x128xf32, #tpu.memory_space<hbm>>
    %dma_start3A_669 = arith.constant 108 : i32
    %dma_start3A_670 = arith.constant 0 : i32
    %dma_start3A_671 = tpu.memref_slice %arg2[%dma_start3A_669, %dma_start3A_670] : memref<128x128xf32, #tpu.memory_space<hbm>> -> memref<1x128xf32, #tpu.memory_space<hbm>>
    tpu.enqueue_dma source(%dma_start3A_671 : memref<1x128xf32, #tpu.memory_space<hbm>>) target(%dma_start3A_668 : memref<1x128xf32, #tpu.memory_space<hbm>>) target_semaphore(%arg6 : memref<!tpu.dma_semaphore, #tpu.memory_space<semaphore_mem>>)
    %dma_start3A_672 = arith.constant 0 : i32
    %dma_start3A_673 = tpu.memref_slice %arg3[%add3A_172, %dma_start3A_672] : memref<262144x128xf32, #tpu.memory_space<hbm>> -> memref<1x128xf32, #tpu.memory_space<hbm>>
    %dma_start3A_674 = arith.constant 13 : i32
    %dma_start3A_675 = arith.constant 0 : i32
    %dma_start3A_676 = tpu.memref_slice %arg2[%dma_start3A_674, %dma_start3A_675] : memref<128x128xf32, #tpu.memory_space<hbm>> -> memref<1x128xf32, #tpu.memory_space<hbm>>
    tpu.enqueue_dma source(%dma_start3A_676 : memref<1x128xf32, #tpu.memory_space<hbm>>) target(%dma_start3A_673 : memref<1x128xf32, #tpu.memory_space<hbm>>) target_semaphore(%arg6 : memref<!tpu.dma_semaphore, #tpu.memory_space<semaphore_mem>>)
    %dma_start3A_677 = arith.constant 0 : i32
    %dma_start3A_678 = tpu.memref_slice %arg3[%add3A_174, %dma_start3A_677] : memref<262144x128xf32, #tpu.memory_space<hbm>> -> memref<1x128xf32, #tpu.memory_space<hbm>>
    %dma_start3A_679 = arith.constant 45 : i32
    %dma_start3A_680 = arith.constant 0 : i32
    %dma_start3A_681 = tpu.memref_slice %arg2[%dma_start3A_679, %dma_start3A_680] : memref<128x128xf32, #tpu.memory_space<hbm>> -> memref<1x128xf32, #tpu.memory_space<hbm>>
    tpu.enqueue_dma source(%dma_start3A_681 : memref<1x128xf32, #tpu.memory_space<hbm>>) target(%dma_start3A_678 : memref<1x128xf32, #tpu.memory_space<hbm>>) target_semaphore(%arg6 : memref<!tpu.dma_semaphore, #tpu.memory_space<semaphore_mem>>)
    %dma_start3A_682 = arith.constant 0 : i32
    %dma_start3A_683 = tpu.memref_slice %arg3[%add3A_176, %dma_start3A_682] : memref<262144x128xf32, #tpu.memory_space<hbm>> -> memref<1x128xf32, #tpu.memory_space<hbm>>
    %dma_start3A_684 = arith.constant 77 : i32
    %dma_start3A_685 = arith.constant 0 : i32
    %dma_start3A_686 = tpu.memref_slice %arg2[%dma_start3A_684, %dma_start3A_685] : memref<128x128xf32, #tpu.memory_space<hbm>> -> memref<1x128xf32, #tpu.memory_space<hbm>>
    tpu.enqueue_dma source(%dma_start3A_686 : memref<1x128xf32, #tpu.memory_space<hbm>>) target(%dma_start3A_683 : memref<1x128xf32, #tpu.memory_space<hbm>>) target_semaphore(%arg6 : memref<!tpu.dma_semaphore, #tpu.memory_space<semaphore_mem>>)
    %dma_start3A_687 = arith.constant 0 : i32
    %dma_start3A_688 = tpu.memref_slice %arg3[%add3A_178, %dma_start3A_687] : memref<262144x128xf32, #tpu.memory_space<hbm>> -> memref<1x128xf32, #tpu.memory_space<hbm>>
    %dma_start3A_689 = arith.constant 109 : i32
    %dma_start3A_690 = arith.constant 0 : i32
    %dma_start3A_691 = tpu.memref_slice %arg2[%dma_start3A_689, %dma_start3A_690] : memref<128x128xf32, #tpu.memory_space<hbm>> -> memref<1x128xf32, #tpu.memory_space<hbm>>
    tpu.enqueue_dma source(%dma_start3A_691 : memref<1x128xf32, #tpu.memory_space<hbm>>) target(%dma_start3A_688 : memref<1x128xf32, #tpu.memory_space<hbm>>) target_semaphore(%arg6 : memref<!tpu.dma_semaphore, #tpu.memory_space<semaphore_mem>>)
    %dma_start3A_692 = arith.constant 0 : i32
    %dma_start3A_693 = tpu.memref_slice %arg3[%add3A_185, %dma_start3A_692] : memref<262144x128xf32, #tpu.memory_space<hbm>> -> memref<1x128xf32, #tpu.memory_space<hbm>>
    %dma_start3A_694 = arith.constant 14 : i32
    %dma_start3A_695 = arith.constant 0 : i32
    %dma_start3A_696 = tpu.memref_slice %arg2[%dma_start3A_694, %dma_start3A_695] : memref<128x128xf32, #tpu.memory_space<hbm>> -> memref<1x128xf32, #tpu.memory_space<hbm>>
    tpu.enqueue_dma source(%dma_start3A_696 : memref<1x128xf32, #tpu.memory_space<hbm>>) target(%dma_start3A_693 : memref<1x128xf32, #tpu.memory_space<hbm>>) target_semaphore(%arg6 : memref<!tpu.dma_semaphore, #tpu.memory_space<semaphore_mem>>)
    %dma_start3A_697 = arith.constant 0 : i32
    %dma_start3A_698 = tpu.memref_slice %arg3[%add3A_187, %dma_start3A_697] : memref<262144x128xf32, #tpu.memory_space<hbm>> -> memref<1x128xf32, #tpu.memory_space<hbm>>
    %dma_start3A_699 = arith.constant 46 : i32
    %dma_start3A_700 = arith.constant 0 : i32
    %dma_start3A_701 = tpu.memref_slice %arg2[%dma_start3A_699, %dma_start3A_700] : memref<128x128xf32, #tpu.memory_space<hbm>> -> memref<1x128xf32, #tpu.memory_space<hbm>>
    tpu.enqueue_dma source(%dma_start3A_701 : memref<1x128xf32, #tpu.memory_space<hbm>>) target(%dma_start3A_698 : memref<1x128xf32, #tpu.memory_space<hbm>>) target_semaphore(%arg6 : memref<!tpu.dma_semaphore, #tpu.memory_space<semaphore_mem>>)
    %dma_start3A_702 = arith.constant 0 : i32
    %dma_start3A_703 = tpu.memref_slice %arg3[%add3A_189, %dma_start3A_702] : memref<262144x128xf32, #tpu.memory_space<hbm>> -> memref<1x128xf32, #tpu.memory_space<hbm>>
    %dma_start3A_704 = arith.constant 78 : i32
    %dma_start3A_705 = arith.constant 0 : i32
    %dma_start3A_706 = tpu.memref_slice %arg2[%dma_start3A_704, %dma_start3A_705] : memref<128x128xf32, #tpu.memory_space<hbm>> -> memref<1x128xf32, #tpu.memory_space<hbm>>
    tpu.enqueue_dma source(%dma_start3A_706 : memref<1x128xf32, #tpu.memory_space<hbm>>) target(%dma_start3A_703 : memref<1x128xf32, #tpu.memory_space<hbm>>) target_semaphore(%arg6 : memref<!tpu.dma_semaphore, #tpu.memory_space<semaphore_mem>>)
    %dma_start3A_707 = arith.constant 0 : i32
    %dma_start3A_708 = tpu.memref_slice %arg3[%add3A_191, %dma_start3A_707] : memref<262144x128xf32, #tpu.memory_space<hbm>> -> memref<1x128xf32, #tpu.memory_space<hbm>>
    %dma_start3A_709 = arith.constant 110 : i32
    %dma_start3A_710 = arith.constant 0 : i32
    %dma_start3A_711 = tpu.memref_slice %arg2[%dma_start3A_709, %dma_start3A_710] : memref<128x128xf32, #tpu.memory_space<hbm>> -> memref<1x128xf32, #tpu.memory_space<hbm>>
    tpu.enqueue_dma source(%dma_start3A_711 : memref<1x128xf32, #tpu.memory_space<hbm>>) target(%dma_start3A_708 : memref<1x128xf32, #tpu.memory_space<hbm>>) target_semaphore(%arg6 : memref<!tpu.dma_semaphore, #tpu.memory_space<semaphore_mem>>)
    %dma_start3A_712 = arith.constant 0 : i32
    %dma_start3A_713 = tpu.memref_slice %arg3[%add3A_198, %dma_start3A_712] : memref<262144x128xf32, #tpu.memory_space<hbm>> -> memref<1x128xf32, #tpu.memory_space<hbm>>
    %dma_start3A_714 = arith.constant 15 : i32
    %dma_start3A_715 = arith.constant 0 : i32
    %dma_start3A_716 = tpu.memref_slice %arg2[%dma_start3A_714, %dma_start3A_715] : memref<128x128xf32, #tpu.memory_space<hbm>> -> memref<1x128xf32, #tpu.memory_space<hbm>>
    tpu.enqueue_dma source(%dma_start3A_716 : memref<1x128xf32, #tpu.memory_space<hbm>>) target(%dma_start3A_713 : memref<1x128xf32, #tpu.memory_space<hbm>>) target_semaphore(%arg6 : memref<!tpu.dma_semaphore, #tpu.memory_space<semaphore_mem>>)
    %dma_start3A_717 = arith.constant 0 : i32
    %dma_start3A_718 = tpu.memref_slice %arg3[%add3A_200, %dma_start3A_717] : memref<262144x128xf32, #tpu.memory_space<hbm>> -> memref<1x128xf32, #tpu.memory_space<hbm>>
    %dma_start3A_719 = arith.constant 47 : i32
    %dma_start3A_720 = arith.constant 0 : i32
    %dma_start3A_721 = tpu.memref_slice %arg2[%dma_start3A_719, %dma_start3A_720] : memref<128x128xf32, #tpu.memory_space<hbm>> -> memref<1x128xf32, #tpu.memory_space<hbm>>
    tpu.enqueue_dma source(%dma_start3A_721 : memref<1x128xf32, #tpu.memory_space<hbm>>) target(%dma_start3A_718 : memref<1x128xf32, #tpu.memory_space<hbm>>) target_semaphore(%arg6 : memref<!tpu.dma_semaphore, #tpu.memory_space<semaphore_mem>>)
    %dma_start3A_722 = arith.constant 0 : i32
    %dma_start3A_723 = tpu.memref_slice %arg3[%add3A_202, %dma_start3A_722] : memref<262144x128xf32, #tpu.memory_space<hbm>> -> memref<1x128xf32, #tpu.memory_space<hbm>>
    %dma_start3A_724 = arith.constant 79 : i32
    %dma_start3A_725 = arith.constant 0 : i32
    %dma_start3A_726 = tpu.memref_slice %arg2[%dma_start3A_724, %dma_start3A_725] : memref<128x128xf32, #tpu.memory_space<hbm>> -> memref<1x128xf32, #tpu.memory_space<hbm>>
    tpu.enqueue_dma source(%dma_start3A_726 : memref<1x128xf32, #tpu.memory_space<hbm>>) target(%dma_start3A_723 : memref<1x128xf32, #tpu.memory_space<hbm>>) target_semaphore(%arg6 : memref<!tpu.dma_semaphore, #tpu.memory_space<semaphore_mem>>)
    %dma_start3A_727 = arith.constant 0 : i32
    %dma_start3A_728 = tpu.memref_slice %arg3[%add3A_204, %dma_start3A_727] : memref<262144x128xf32, #tpu.memory_space<hbm>> -> memref<1x128xf32, #tpu.memory_space<hbm>>
    %dma_start3A_729 = arith.constant 111 : i32
    %dma_start3A_730 = arith.constant 0 : i32
    %dma_start3A_731 = tpu.memref_slice %arg2[%dma_start3A_729, %dma_start3A_730] : memref<128x128xf32, #tpu.memory_space<hbm>> -> memref<1x128xf32, #tpu.memory_space<hbm>>
    tpu.enqueue_dma source(%dma_start3A_731 : memref<1x128xf32, #tpu.memory_space<hbm>>) target(%dma_start3A_728 : memref<1x128xf32, #tpu.memory_space<hbm>>) target_semaphore(%arg6 : memref<!tpu.dma_semaphore, #tpu.memory_space<semaphore_mem>>)
    %dma_start3A_732 = arith.constant 0 : i32
    %dma_start3A_733 = tpu.memref_slice %arg3[%add3A_211, %dma_start3A_732] : memref<262144x128xf32, #tpu.memory_space<hbm>> -> memref<1x128xf32, #tpu.memory_space<hbm>>
    %dma_start3A_734 = arith.constant 16 : i32
    %dma_start3A_735 = arith.constant 0 : i32
    %dma_start3A_736 = tpu.memref_slice %arg2[%dma_start3A_734, %dma_start3A_735] : memref<128x128xf32, #tpu.memory_space<hbm>> -> memref<1x128xf32, #tpu.memory_space<hbm>>
    tpu.enqueue_dma source(%dma_start3A_736 : memref<1x128xf32, #tpu.memory_space<hbm>>) target(%dma_start3A_733 : memref<1x128xf32, #tpu.memory_space<hbm>>) target_semaphore(%arg6 : memref<!tpu.dma_semaphore, #tpu.memory_space<semaphore_mem>>)
    %dma_start3A_737 = arith.constant 0 : i32
    %dma_start3A_738 = tpu.memref_slice %arg3[%add3A_213, %dma_start3A_737] : memref<262144x128xf32, #tpu.memory_space<hbm>> -> memref<1x128xf32, #tpu.memory_space<hbm>>
    %dma_start3A_739 = arith.constant 48 : i32
    %dma_start3A_740 = arith.constant 0 : i32
    %dma_start3A_741 = tpu.memref_slice %arg2[%dma_start3A_739, %dma_start3A_740] : memref<128x128xf32, #tpu.memory_space<hbm>> -> memref<1x128xf32, #tpu.memory_space<hbm>>
    tpu.enqueue_dma source(%dma_start3A_741 : memref<1x128xf32, #tpu.memory_space<hbm>>) target(%dma_start3A_738 : memref<1x128xf32, #tpu.memory_space<hbm>>) target_semaphore(%arg6 : memref<!tpu.dma_semaphore, #tpu.memory_space<semaphore_mem>>)
    %dma_start3A_742 = arith.constant 0 : i32
    %dma_start3A_743 = tpu.memref_slice %arg3[%add3A_215, %dma_start3A_742] : memref<262144x128xf32, #tpu.memory_space<hbm>> -> memref<1x128xf32, #tpu.memory_space<hbm>>
    %dma_start3A_744 = arith.constant 80 : i32
    %dma_start3A_745 = arith.constant 0 : i32
    %dma_start3A_746 = tpu.memref_slice %arg2[%dma_start3A_744, %dma_start3A_745] : memref<128x128xf32, #tpu.memory_space<hbm>> -> memref<1x128xf32, #tpu.memory_space<hbm>>
    tpu.enqueue_dma source(%dma_start3A_746 : memref<1x128xf32, #tpu.memory_space<hbm>>) target(%dma_start3A_743 : memref<1x128xf32, #tpu.memory_space<hbm>>) target_semaphore(%arg6 : memref<!tpu.dma_semaphore, #tpu.memory_space<semaphore_mem>>)
    %dma_start3A_747 = arith.constant 0 : i32
    %dma_start3A_748 = tpu.memref_slice %arg3[%add3A_217, %dma_start3A_747] : memref<262144x128xf32, #tpu.memory_space<hbm>> -> memref<1x128xf32, #tpu.memory_space<hbm>>
    %dma_start3A_749 = arith.constant 112 : i32
    %dma_start3A_750 = arith.constant 0 : i32
    %dma_start3A_751 = tpu.memref_slice %arg2[%dma_start3A_749, %dma_start3A_750] : memref<128x128xf32, #tpu.memory_space<hbm>> -> memref<1x128xf32, #tpu.memory_space<hbm>>
    tpu.enqueue_dma source(%dma_start3A_751 : memref<1x128xf32, #tpu.memory_space<hbm>>) target(%dma_start3A_748 : memref<1x128xf32, #tpu.memory_space<hbm>>) target_semaphore(%arg6 : memref<!tpu.dma_semaphore, #tpu.memory_space<semaphore_mem>>)
    %dma_start3A_752 = arith.constant 0 : i32
    %dma_start3A_753 = tpu.memref_slice %arg3[%add3A_224, %dma_start3A_752] : memref<262144x128xf32, #tpu.memory_space<hbm>> -> memref<1x128xf32, #tpu.memory_space<hbm>>
    %dma_start3A_754 = arith.constant 17 : i32
    %dma_start3A_755 = arith.constant 0 : i32
    %dma_start3A_756 = tpu.memref_slice %arg2[%dma_start3A_754, %dma_start3A_755] : memref<128x128xf32, #tpu.memory_space<hbm>> -> memref<1x128xf32, #tpu.memory_space<hbm>>
    tpu.enqueue_dma source(%dma_start3A_756 : memref<1x128xf32, #tpu.memory_space<hbm>>) target(%dma_start3A_753 : memref<1x128xf32, #tpu.memory_space<hbm>>) target_semaphore(%arg6 : memref<!tpu.dma_semaphore, #tpu.memory_space<semaphore_mem>>)
    %dma_start3A_757 = arith.constant 0 : i32
    %dma_start3A_758 = tpu.memref_slice %arg3[%add3A_226, %dma_start3A_757] : memref<262144x128xf32, #tpu.memory_space<hbm>> -> memref<1x128xf32, #tpu.memory_space<hbm>>
    %dma_start3A_759 = arith.constant 49 : i32
    %dma_start3A_760 = arith.constant 0 : i32
    %dma_start3A_761 = tpu.memref_slice %arg2[%dma_start3A_759, %dma_start3A_760] : memref<128x128xf32, #tpu.memory_space<hbm>> -> memref<1x128xf32, #tpu.memory_space<hbm>>
    tpu.enqueue_dma source(%dma_start3A_761 : memref<1x128xf32, #tpu.memory_space<hbm>>) target(%dma_start3A_758 : memref<1x128xf32, #tpu.memory_space<hbm>>) target_semaphore(%arg6 : memref<!tpu.dma_semaphore, #tpu.memory_space<semaphore_mem>>)
    %dma_start3A_762 = arith.constant 0 : i32
    %dma_start3A_763 = tpu.memref_slice %arg3[%add3A_228, %dma_start3A_762] : memref<262144x128xf32, #tpu.memory_space<hbm>> -> memref<1x128xf32, #tpu.memory_space<hbm>>
    %dma_start3A_764 = arith.constant 81 : i32
    %dma_start3A_765 = arith.constant 0 : i32
    %dma_start3A_766 = tpu.memref_slice %arg2[%dma_start3A_764, %dma_start3A_765] : memref<128x128xf32, #tpu.memory_space<hbm>> -> memref<1x128xf32, #tpu.memory_space<hbm>>
    tpu.enqueue_dma source(%dma_start3A_766 : memref<1x128xf32, #tpu.memory_space<hbm>>) target(%dma_start3A_763 : memref<1x128xf32, #tpu.memory_space<hbm>>) target_semaphore(%arg6 : memref<!tpu.dma_semaphore, #tpu.memory_space<semaphore_mem>>)
    %dma_start3A_767 = arith.constant 0 : i32
    %dma_start3A_768 = tpu.memref_slice %arg3[%add3A_230, %dma_start3A_767] : memref<262144x128xf32, #tpu.memory_space<hbm>> -> memref<1x128xf32, #tpu.memory_space<hbm>>
    %dma_start3A_769 = arith.constant 113 : i32
    %dma_start3A_770 = arith.constant 0 : i32
    %dma_start3A_771 = tpu.memref_slice %arg2[%dma_start3A_769, %dma_start3A_770] : memref<128x128xf32, #tpu.memory_space<hbm>> -> memref<1x128xf32, #tpu.memory_space<hbm>>
    tpu.enqueue_dma source(%dma_start3A_771 : memref<1x128xf32, #tpu.memory_space<hbm>>) target(%dma_start3A_768 : memref<1x128xf32, #tpu.memory_space<hbm>>) target_semaphore(%arg6 : memref<!tpu.dma_semaphore, #tpu.memory_space<semaphore_mem>>)
    %dma_start3A_772 = arith.constant 0 : i32
    %dma_start3A_773 = tpu.memref_slice %arg3[%add3A_237, %dma_start3A_772] : memref<262144x128xf32, #tpu.memory_space<hbm>> -> memref<1x128xf32, #tpu.memory_space<hbm>>
    %dma_start3A_774 = arith.constant 18 : i32
    %dma_start3A_775 = arith.constant 0 : i32
    %dma_start3A_776 = tpu.memref_slice %arg2[%dma_start3A_774, %dma_start3A_775] : memref<128x128xf32, #tpu.memory_space<hbm>> -> memref<1x128xf32, #tpu.memory_space<hbm>>
    tpu.enqueue_dma source(%dma_start3A_776 : memref<1x128xf32, #tpu.memory_space<hbm>>) target(%dma_start3A_773 : memref<1x128xf32, #tpu.memory_space<hbm>>) target_semaphore(%arg6 : memref<!tpu.dma_semaphore, #tpu.memory_space<semaphore_mem>>)
    %dma_start3A_777 = arith.constant 0 : i32
    %dma_start3A_778 = tpu.memref_slice %arg3[%add3A_239, %dma_start3A_777] : memref<262144x128xf32, #tpu.memory_space<hbm>> -> memref<1x128xf32, #tpu.memory_space<hbm>>
    %dma_start3A_779 = arith.constant 50 : i32
    %dma_start3A_780 = arith.constant 0 : i32
    %dma_start3A_781 = tpu.memref_slice %arg2[%dma_start3A_779, %dma_start3A_780] : memref<128x128xf32, #tpu.memory_space<hbm>> -> memref<1x128xf32, #tpu.memory_space<hbm>>
    tpu.enqueue_dma source(%dma_start3A_781 : memref<1x128xf32, #tpu.memory_space<hbm>>) target(%dma_start3A_778 : memref<1x128xf32, #tpu.memory_space<hbm>>) target_semaphore(%arg6 : memref<!tpu.dma_semaphore, #tpu.memory_space<semaphore_mem>>)
    %dma_start3A_782 = arith.constant 0 : i32
    %dma_start3A_783 = tpu.memref_slice %arg3[%add3A_241, %dma_start3A_782] : memref<262144x128xf32, #tpu.memory_space<hbm>> -> memref<1x128xf32, #tpu.memory_space<hbm>>
    %dma_start3A_784 = arith.constant 82 : i32
    %dma_start3A_785 = arith.constant 0 : i32
    %dma_start3A_786 = tpu.memref_slice %arg2[%dma_start3A_784, %dma_start3A_785] : memref<128x128xf32, #tpu.memory_space<hbm>> -> memref<1x128xf32, #tpu.memory_space<hbm>>
    tpu.enqueue_dma source(%dma_start3A_786 : memref<1x128xf32, #tpu.memory_space<hbm>>) target(%dma_start3A_783 : memref<1x128xf32, #tpu.memory_space<hbm>>) target_semaphore(%arg6 : memref<!tpu.dma_semaphore, #tpu.memory_space<semaphore_mem>>)
    %dma_start3A_787 = arith.constant 0 : i32
    %dma_start3A_788 = tpu.memref_slice %arg3[%add3A_243, %dma_start3A_787] : memref<262144x128xf32, #tpu.memory_space<hbm>> -> memref<1x128xf32, #tpu.memory_space<hbm>>
    %dma_start3A_789 = arith.constant 114 : i32
    %dma_start3A_790 = arith.constant 0 : i32
    %dma_start3A_791 = tpu.memref_slice %arg2[%dma_start3A_789, %dma_start3A_790] : memref<128x128xf32, #tpu.memory_space<hbm>> -> memref<1x128xf32, #tpu.memory_space<hbm>>
    tpu.enqueue_dma source(%dma_start3A_791 : memref<1x128xf32, #tpu.memory_space<hbm>>) target(%dma_start3A_788 : memref<1x128xf32, #tpu.memory_space<hbm>>) target_semaphore(%arg6 : memref<!tpu.dma_semaphore, #tpu.memory_space<semaphore_mem>>)
    %dma_start3A_792 = arith.constant 0 : i32
    %dma_start3A_793 = tpu.memref_slice %arg3[%add3A_250, %dma_start3A_792] : memref<262144x128xf32, #tpu.memory_space<hbm>> -> memref<1x128xf32, #tpu.memory_space<hbm>>
    %dma_start3A_794 = arith.constant 19 : i32
    %dma_start3A_795 = arith.constant 0 : i32
    %dma_start3A_796 = tpu.memref_slice %arg2[%dma_start3A_794, %dma_start3A_795] : memref<128x128xf32, #tpu.memory_space<hbm>> -> memref<1x128xf32, #tpu.memory_space<hbm>>
    tpu.enqueue_dma source(%dma_start3A_796 : memref<1x128xf32, #tpu.memory_space<hbm>>) target(%dma_start3A_793 : memref<1x128xf32, #tpu.memory_space<hbm>>) target_semaphore(%arg6 : memref<!tpu.dma_semaphore, #tpu.memory_space<semaphore_mem>>)
    %dma_start3A_797 = arith.constant 0 : i32
    %dma_start3A_798 = tpu.memref_slice %arg3[%add3A_252, %dma_start3A_797] : memref<262144x128xf32, #tpu.memory_space<hbm>> -> memref<1x128xf32, #tpu.memory_space<hbm>>
    %dma_start3A_799 = arith.constant 51 : i32
    %dma_start3A_800 = arith.constant 0 : i32
    %dma_start3A_801 = tpu.memref_slice %arg2[%dma_start3A_799, %dma_start3A_800] : memref<128x128xf32, #tpu.memory_space<hbm>> -> memref<1x128xf32, #tpu.memory_space<hbm>>
    tpu.enqueue_dma source(%dma_start3A_801 : memref<1x128xf32, #tpu.memory_space<hbm>>) target(%dma_start3A_798 : memref<1x128xf32, #tpu.memory_space<hbm>>) target_semaphore(%arg6 : memref<!tpu.dma_semaphore, #tpu.memory_space<semaphore_mem>>)
    %dma_start3A_802 = arith.constant 0 : i32
    %dma_start3A_803 = tpu.memref_slice %arg3[%add3A_254, %dma_start3A_802] : memref<262144x128xf32, #tpu.memory_space<hbm>> -> memref<1x128xf32, #tpu.memory_space<hbm>>
    %dma_start3A_804 = arith.constant 83 : i32
    %dma_start3A_805 = arith.constant 0 : i32
    %dma_start3A_806 = tpu.memref_slice %arg2[%dma_start3A_804, %dma_start3A_805] : memref<128x128xf32, #tpu.memory_space<hbm>> -> memref<1x128xf32, #tpu.memory_space<hbm>>
    tpu.enqueue_dma source(%dma_start3A_806 : memref<1x128xf32, #tpu.memory_space<hbm>>) target(%dma_start3A_803 : memref<1x128xf32, #tpu.memory_space<hbm>>) target_semaphore(%arg6 : memref<!tpu.dma_semaphore, #tpu.memory_space<semaphore_mem>>)
    %dma_start3A_807 = arith.constant 0 : i32
    %dma_start3A_808 = tpu.memref_slice %arg3[%add3A_256, %dma_start3A_807] : memref<262144x128xf32, #tpu.memory_space<hbm>> -> memref<1x128xf32, #tpu.memory_space<hbm>>
    %dma_start3A_809 = arith.constant 115 : i32
    %dma_start3A_810 = arith.constant 0 : i32
    %dma_start3A_811 = tpu.memref_slice %arg2[%dma_start3A_809, %dma_start3A_810] : memref<128x128xf32, #tpu.memory_space<hbm>> -> memref<1x128xf32, #tpu.memory_space<hbm>>
    tpu.enqueue_dma source(%dma_start3A_811 : memref<1x128xf32, #tpu.memory_space<hbm>>) target(%dma_start3A_808 : memref<1x128xf32, #tpu.memory_space<hbm>>) target_semaphore(%arg6 : memref<!tpu.dma_semaphore, #tpu.memory_space<semaphore_mem>>)
    %dma_start3A_812 = arith.constant 0 : i32
    %dma_start3A_813 = tpu.memref_slice %arg3[%add3A_263, %dma_start3A_812] : memref<262144x128xf32, #tpu.memory_space<hbm>> -> memref<1x128xf32, #tpu.memory_space<hbm>>
    %dma_start3A_814 = arith.constant 20 : i32
    %dma_start3A_815 = arith.constant 0 : i32
    %dma_start3A_816 = tpu.memref_slice %arg2[%dma_start3A_814, %dma_start3A_815] : memref<128x128xf32, #tpu.memory_space<hbm>> -> memref<1x128xf32, #tpu.memory_space<hbm>>
    tpu.enqueue_dma source(%dma_start3A_816 : memref<1x128xf32, #tpu.memory_space<hbm>>) target(%dma_start3A_813 : memref<1x128xf32, #tpu.memory_space<hbm>>) target_semaphore(%arg6 : memref<!tpu.dma_semaphore, #tpu.memory_space<semaphore_mem>>)
    %dma_start3A_817 = arith.constant 0 : i32
    %dma_start3A_818 = tpu.memref_slice %arg3[%add3A_265, %dma_start3A_817] : memref<262144x128xf32, #tpu.memory_space<hbm>> -> memref<1x128xf32, #tpu.memory_space<hbm>>
    %dma_start3A_819 = arith.constant 52 : i32
    %dma_start3A_820 = arith.constant 0 : i32
    %dma_start3A_821 = tpu.memref_slice %arg2[%dma_start3A_819, %dma_start3A_820] : memref<128x128xf32, #tpu.memory_space<hbm>> -> memref<1x128xf32, #tpu.memory_space<hbm>>
    tpu.enqueue_dma source(%dma_start3A_821 : memref<1x128xf32, #tpu.memory_space<hbm>>) target(%dma_start3A_818 : memref<1x128xf32, #tpu.memory_space<hbm>>) target_semaphore(%arg6 : memref<!tpu.dma_semaphore, #tpu.memory_space<semaphore_mem>>)
    %dma_start3A_822 = arith.constant 0 : i32
    %dma_start3A_823 = tpu.memref_slice %arg3[%add3A_267, %dma_start3A_822] : memref<262144x128xf32, #tpu.memory_space<hbm>> -> memref<1x128xf32, #tpu.memory_space<hbm>>
    %dma_start3A_824 = arith.constant 84 : i32
    %dma_start3A_825 = arith.constant 0 : i32
    %dma_start3A_826 = tpu.memref_slice %arg2[%dma_start3A_824, %dma_start3A_825] : memref<128x128xf32, #tpu.memory_space<hbm>> -> memref<1x128xf32, #tpu.memory_space<hbm>>
    tpu.enqueue_dma source(%dma_start3A_826 : memref<1x128xf32, #tpu.memory_space<hbm>>) target(%dma_start3A_823 : memref<1x128xf32, #tpu.memory_space<hbm>>) target_semaphore(%arg6 : memref<!tpu.dma_semaphore, #tpu.memory_space<semaphore_mem>>)
    %dma_start3A_827 = arith.constant 0 : i32
    %dma_start3A_828 = tpu.memref_slice %arg3[%add3A_269, %dma_start3A_827] : memref<262144x128xf32, #tpu.memory_space<hbm>> -> memref<1x128xf32, #tpu.memory_space<hbm>>
    %dma_start3A_829 = arith.constant 116 : i32
    %dma_start3A_830 = arith.constant 0 : i32
    %dma_start3A_831 = tpu.memref_slice %arg2[%dma_start3A_829, %dma_start3A_830] : memref<128x128xf32, #tpu.memory_space<hbm>> -> memref<1x128xf32, #tpu.memory_space<hbm>>
    tpu.enqueue_dma source(%dma_start3A_831 : memref<1x128xf32, #tpu.memory_space<hbm>>) target(%dma_start3A_828 : memref<1x128xf32, #tpu.memory_space<hbm>>) target_semaphore(%arg6 : memref<!tpu.dma_semaphore, #tpu.memory_space<semaphore_mem>>)
    %dma_start3A_832 = arith.constant 0 : i32
    %dma_start3A_833 = tpu.memref_slice %arg3[%add3A_276, %dma_start3A_832] : memref<262144x128xf32, #tpu.memory_space<hbm>> -> memref<1x128xf32, #tpu.memory_space<hbm>>
    %dma_start3A_834 = arith.constant 21 : i32
    %dma_start3A_835 = arith.constant 0 : i32
    %dma_start3A_836 = tpu.memref_slice %arg2[%dma_start3A_834, %dma_start3A_835] : memref<128x128xf32, #tpu.memory_space<hbm>> -> memref<1x128xf32, #tpu.memory_space<hbm>>
    tpu.enqueue_dma source(%dma_start3A_836 : memref<1x128xf32, #tpu.memory_space<hbm>>) target(%dma_start3A_833 : memref<1x128xf32, #tpu.memory_space<hbm>>) target_semaphore(%arg6 : memref<!tpu.dma_semaphore, #tpu.memory_space<semaphore_mem>>)
    %dma_start3A_837 = arith.constant 0 : i32
    %dma_start3A_838 = tpu.memref_slice %arg3[%add3A_278, %dma_start3A_837] : memref<262144x128xf32, #tpu.memory_space<hbm>> -> memref<1x128xf32, #tpu.memory_space<hbm>>
    %dma_start3A_839 = arith.constant 53 : i32
    %dma_start3A_840 = arith.constant 0 : i32
    %dma_start3A_841 = tpu.memref_slice %arg2[%dma_start3A_839, %dma_start3A_840] : memref<128x128xf32, #tpu.memory_space<hbm>> -> memref<1x128xf32, #tpu.memory_space<hbm>>
    tpu.enqueue_dma source(%dma_start3A_841 : memref<1x128xf32, #tpu.memory_space<hbm>>) target(%dma_start3A_838 : memref<1x128xf32, #tpu.memory_space<hbm>>) target_semaphore(%arg6 : memref<!tpu.dma_semaphore, #tpu.memory_space<semaphore_mem>>)
    %dma_start3A_842 = arith.constant 0 : i32
    %dma_start3A_843 = tpu.memref_slice %arg3[%add3A_280, %dma_start3A_842] : memref<262144x128xf32, #tpu.memory_space<hbm>> -> memref<1x128xf32, #tpu.memory_space<hbm>>
    %dma_start3A_844 = arith.constant 85 : i32
    %dma_start3A_845 = arith.constant 0 : i32
    %dma_start3A_846 = tpu.memref_slice %arg2[%dma_start3A_844, %dma_start3A_845] : memref<128x128xf32, #tpu.memory_space<hbm>> -> memref<1x128xf32, #tpu.memory_space<hbm>>
    tpu.enqueue_dma source(%dma_start3A_846 : memref<1x128xf32, #tpu.memory_space<hbm>>) target(%dma_start3A_843 : memref<1x128xf32, #tpu.memory_space<hbm>>) target_semaphore(%arg6 : memref<!tpu.dma_semaphore, #tpu.memory_space<semaphore_mem>>)
    %dma_start3A_847 = arith.constant 0 : i32
    %dma_start3A_848 = tpu.memref_slice %arg3[%add3A_282, %dma_start3A_847] : memref<262144x128xf32, #tpu.memory_space<hbm>> -> memref<1x128xf32, #tpu.memory_space<hbm>>
    %dma_start3A_849 = arith.constant 117 : i32
    %dma_start3A_850 = arith.constant 0 : i32
    %dma_start3A_851 = tpu.memref_slice %arg2[%dma_start3A_849, %dma_start3A_850] : memref<128x128xf32, #tpu.memory_space<hbm>> -> memref<1x128xf32, #tpu.memory_space<hbm>>
    tpu.enqueue_dma source(%dma_start3A_851 : memref<1x128xf32, #tpu.memory_space<hbm>>) target(%dma_start3A_848 : memref<1x128xf32, #tpu.memory_space<hbm>>) target_semaphore(%arg6 : memref<!tpu.dma_semaphore, #tpu.memory_space<semaphore_mem>>)
    %dma_start3A_852 = arith.constant 0 : i32
    %dma_start3A_853 = tpu.memref_slice %arg3[%add3A_289, %dma_start3A_852] : memref<262144x128xf32, #tpu.memory_space<hbm>> -> memref<1x128xf32, #tpu.memory_space<hbm>>
    %dma_start3A_854 = arith.constant 22 : i32
    %dma_start3A_855 = arith.constant 0 : i32
    %dma_start3A_856 = tpu.memref_slice %arg2[%dma_start3A_854, %dma_start3A_855] : memref<128x128xf32, #tpu.memory_space<hbm>> -> memref<1x128xf32, #tpu.memory_space<hbm>>
    tpu.enqueue_dma source(%dma_start3A_856 : memref<1x128xf32, #tpu.memory_space<hbm>>) target(%dma_start3A_853 : memref<1x128xf32, #tpu.memory_space<hbm>>) target_semaphore(%arg6 : memref<!tpu.dma_semaphore, #tpu.memory_space<semaphore_mem>>)
    %dma_start3A_857 = arith.constant 0 : i32
    %dma_start3A_858 = tpu.memref_slice %arg3[%add3A_291, %dma_start3A_857] : memref<262144x128xf32, #tpu.memory_space<hbm>> -> memref<1x128xf32, #tpu.memory_space<hbm>>
    %dma_start3A_859 = arith.constant 54 : i32
    %dma_start3A_860 = arith.constant 0 : i32
    %dma_start3A_861 = tpu.memref_slice %arg2[%dma_start3A_859, %dma_start3A_860] : memref<128x128xf32, #tpu.memory_space<hbm>> -> memref<1x128xf32, #tpu.memory_space<hbm>>
    tpu.enqueue_dma source(%dma_start3A_861 : memref<1x128xf32, #tpu.memory_space<hbm>>) target(%dma_start3A_858 : memref<1x128xf32, #tpu.memory_space<hbm>>) target_semaphore(%arg6 : memref<!tpu.dma_semaphore, #tpu.memory_space<semaphore_mem>>)
    %dma_start3A_862 = arith.constant 0 : i32
    %dma_start3A_863 = tpu.memref_slice %arg3[%add3A_293, %dma_start3A_862] : memref<262144x128xf32, #tpu.memory_space<hbm>> -> memref<1x128xf32, #tpu.memory_space<hbm>>
    %dma_start3A_864 = arith.constant 86 : i32
    %dma_start3A_865 = arith.constant 0 : i32
    %dma_start3A_866 = tpu.memref_slice %arg2[%dma_start3A_864, %dma_start3A_865] : memref<128x128xf32, #tpu.memory_space<hbm>> -> memref<1x128xf32, #tpu.memory_space<hbm>>
    tpu.enqueue_dma source(%dma_start3A_866 : memref<1x128xf32, #tpu.memory_space<hbm>>) target(%dma_start3A_863 : memref<1x128xf32, #tpu.memory_space<hbm>>) target_semaphore(%arg6 : memref<!tpu.dma_semaphore, #tpu.memory_space<semaphore_mem>>)
    %dma_start3A_867 = arith.constant 0 : i32
    %dma_start3A_868 = tpu.memref_slice %arg3[%add3A_295, %dma_start3A_867] : memref<262144x128xf32, #tpu.memory_space<hbm>> -> memref<1x128xf32, #tpu.memory_space<hbm>>
    %dma_start3A_869 = arith.constant 118 : i32
    %dma_start3A_870 = arith.constant 0 : i32
    %dma_start3A_871 = tpu.memref_slice %arg2[%dma_start3A_869, %dma_start3A_870] : memref<128x128xf32, #tpu.memory_space<hbm>> -> memref<1x128xf32, #tpu.memory_space<hbm>>
    tpu.enqueue_dma source(%dma_start3A_871 : memref<1x128xf32, #tpu.memory_space<hbm>>) target(%dma_start3A_868 : memref<1x128xf32, #tpu.memory_space<hbm>>) target_semaphore(%arg6 : memref<!tpu.dma_semaphore, #tpu.memory_space<semaphore_mem>>)
    %dma_start3A_872 = arith.constant 0 : i32
    %dma_start3A_873 = tpu.memref_slice %arg3[%add3A_302, %dma_start3A_872] : memref<262144x128xf32, #tpu.memory_space<hbm>> -> memref<1x128xf32, #tpu.memory_space<hbm>>
    %dma_start3A_874 = arith.constant 23 : i32
    %dma_start3A_875 = arith.constant 0 : i32
    %dma_start3A_876 = tpu.memref_slice %arg2[%dma_start3A_874, %dma_start3A_875] : memref<128x128xf32, #tpu.memory_space<hbm>> -> memref<1x128xf32, #tpu.memory_space<hbm>>
    tpu.enqueue_dma source(%dma_start3A_876 : memref<1x128xf32, #tpu.memory_space<hbm>>) target(%dma_start3A_873 : memref<1x128xf32, #tpu.memory_space<hbm>>) target_semaphore(%arg6 : memref<!tpu.dma_semaphore, #tpu.memory_space<semaphore_mem>>)
    %dma_start3A_877 = arith.constant 0 : i32
    %dma_start3A_878 = tpu.memref_slice %arg3[%add3A_304, %dma_start3A_877] : memref<262144x128xf32, #tpu.memory_space<hbm>> -> memref<1x128xf32, #tpu.memory_space<hbm>>
    %dma_start3A_879 = arith.constant 55 : i32
    %dma_start3A_880 = arith.constant 0 : i32
    %dma_start3A_881 = tpu.memref_slice %arg2[%dma_start3A_879, %dma_start3A_880] : memref<128x128xf32, #tpu.memory_space<hbm>> -> memref<1x128xf32, #tpu.memory_space<hbm>>
    tpu.enqueue_dma source(%dma_start3A_881 : memref<1x128xf32, #tpu.memory_space<hbm>>) target(%dma_start3A_878 : memref<1x128xf32, #tpu.memory_space<hbm>>) target_semaphore(%arg6 : memref<!tpu.dma_semaphore, #tpu.memory_space<semaphore_mem>>)
    %dma_start3A_882 = arith.constant 0 : i32
    %dma_start3A_883 = tpu.memref_slice %arg3[%add3A_306, %dma_start3A_882] : memref<262144x128xf32, #tpu.memory_space<hbm>> -> memref<1x128xf32, #tpu.memory_space<hbm>>
    %dma_start3A_884 = arith.constant 87 : i32
    %dma_start3A_885 = arith.constant 0 : i32
    %dma_start3A_886 = tpu.memref_slice %arg2[%dma_start3A_884, %dma_start3A_885] : memref<128x128xf32, #tpu.memory_space<hbm>> -> memref<1x128xf32, #tpu.memory_space<hbm>>
    tpu.enqueue_dma source(%dma_start3A_886 : memref<1x128xf32, #tpu.memory_space<hbm>>) target(%dma_start3A_883 : memref<1x128xf32, #tpu.memory_space<hbm>>) target_semaphore(%arg6 : memref<!tpu.dma_semaphore, #tpu.memory_space<semaphore_mem>>)
    %dma_start3A_887 = arith.constant 0 : i32
    %dma_start3A_888 = tpu.memref_slice %arg3[%add3A_308, %dma_start3A_887] : memref<262144x128xf32, #tpu.memory_space<hbm>> -> memref<1x128xf32, #tpu.memory_space<hbm>>
    %dma_start3A_889 = arith.constant 119 : i32
    %dma_start3A_890 = arith.constant 0 : i32
    %dma_start3A_891 = tpu.memref_slice %arg2[%dma_start3A_889, %dma_start3A_890] : memref<128x128xf32, #tpu.memory_space<hbm>> -> memref<1x128xf32, #tpu.memory_space<hbm>>
    tpu.enqueue_dma source(%dma_start3A_891 : memref<1x128xf32, #tpu.memory_space<hbm>>) target(%dma_start3A_888 : memref<1x128xf32, #tpu.memory_space<hbm>>) target_semaphore(%arg6 : memref<!tpu.dma_semaphore, #tpu.memory_space<semaphore_mem>>)
    %dma_start3A_892 = arith.constant 0 : i32
    %dma_start3A_893 = tpu.memref_slice %arg3[%add3A_315, %dma_start3A_892] : memref<262144x128xf32, #tpu.memory_space<hbm>> -> memref<1x128xf32, #tpu.memory_space<hbm>>
    %dma_start3A_894 = arith.constant 24 : i32
    %dma_start3A_895 = arith.constant 0 : i32
    %dma_start3A_896 = tpu.memref_slice %arg2[%dma_start3A_894, %dma_start3A_895] : memref<128x128xf32, #tpu.memory_space<hbm>> -> memref<1x128xf32, #tpu.memory_space<hbm>>
    tpu.enqueue_dma source(%dma_start3A_896 : memref<1x128xf32, #tpu.memory_space<hbm>>) target(%dma_start3A_893 : memref<1x128xf32, #tpu.memory_space<hbm>>) target_semaphore(%arg6 : memref<!tpu.dma_semaphore, #tpu.memory_space<semaphore_mem>>)
    %dma_start3A_897 = arith.constant 0 : i32
    %dma_start3A_898 = tpu.memref_slice %arg3[%add3A_317, %dma_start3A_897] : memref<262144x128xf32, #tpu.memory_space<hbm>> -> memref<1x128xf32, #tpu.memory_space<hbm>>
    %dma_start3A_899 = arith.constant 56 : i32
    %dma_start3A_900 = arith.constant 0 : i32
    %dma_start3A_901 = tpu.memref_slice %arg2[%dma_start3A_899, %dma_start3A_900] : memref<128x128xf32, #tpu.memory_space<hbm>> -> memref<1x128xf32, #tpu.memory_space<hbm>>
    tpu.enqueue_dma source(%dma_start3A_901 : memref<1x128xf32, #tpu.memory_space<hbm>>) target(%dma_start3A_898 : memref<1x128xf32, #tpu.memory_space<hbm>>) target_semaphore(%arg6 : memref<!tpu.dma_semaphore, #tpu.memory_space<semaphore_mem>>)
    %dma_start3A_902 = arith.constant 0 : i32
    %dma_start3A_903 = tpu.memref_slice %arg3[%add3A_319, %dma_start3A_902] : memref<262144x128xf32, #tpu.memory_space<hbm>> -> memref<1x128xf32, #tpu.memory_space<hbm>>
    %dma_start3A_904 = arith.constant 88 : i32
    %dma_start3A_905 = arith.constant 0 : i32
    %dma_start3A_906 = tpu.memref_slice %arg2[%dma_start3A_904, %dma_start3A_905] : memref<128x128xf32, #tpu.memory_space<hbm>> -> memref<1x128xf32, #tpu.memory_space<hbm>>
    tpu.enqueue_dma source(%dma_start3A_906 : memref<1x128xf32, #tpu.memory_space<hbm>>) target(%dma_start3A_903 : memref<1x128xf32, #tpu.memory_space<hbm>>) target_semaphore(%arg6 : memref<!tpu.dma_semaphore, #tpu.memory_space<semaphore_mem>>)
    %dma_start3A_907 = arith.constant 0 : i32
    %dma_start3A_908 = tpu.memref_slice %arg3[%add3A_321, %dma_start3A_907] : memref<262144x128xf32, #tpu.memory_space<hbm>> -> memref<1x128xf32, #tpu.memory_space<hbm>>
    %dma_start3A_909 = arith.constant 120 : i32
    %dma_start3A_910 = arith.constant 0 : i32
    %dma_start3A_911 = tpu.memref_slice %arg2[%dma_start3A_909, %dma_start3A_910] : memref<128x128xf32, #tpu.memory_space<hbm>> -> memref<1x128xf32, #tpu.memory_space<hbm>>
    tpu.enqueue_dma source(%dma_start3A_911 : memref<1x128xf32, #tpu.memory_space<hbm>>) target(%dma_start3A_908 : memref<1x128xf32, #tpu.memory_space<hbm>>) target_semaphore(%arg6 : memref<!tpu.dma_semaphore, #tpu.memory_space<semaphore_mem>>)
    %dma_start3A_912 = arith.constant 0 : i32
    %dma_start3A_913 = tpu.memref_slice %arg3[%add3A_328, %dma_start3A_912] : memref<262144x128xf32, #tpu.memory_space<hbm>> -> memref<1x128xf32, #tpu.memory_space<hbm>>
    %dma_start3A_914 = arith.constant 25 : i32
    %dma_start3A_915 = arith.constant 0 : i32
    %dma_start3A_916 = tpu.memref_slice %arg2[%dma_start3A_914, %dma_start3A_915] : memref<128x128xf32, #tpu.memory_space<hbm>> -> memref<1x128xf32, #tpu.memory_space<hbm>>
    tpu.enqueue_dma source(%dma_start3A_916 : memref<1x128xf32, #tpu.memory_space<hbm>>) target(%dma_start3A_913 : memref<1x128xf32, #tpu.memory_space<hbm>>) target_semaphore(%arg6 : memref<!tpu.dma_semaphore, #tpu.memory_space<semaphore_mem>>)
    %dma_start3A_917 = arith.constant 0 : i32
    %dma_start3A_918 = tpu.memref_slice %arg3[%add3A_330, %dma_start3A_917] : memref<262144x128xf32, #tpu.memory_space<hbm>> -> memref<1x128xf32, #tpu.memory_space<hbm>>
    %dma_start3A_919 = arith.constant 57 : i32
    %dma_start3A_920 = arith.constant 0 : i32
    %dma_start3A_921 = tpu.memref_slice %arg2[%dma_start3A_919, %dma_start3A_920] : memref<128x128xf32, #tpu.memory_space<hbm>> -> memref<1x128xf32, #tpu.memory_space<hbm>>
    tpu.enqueue_dma source(%dma_start3A_921 : memref<1x128xf32, #tpu.memory_space<hbm>>) target(%dma_start3A_918 : memref<1x128xf32, #tpu.memory_space<hbm>>) target_semaphore(%arg6 : memref<!tpu.dma_semaphore, #tpu.memory_space<semaphore_mem>>)
    %dma_start3A_922 = arith.constant 0 : i32
    %dma_start3A_923 = tpu.memref_slice %arg3[%add3A_332, %dma_start3A_922] : memref<262144x128xf32, #tpu.memory_space<hbm>> -> memref<1x128xf32, #tpu.memory_space<hbm>>
    %dma_start3A_924 = arith.constant 89 : i32
    %dma_start3A_925 = arith.constant 0 : i32
    %dma_start3A_926 = tpu.memref_slice %arg2[%dma_start3A_924, %dma_start3A_925] : memref<128x128xf32, #tpu.memory_space<hbm>> -> memref<1x128xf32, #tpu.memory_space<hbm>>
    tpu.enqueue_dma source(%dma_start3A_926 : memref<1x128xf32, #tpu.memory_space<hbm>>) target(%dma_start3A_923 : memref<1x128xf32, #tpu.memory_space<hbm>>) target_semaphore(%arg6 : memref<!tpu.dma_semaphore, #tpu.memory_space<semaphore_mem>>)
    %dma_start3A_927 = arith.constant 0 : i32
    %dma_start3A_928 = tpu.memref_slice %arg3[%add3A_334, %dma_start3A_927] : memref<262144x128xf32, #tpu.memory_space<hbm>> -> memref<1x128xf32, #tpu.memory_space<hbm>>
    %dma_start3A_929 = arith.constant 121 : i32
    %dma_start3A_930 = arith.constant 0 : i32
    %dma_start3A_931 = tpu.memref_slice %arg2[%dma_start3A_929, %dma_start3A_930] : memref<128x128xf32, #tpu.memory_space<hbm>> -> memref<1x128xf32, #tpu.memory_space<hbm>>
    tpu.enqueue_dma source(%dma_start3A_931 : memref<1x128xf32, #tpu.memory_space<hbm>>) target(%dma_start3A_928 : memref<1x128xf32, #tpu.memory_space<hbm>>) target_semaphore(%arg6 : memref<!tpu.dma_semaphore, #tpu.memory_space<semaphore_mem>>)
    %dma_start3A_932 = arith.constant 0 : i32
    %dma_start3A_933 = tpu.memref_slice %arg3[%add3A_341, %dma_start3A_932] : memref<262144x128xf32, #tpu.memory_space<hbm>> -> memref<1x128xf32, #tpu.memory_space<hbm>>
    %dma_start3A_934 = arith.constant 26 : i32
    %dma_start3A_935 = arith.constant 0 : i32
    %dma_start3A_936 = tpu.memref_slice %arg2[%dma_start3A_934, %dma_start3A_935] : memref<128x128xf32, #tpu.memory_space<hbm>> -> memref<1x128xf32, #tpu.memory_space<hbm>>
    tpu.enqueue_dma source(%dma_start3A_936 : memref<1x128xf32, #tpu.memory_space<hbm>>) target(%dma_start3A_933 : memref<1x128xf32, #tpu.memory_space<hbm>>) target_semaphore(%arg6 : memref<!tpu.dma_semaphore, #tpu.memory_space<semaphore_mem>>)
    %dma_start3A_937 = arith.constant 0 : i32
    %dma_start3A_938 = tpu.memref_slice %arg3[%add3A_343, %dma_start3A_937] : memref<262144x128xf32, #tpu.memory_space<hbm>> -> memref<1x128xf32, #tpu.memory_space<hbm>>
    %dma_start3A_939 = arith.constant 58 : i32
    %dma_start3A_940 = arith.constant 0 : i32
    %dma_start3A_941 = tpu.memref_slice %arg2[%dma_start3A_939, %dma_start3A_940] : memref<128x128xf32, #tpu.memory_space<hbm>> -> memref<1x128xf32, #tpu.memory_space<hbm>>
    tpu.enqueue_dma source(%dma_start3A_941 : memref<1x128xf32, #tpu.memory_space<hbm>>) target(%dma_start3A_938 : memref<1x128xf32, #tpu.memory_space<hbm>>) target_semaphore(%arg6 : memref<!tpu.dma_semaphore, #tpu.memory_space<semaphore_mem>>)
    %dma_start3A_942 = arith.constant 0 : i32
    %dma_start3A_943 = tpu.memref_slice %arg3[%add3A_345, %dma_start3A_942] : memref<262144x128xf32, #tpu.memory_space<hbm>> -> memref<1x128xf32, #tpu.memory_space<hbm>>
    %dma_start3A_944 = arith.constant 90 : i32
    %dma_start3A_945 = arith.constant 0 : i32
    %dma_start3A_946 = tpu.memref_slice %arg2[%dma_start3A_944, %dma_start3A_945] : memref<128x128xf32, #tpu.memory_space<hbm>> -> memref<1x128xf32, #tpu.memory_space<hbm>>
    tpu.enqueue_dma source(%dma_start3A_946 : memref<1x128xf32, #tpu.memory_space<hbm>>) target(%dma_start3A_943 : memref<1x128xf32, #tpu.memory_space<hbm>>) target_semaphore(%arg6 : memref<!tpu.dma_semaphore, #tpu.memory_space<semaphore_mem>>)
    %dma_start3A_947 = arith.constant 0 : i32
    %dma_start3A_948 = tpu.memref_slice %arg3[%add3A_347, %dma_start3A_947] : memref<262144x128xf32, #tpu.memory_space<hbm>> -> memref<1x128xf32, #tpu.memory_space<hbm>>
    %dma_start3A_949 = arith.constant 122 : i32
    %dma_start3A_950 = arith.constant 0 : i32
    %dma_start3A_951 = tpu.memref_slice %arg2[%dma_start3A_949, %dma_start3A_950] : memref<128x128xf32, #tpu.memory_space<hbm>> -> memref<1x128xf32, #tpu.memory_space<hbm>>
    tpu.enqueue_dma source(%dma_start3A_951 : memref<1x128xf32, #tpu.memory_space<hbm>>) target(%dma_start3A_948 : memref<1x128xf32, #tpu.memory_space<hbm>>) target_semaphore(%arg6 : memref<!tpu.dma_semaphore, #tpu.memory_space<semaphore_mem>>)
    %dma_start3A_952 = arith.constant 0 : i32
    %dma_start3A_953 = tpu.memref_slice %arg3[%add3A_354, %dma_start3A_952] : memref<262144x128xf32, #tpu.memory_space<hbm>> -> memref<1x128xf32, #tpu.memory_space<hbm>>
    %dma_start3A_954 = arith.constant 27 : i32
    %dma_start3A_955 = arith.constant 0 : i32
    %dma_start3A_956 = tpu.memref_slice %arg2[%dma_start3A_954, %dma_start3A_955] : memref<128x128xf32, #tpu.memory_space<hbm>> -> memref<1x128xf32, #tpu.memory_space<hbm>>
    tpu.enqueue_dma source(%dma_start3A_956 : memref<1x128xf32, #tpu.memory_space<hbm>>) target(%dma_start3A_953 : memref<1x128xf32, #tpu.memory_space<hbm>>) target_semaphore(%arg6 : memref<!tpu.dma_semaphore, #tpu.memory_space<semaphore_mem>>)
    %dma_start3A_957 = arith.constant 0 : i32
    %dma_start3A_958 = tpu.memref_slice %arg3[%add3A_356, %dma_start3A_957] : memref<262144x128xf32, #tpu.memory_space<hbm>> -> memref<1x128xf32, #tpu.memory_space<hbm>>
    %dma_start3A_959 = arith.constant 59 : i32
    %dma_start3A_960 = arith.constant 0 : i32
    %dma_start3A_961 = tpu.memref_slice %arg2[%dma_start3A_959, %dma_start3A_960] : memref<128x128xf32, #tpu.memory_space<hbm>> -> memref<1x128xf32, #tpu.memory_space<hbm>>
    tpu.enqueue_dma source(%dma_start3A_961 : memref<1x128xf32, #tpu.memory_space<hbm>>) target(%dma_start3A_958 : memref<1x128xf32, #tpu.memory_space<hbm>>) target_semaphore(%arg6 : memref<!tpu.dma_semaphore, #tpu.memory_space<semaphore_mem>>)
    %dma_start3A_962 = arith.constant 0 : i32
    %dma_start3A_963 = tpu.memref_slice %arg3[%add3A_358, %dma_start3A_962] : memref<262144x128xf32, #tpu.memory_space<hbm>> -> memref<1x128xf32, #tpu.memory_space<hbm>>
    %dma_start3A_964 = arith.constant 91 : i32
    %dma_start3A_965 = arith.constant 0 : i32
    %dma_start3A_966 = tpu.memref_slice %arg2[%dma_start3A_964, %dma_start3A_965] : memref<128x128xf32, #tpu.memory_space<hbm>> -> memref<1x128xf32, #tpu.memory_space<hbm>>
    tpu.enqueue_dma source(%dma_start3A_966 : memref<1x128xf32, #tpu.memory_space<hbm>>) target(%dma_start3A_963 : memref<1x128xf32, #tpu.memory_space<hbm>>) target_semaphore(%arg6 : memref<!tpu.dma_semaphore, #tpu.memory_space<semaphore_mem>>)
    %dma_start3A_967 = arith.constant 0 : i32
    %dma_start3A_968 = tpu.memref_slice %arg3[%add3A_360, %dma_start3A_967] : memref<262144x128xf32, #tpu.memory_space<hbm>> -> memref<1x128xf32, #tpu.memory_space<hbm>>
    %dma_start3A_969 = arith.constant 123 : i32
    %dma_start3A_970 = arith.constant 0 : i32
    %dma_start3A_971 = tpu.memref_slice %arg2[%dma_start3A_969, %dma_start3A_970] : memref<128x128xf32, #tpu.memory_space<hbm>> -> memref<1x128xf32, #tpu.memory_space<hbm>>
    tpu.enqueue_dma source(%dma_start3A_971 : memref<1x128xf32, #tpu.memory_space<hbm>>) target(%dma_start3A_968 : memref<1x128xf32, #tpu.memory_space<hbm>>) target_semaphore(%arg6 : memref<!tpu.dma_semaphore, #tpu.memory_space<semaphore_mem>>)
    %dma_start3A_972 = arith.constant 0 : i32
    %dma_start3A_973 = tpu.memref_slice %arg3[%add3A_367, %dma_start3A_972] : memref<262144x128xf32, #tpu.memory_space<hbm>> -> memref<1x128xf32, #tpu.memory_space<hbm>>
    %dma_start3A_974 = arith.constant 28 : i32
    %dma_start3A_975 = arith.constant 0 : i32
    %dma_start3A_976 = tpu.memref_slice %arg2[%dma_start3A_974, %dma_start3A_975] : memref<128x128xf32, #tpu.memory_space<hbm>> -> memref<1x128xf32, #tpu.memory_space<hbm>>
    tpu.enqueue_dma source(%dma_start3A_976 : memref<1x128xf32, #tpu.memory_space<hbm>>) target(%dma_start3A_973 : memref<1x128xf32, #tpu.memory_space<hbm>>) target_semaphore(%arg6 : memref<!tpu.dma_semaphore, #tpu.memory_space<semaphore_mem>>)
    %dma_start3A_977 = arith.constant 0 : i32
    %dma_start3A_978 = tpu.memref_slice %arg3[%add3A_369, %dma_start3A_977] : memref<262144x128xf32, #tpu.memory_space<hbm>> -> memref<1x128xf32, #tpu.memory_space<hbm>>
    %dma_start3A_979 = arith.constant 60 : i32
    %dma_start3A_980 = arith.constant 0 : i32
    %dma_start3A_981 = tpu.memref_slice %arg2[%dma_start3A_979, %dma_start3A_980] : memref<128x128xf32, #tpu.memory_space<hbm>> -> memref<1x128xf32, #tpu.memory_space<hbm>>
    tpu.enqueue_dma source(%dma_start3A_981 : memref<1x128xf32, #tpu.memory_space<hbm>>) target(%dma_start3A_978 : memref<1x128xf32, #tpu.memory_space<hbm>>) target_semaphore(%arg6 : memref<!tpu.dma_semaphore, #tpu.memory_space<semaphore_mem>>)
    %dma_start3A_982 = arith.constant 0 : i32
    %dma_start3A_983 = tpu.memref_slice %arg3[%add3A_371, %dma_start3A_982] : memref<262144x128xf32, #tpu.memory_space<hbm>> -> memref<1x128xf32, #tpu.memory_space<hbm>>
    %dma_start3A_984 = arith.constant 92 : i32
    %dma_start3A_985 = arith.constant 0 : i32
    %dma_start3A_986 = tpu.memref_slice %arg2[%dma_start3A_984, %dma_start3A_985] : memref<128x128xf32, #tpu.memory_space<hbm>> -> memref<1x128xf32, #tpu.memory_space<hbm>>
    tpu.enqueue_dma source(%dma_start3A_986 : memref<1x128xf32, #tpu.memory_space<hbm>>) target(%dma_start3A_983 : memref<1x128xf32, #tpu.memory_space<hbm>>) target_semaphore(%arg6 : memref<!tpu.dma_semaphore, #tpu.memory_space<semaphore_mem>>)
    %dma_start3A_987 = arith.constant 0 : i32
    %dma_start3A_988 = tpu.memref_slice %arg3[%add3A_373, %dma_start3A_987] : memref<262144x128xf32, #tpu.memory_space<hbm>> -> memref<1x128xf32, #tpu.memory_space<hbm>>
    %dma_start3A_989 = arith.constant 124 : i32
    %dma_start3A_990 = arith.constant 0 : i32
    %dma_start3A_991 = tpu.memref_slice %arg2[%dma_start3A_989, %dma_start3A_990] : memref<128x128xf32, #tpu.memory_space<hbm>> -> memref<1x128xf32, #tpu.memory_space<hbm>>
    tpu.enqueue_dma source(%dma_start3A_991 : memref<1x128xf32, #tpu.memory_space<hbm>>) target(%dma_start3A_988 : memref<1x128xf32, #tpu.memory_space<hbm>>) target_semaphore(%arg6 : memref<!tpu.dma_semaphore, #tpu.memory_space<semaphore_mem>>)
    %dma_start3A_992 = arith.constant 0 : i32
    %dma_start3A_993 = tpu.memref_slice %arg3[%add3A_380, %dma_start3A_992] : memref<262144x128xf32, #tpu.memory_space<hbm>> -> memref<1x128xf32, #tpu.memory_space<hbm>>
    %dma_start3A_994 = arith.constant 29 : i32
    %dma_start3A_995 = arith.constant 0 : i32
    %dma_start3A_996 = tpu.memref_slice %arg2[%dma_start3A_994, %dma_start3A_995] : memref<128x128xf32, #tpu.memory_space<hbm>> -> memref<1x128xf32, #tpu.memory_space<hbm>>
    tpu.enqueue_dma source(%dma_start3A_996 : memref<1x128xf32, #tpu.memory_space<hbm>>) target(%dma_start3A_993 : memref<1x128xf32, #tpu.memory_space<hbm>>) target_semaphore(%arg6 : memref<!tpu.dma_semaphore, #tpu.memory_space<semaphore_mem>>)
    %dma_start3A_997 = arith.constant 0 : i32
    %dma_start3A_998 = tpu.memref_slice %arg3[%add3A_382, %dma_start3A_997] : memref<262144x128xf32, #tpu.memory_space<hbm>> -> memref<1x128xf32, #tpu.memory_space<hbm>>
    %dma_start3A_999 = arith.constant 61 : i32
    %dma_start3A_1000 = arith.constant 0 : i32
    %dma_start3A_1001 = tpu.memref_slice %arg2[%dma_start3A_999, %dma_start3A_1000] : memref<128x128xf32, #tpu.memory_space<hbm>> -> memref<1x128xf32, #tpu.memory_space<hbm>>
    tpu.enqueue_dma source(%dma_start3A_1001 : memref<1x128xf32, #tpu.memory_space<hbm>>) target(%dma_start3A_998 : memref<1x128xf32, #tpu.memory_space<hbm>>) target_semaphore(%arg6 : memref<!tpu.dma_semaphore, #tpu.memory_space<semaphore_mem>>)
    %dma_start3A_1002 = arith.constant 0 : i32
    %dma_start3A_1003 = tpu.memref_slice %arg3[%add3A_384, %dma_start3A_1002] : memref<262144x128xf32, #tpu.memory_space<hbm>> -> memref<1x128xf32, #tpu.memory_space<hbm>>
    %dma_start3A_1004 = arith.constant 93 : i32
    %dma_start3A_1005 = arith.constant 0 : i32
    %dma_start3A_1006 = tpu.memref_slice %arg2[%dma_start3A_1004, %dma_start3A_1005] : memref<128x128xf32, #tpu.memory_space<hbm>> -> memref<1x128xf32, #tpu.memory_space<hbm>>
    tpu.enqueue_dma source(%dma_start3A_1006 : memref<1x128xf32, #tpu.memory_space<hbm>>) target(%dma_start3A_1003 : memref<1x128xf32, #tpu.memory_space<hbm>>) target_semaphore(%arg6 : memref<!tpu.dma_semaphore, #tpu.memory_space<semaphore_mem>>)
    %dma_start3A_1007 = arith.constant 0 : i32
    %dma_start3A_1008 = tpu.memref_slice %arg3[%add3A_386, %dma_start3A_1007] : memref<262144x128xf32, #tpu.memory_space<hbm>> -> memref<1x128xf32, #tpu.memory_space<hbm>>
    %dma_start3A_1009 = arith.constant 125 : i32
    %dma_start3A_1010 = arith.constant 0 : i32
    %dma_start3A_1011 = tpu.memref_slice %arg2[%dma_start3A_1009, %dma_start3A_1010] : memref<128x128xf32, #tpu.memory_space<hbm>> -> memref<1x128xf32, #tpu.memory_space<hbm>>
    tpu.enqueue_dma source(%dma_start3A_1011 : memref<1x128xf32, #tpu.memory_space<hbm>>) target(%dma_start3A_1008 : memref<1x128xf32, #tpu.memory_space<hbm>>) target_semaphore(%arg6 : memref<!tpu.dma_semaphore, #tpu.memory_space<semaphore_mem>>)
    %dma_start3A_1012 = arith.constant 0 : i32
    %dma_start3A_1013 = tpu.memref_slice %arg3[%add3A_393, %dma_start3A_1012] : memref<262144x128xf32, #tpu.memory_space<hbm>> -> memref<1x128xf32, #tpu.memory_space<hbm>>
    %dma_start3A_1014 = arith.constant 30 : i32
    %dma_start3A_1015 = arith.constant 0 : i32
    %dma_start3A_1016 = tpu.memref_slice %arg2[%dma_start3A_1014, %dma_start3A_1015] : memref<128x128xf32, #tpu.memory_space<hbm>> -> memref<1x128xf32, #tpu.memory_space<hbm>>
    tpu.enqueue_dma source(%dma_start3A_1016 : memref<1x128xf32, #tpu.memory_space<hbm>>) target(%dma_start3A_1013 : memref<1x128xf32, #tpu.memory_space<hbm>>) target_semaphore(%arg6 : memref<!tpu.dma_semaphore, #tpu.memory_space<semaphore_mem>>)
    %dma_start3A_1017 = arith.constant 0 : i32
    %dma_start3A_1018 = tpu.memref_slice %arg3[%add3A_395, %dma_start3A_1017] : memref<262144x128xf32, #tpu.memory_space<hbm>> -> memref<1x128xf32, #tpu.memory_space<hbm>>
    %dma_start3A_1019 = arith.constant 62 : i32
    %dma_start3A_1020 = arith.constant 0 : i32
    %dma_start3A_1021 = tpu.memref_slice %arg2[%dma_start3A_1019, %dma_start3A_1020] : memref<128x128xf32, #tpu.memory_space<hbm>> -> memref<1x128xf32, #tpu.memory_space<hbm>>
    tpu.enqueue_dma source(%dma_start3A_1021 : memref<1x128xf32, #tpu.memory_space<hbm>>) target(%dma_start3A_1018 : memref<1x128xf32, #tpu.memory_space<hbm>>) target_semaphore(%arg6 : memref<!tpu.dma_semaphore, #tpu.memory_space<semaphore_mem>>)
    %dma_start3A_1022 = arith.constant 0 : i32
    %dma_start3A_1023 = tpu.memref_slice %arg3[%add3A_397, %dma_start3A_1022] : memref<262144x128xf32, #tpu.memory_space<hbm>> -> memref<1x128xf32, #tpu.memory_space<hbm>>
    %dma_start3A_1024 = arith.constant 94 : i32
    %dma_start3A_1025 = arith.constant 0 : i32
    %dma_start3A_1026 = tpu.memref_slice %arg2[%dma_start3A_1024, %dma_start3A_1025] : memref<128x128xf32, #tpu.memory_space<hbm>> -> memref<1x128xf32, #tpu.memory_space<hbm>>
    tpu.enqueue_dma source(%dma_start3A_1026 : memref<1x128xf32, #tpu.memory_space<hbm>>) target(%dma_start3A_1023 : memref<1x128xf32, #tpu.memory_space<hbm>>) target_semaphore(%arg6 : memref<!tpu.dma_semaphore, #tpu.memory_space<semaphore_mem>>)
    %dma_start3A_1027 = arith.constant 0 : i32
    %dma_start3A_1028 = tpu.memref_slice %arg3[%add3A_399, %dma_start3A_1027] : memref<262144x128xf32, #tpu.memory_space<hbm>> -> memref<1x128xf32, #tpu.memory_space<hbm>>
    %dma_start3A_1029 = arith.constant 126 : i32
    %dma_start3A_1030 = arith.constant 0 : i32
    %dma_start3A_1031 = tpu.memref_slice %arg2[%dma_start3A_1029, %dma_start3A_1030] : memref<128x128xf32, #tpu.memory_space<hbm>> -> memref<1x128xf32, #tpu.memory_space<hbm>>
    tpu.enqueue_dma source(%dma_start3A_1031 : memref<1x128xf32, #tpu.memory_space<hbm>>) target(%dma_start3A_1028 : memref<1x128xf32, #tpu.memory_space<hbm>>) target_semaphore(%arg6 : memref<!tpu.dma_semaphore, #tpu.memory_space<semaphore_mem>>)
    %dma_start3A_1032 = arith.constant 0 : i32
    %dma_start3A_1033 = tpu.memref_slice %arg3[%add3A_406, %dma_start3A_1032] : memref<262144x128xf32, #tpu.memory_space<hbm>> -> memref<1x128xf32, #tpu.memory_space<hbm>>
    %dma_start3A_1034 = arith.constant 31 : i32
    %dma_start3A_1035 = arith.constant 0 : i32
    %dma_start3A_1036 = tpu.memref_slice %arg2[%dma_start3A_1034, %dma_start3A_1035] : memref<128x128xf32, #tpu.memory_space<hbm>> -> memref<1x128xf32, #tpu.memory_space<hbm>>
    tpu.enqueue_dma source(%dma_start3A_1036 : memref<1x128xf32, #tpu.memory_space<hbm>>) target(%dma_start3A_1033 : memref<1x128xf32, #tpu.memory_space<hbm>>) target_semaphore(%arg6 : memref<!tpu.dma_semaphore, #tpu.memory_space<semaphore_mem>>)
    %dma_start3A_1037 = arith.constant 0 : i32
    %dma_start3A_1038 = tpu.memref_slice %arg3[%add3A_408, %dma_start3A_1037] : memref<262144x128xf32, #tpu.memory_space<hbm>> -> memref<1x128xf32, #tpu.memory_space<hbm>>
    %dma_start3A_1039 = arith.constant 63 : i32
    %dma_start3A_1040 = arith.constant 0 : i32
    %dma_start3A_1041 = tpu.memref_slice %arg2[%dma_start3A_1039, %dma_start3A_1040] : memref<128x128xf32, #tpu.memory_space<hbm>> -> memref<1x128xf32, #tpu.memory_space<hbm>>
    tpu.enqueue_dma source(%dma_start3A_1041 : memref<1x128xf32, #tpu.memory_space<hbm>>) target(%dma_start3A_1038 : memref<1x128xf32, #tpu.memory_space<hbm>>) target_semaphore(%arg6 : memref<!tpu.dma_semaphore, #tpu.memory_space<semaphore_mem>>)
    %dma_start3A_1042 = arith.constant 0 : i32
    %dma_start3A_1043 = tpu.memref_slice %arg3[%add3A_410, %dma_start3A_1042] : memref<262144x128xf32, #tpu.memory_space<hbm>> -> memref<1x128xf32, #tpu.memory_space<hbm>>
    %dma_start3A_1044 = arith.constant 95 : i32
    %dma_start3A_1045 = arith.constant 0 : i32
    %dma_start3A_1046 = tpu.memref_slice %arg2[%dma_start3A_1044, %dma_start3A_1045] : memref<128x128xf32, #tpu.memory_space<hbm>> -> memref<1x128xf32, #tpu.memory_space<hbm>>
    tpu.enqueue_dma source(%dma_start3A_1046 : memref<1x128xf32, #tpu.memory_space<hbm>>) target(%dma_start3A_1043 : memref<1x128xf32, #tpu.memory_space<hbm>>) target_semaphore(%arg6 : memref<!tpu.dma_semaphore, #tpu.memory_space<semaphore_mem>>)
    %dma_start3A_1047 = arith.constant 0 : i32
    %dma_start3A_1048 = tpu.memref_slice %arg3[%add3A_412, %dma_start3A_1047] : memref<262144x128xf32, #tpu.memory_space<hbm>> -> memref<1x128xf32, #tpu.memory_space<hbm>>
    %dma_start3A_1049 = arith.constant 127 : i32
    %dma_start3A_1050 = arith.constant 0 : i32
    %dma_start3A_1051 = tpu.memref_slice %arg2[%dma_start3A_1049, %dma_start3A_1050] : memref<128x128xf32, #tpu.memory_space<hbm>> -> memref<1x128xf32, #tpu.memory_space<hbm>>
    tpu.enqueue_dma source(%dma_start3A_1051 : memref<1x128xf32, #tpu.memory_space<hbm>>) target(%dma_start3A_1048 : memref<1x128xf32, #tpu.memory_space<hbm>>) target_semaphore(%arg6 : memref<!tpu.dma_semaphore, #tpu.memory_space<semaphore_mem>>)
    %dma_wait3A = arith.constant 0 : i32
    %dma_wait3A_1052 = tpu.memref_slice %arg3[%add3A_3, %dma_wait3A] : memref<262144x128xf32, #tpu.memory_space<hbm>> -> memref<1x128xf32, #tpu.memory_space<hbm>>
    %dma_wait3A_1053 = arith.constant 0 : i32
    %dma_wait3A_1054 = arith.constant 0 : i32
    %dma_wait3A_1055 = tpu.memref_slice %arg2[%dma_wait3A_1053, %dma_wait3A_1054] : memref<128x128xf32, #tpu.memory_space<hbm>> -> memref<1x128xf32, #tpu.memory_space<hbm>>
    tpu.wait_dma2 semaphore(%arg6 : memref<!tpu.dma_semaphore, #tpu.memory_space<semaphore_mem>>) src(%dma_wait3A_1055 : memref<1x128xf32, #tpu.memory_space<hbm>>) dst(%dma_wait3A_1052 : memref<1x128xf32, #tpu.memory_space<hbm>>)
    %dma_wait3A_1056 = arith.constant 0 : i32
    %dma_wait3A_1057 = tpu.memref_slice %arg3[%add3A_5, %dma_wait3A_1056] : memref<262144x128xf32, #tpu.memory_space<hbm>> -> memref<1x128xf32, #tpu.memory_space<hbm>>
    %dma_wait3A_1058 = arith.constant 32 : i32
    %dma_wait3A_1059 = arith.constant 0 : i32
    %dma_wait3A_1060 = tpu.memref_slice %arg2[%dma_wait3A_1058, %dma_wait3A_1059] : memref<128x128xf32, #tpu.memory_space<hbm>> -> memref<1x128xf32, #tpu.memory_space<hbm>>
    tpu.wait_dma2 semaphore(%arg6 : memref<!tpu.dma_semaphore, #tpu.memory_space<semaphore_mem>>) src(%dma_wait3A_1060 : memref<1x128xf32, #tpu.memory_space<hbm>>) dst(%dma_wait3A_1057 : memref<1x128xf32, #tpu.memory_space<hbm>>)
    %dma_wait3A_1061 = arith.constant 0 : i32
    %dma_wait3A_1062 = tpu.memref_slice %arg3[%add3A_7, %dma_wait3A_1061] : memref<262144x128xf32, #tpu.memory_space<hbm>> -> memref<1x128xf32, #tpu.memory_space<hbm>>
    %dma_wait3A_1063 = arith.constant 64 : i32
    %dma_wait3A_1064 = arith.constant 0 : i32
    %dma_wait3A_1065 = tpu.memref_slice %arg2[%dma_wait3A_1063, %dma_wait3A_1064] : memref<128x128xf32, #tpu.memory_space<hbm>> -> memref<1x128xf32, #tpu.memory_space<hbm>>
    tpu.wait_dma2 semaphore(%arg6 : memref<!tpu.dma_semaphore, #tpu.memory_space<semaphore_mem>>) src(%dma_wait3A_1065 : memref<1x128xf32, #tpu.memory_space<hbm>>) dst(%dma_wait3A_1062 : memref<1x128xf32, #tpu.memory_space<hbm>>)
    %dma_wait3A_1066 = arith.constant 0 : i32
    %dma_wait3A_1067 = tpu.memref_slice %arg3[%add3A_9, %dma_wait3A_1066] : memref<262144x128xf32, #tpu.memory_space<hbm>> -> memref<1x128xf32, #tpu.memory_space<hbm>>
    %dma_wait3A_1068 = arith.constant 96 : i32
    %dma_wait3A_1069 = arith.constant 0 : i32
    %dma_wait3A_1070 = tpu.memref_slice %arg2[%dma_wait3A_1068, %dma_wait3A_1069] : memref<128x128xf32, #tpu.memory_space<hbm>> -> memref<1x128xf32, #tpu.memory_space<hbm>>
    tpu.wait_dma2 semaphore(%arg6 : memref<!tpu.dma_semaphore, #tpu.memory_space<semaphore_mem>>) src(%dma_wait3A_1070 : memref<1x128xf32, #tpu.memory_space<hbm>>) dst(%dma_wait3A_1067 : memref<1x128xf32, #tpu.memory_space<hbm>>)
    %dma_wait3A_1071 = arith.constant 0 : i32
    %dma_wait3A_1072 = tpu.memref_slice %arg3[%add3A_16, %dma_wait3A_1071] : memref<262144x128xf32, #tpu.memory_space<hbm>> -> memref<1x128xf32, #tpu.memory_space<hbm>>
    %dma_wait3A_1073 = arith.constant 1 : i32
    %dma_wait3A_1074 = arith.constant 0 : i32
    %dma_wait3A_1075 = tpu.memref_slice %arg2[%dma_wait3A_1073, %dma_wait3A_1074] : memref<128x128xf32, #tpu.memory_space<hbm>> -> memref<1x128xf32, #tpu.memory_space<hbm>>
    tpu.wait_dma2 semaphore(%arg6 : memref<!tpu.dma_semaphore, #tpu.memory_space<semaphore_mem>>) src(%dma_wait3A_1075 : memref<1x128xf32, #tpu.memory_space<hbm>>) dst(%dma_wait3A_1072 : memref<1x128xf32, #tpu.memory_space<hbm>>)
    %dma_wait3A_1076 = arith.constant 0 : i32
    %dma_wait3A_1077 = tpu.memref_slice %arg3[%add3A_18, %dma_wait3A_1076] : memref<262144x128xf32, #tpu.memory_space<hbm>> -> memref<1x128xf32, #tpu.memory_space<hbm>>
    %dma_wait3A_1078 = arith.constant 33 : i32
    %dma_wait3A_1079 = arith.constant 0 : i32
    %dma_wait3A_1080 = tpu.memref_slice %arg2[%dma_wait3A_1078, %dma_wait3A_1079] : memref<128x128xf32, #tpu.memory_space<hbm>> -> memref<1x128xf32, #tpu.memory_space<hbm>>
    tpu.wait_dma2 semaphore(%arg6 : memref<!tpu.dma_semaphore, #tpu.memory_space<semaphore_mem>>) src(%dma_wait3A_1080 : memref<1x128xf32, #tpu.memory_space<hbm>>) dst(%dma_wait3A_1077 : memref<1x128xf32, #tpu.memory_space<hbm>>)
    %dma_wait3A_1081 = arith.constant 0 : i32
    %dma_wait3A_1082 = tpu.memref_slice %arg3[%add3A_20, %dma_wait3A_1081] : memref<262144x128xf32, #tpu.memory_space<hbm>> -> memref<1x128xf32, #tpu.memory_space<hbm>>
    %dma_wait3A_1083 = arith.constant 65 : i32
    %dma_wait3A_1084 = arith.constant 0 : i32
    %dma_wait3A_1085 = tpu.memref_slice %arg2[%dma_wait3A_1083, %dma_wait3A_1084] : memref<128x128xf32, #tpu.memory_space<hbm>> -> memref<1x128xf32, #tpu.memory_space<hbm>>
    tpu.wait_dma2 semaphore(%arg6 : memref<!tpu.dma_semaphore, #tpu.memory_space<semaphore_mem>>) src(%dma_wait3A_1085 : memref<1x128xf32, #tpu.memory_space<hbm>>) dst(%dma_wait3A_1082 : memref<1x128xf32, #tpu.memory_space<hbm>>)
    %dma_wait3A_1086 = arith.constant 0 : i32
    %dma_wait3A_1087 = tpu.memref_slice %arg3[%add3A_22, %dma_wait3A_1086] : memref<262144x128xf32, #tpu.memory_space<hbm>> -> memref<1x128xf32, #tpu.memory_space<hbm>>
    %dma_wait3A_1088 = arith.constant 97 : i32
    %dma_wait3A_1089 = arith.constant 0 : i32
    %dma_wait3A_1090 = tpu.memref_slice %arg2[%dma_wait3A_1088, %dma_wait3A_1089] : memref<128x128xf32, #tpu.memory_space<hbm>> -> memref<1x128xf32, #tpu.memory_space<hbm>>
    tpu.wait_dma2 semaphore(%arg6 : memref<!tpu.dma_semaphore, #tpu.memory_space<semaphore_mem>>) src(%dma_wait3A_1090 : memref<1x128xf32, #tpu.memory_space<hbm>>) dst(%dma_wait3A_1087 : memref<1x128xf32, #tpu.memory_space<hbm>>)
    %dma_wait3A_1091 = arith.constant 0 : i32
    %dma_wait3A_1092 = tpu.memref_slice %arg3[%add3A_29, %dma_wait3A_1091] : memref<262144x128xf32, #tpu.memory_space<hbm>> -> memref<1x128xf32, #tpu.memory_space<hbm>>
    %dma_wait3A_1093 = arith.constant 2 : i32
    %dma_wait3A_1094 = arith.constant 0 : i32
    %dma_wait3A_1095 = tpu.memref_slice %arg2[%dma_wait3A_1093, %dma_wait3A_1094] : memref<128x128xf32, #tpu.memory_space<hbm>> -> memref<1x128xf32, #tpu.memory_space<hbm>>
    tpu.wait_dma2 semaphore(%arg6 : memref<!tpu.dma_semaphore, #tpu.memory_space<semaphore_mem>>) src(%dma_wait3A_1095 : memref<1x128xf32, #tpu.memory_space<hbm>>) dst(%dma_wait3A_1092 : memref<1x128xf32, #tpu.memory_space<hbm>>)
    %dma_wait3A_1096 = arith.constant 0 : i32
    %dma_wait3A_1097 = tpu.memref_slice %arg3[%add3A_31, %dma_wait3A_1096] : memref<262144x128xf32, #tpu.memory_space<hbm>> -> memref<1x128xf32, #tpu.memory_space<hbm>>
    %dma_wait3A_1098 = arith.constant 34 : i32
    %dma_wait3A_1099 = arith.constant 0 : i32
    %dma_wait3A_1100 = tpu.memref_slice %arg2[%dma_wait3A_1098, %dma_wait3A_1099] : memref<128x128xf32, #tpu.memory_space<hbm>> -> memref<1x128xf32, #tpu.memory_space<hbm>>
    tpu.wait_dma2 semaphore(%arg6 : memref<!tpu.dma_semaphore, #tpu.memory_space<semaphore_mem>>) src(%dma_wait3A_1100 : memref<1x128xf32, #tpu.memory_space<hbm>>) dst(%dma_wait3A_1097 : memref<1x128xf32, #tpu.memory_space<hbm>>)
    %dma_wait3A_1101 = arith.constant 0 : i32
    %dma_wait3A_1102 = tpu.memref_slice %arg3[%add3A_33, %dma_wait3A_1101] : memref<262144x128xf32, #tpu.memory_space<hbm>> -> memref<1x128xf32, #tpu.memory_space<hbm>>
    %dma_wait3A_1103 = arith.constant 66 : i32
    %dma_wait3A_1104 = arith.constant 0 : i32
    %dma_wait3A_1105 = tpu.memref_slice %arg2[%dma_wait3A_1103, %dma_wait3A_1104] : memref<128x128xf32, #tpu.memory_space<hbm>> -> memref<1x128xf32, #tpu.memory_space<hbm>>
    tpu.wait_dma2 semaphore(%arg6 : memref<!tpu.dma_semaphore, #tpu.memory_space<semaphore_mem>>) src(%dma_wait3A_1105 : memref<1x128xf32, #tpu.memory_space<hbm>>) dst(%dma_wait3A_1102 : memref<1x128xf32, #tpu.memory_space<hbm>>)
    %dma_wait3A_1106 = arith.constant 0 : i32
    %dma_wait3A_1107 = tpu.memref_slice %arg3[%add3A_35, %dma_wait3A_1106] : memref<262144x128xf32, #tpu.memory_space<hbm>> -> memref<1x128xf32, #tpu.memory_space<hbm>>
    %dma_wait3A_1108 = arith.constant 98 : i32
    %dma_wait3A_1109 = arith.constant 0 : i32
    %dma_wait3A_1110 = tpu.memref_slice %arg2[%dma_wait3A_1108, %dma_wait3A_1109] : memref<128x128xf32, #tpu.memory_space<hbm>> -> memref<1x128xf32, #tpu.memory_space<hbm>>
    tpu.wait_dma2 semaphore(%arg6 : memref<!tpu.dma_semaphore, #tpu.memory_space<semaphore_mem>>) src(%dma_wait3A_1110 : memref<1x128xf32, #tpu.memory_space<hbm>>) dst(%dma_wait3A_1107 : memref<1x128xf32, #tpu.memory_space<hbm>>)
    %dma_wait3A_1111 = arith.constant 0 : i32
    %dma_wait3A_1112 = tpu.memref_slice %arg3[%add3A_42, %dma_wait3A_1111] : memref<262144x128xf32, #tpu.memory_space<hbm>> -> memref<1x128xf32, #tpu.memory_space<hbm>>
    %dma_wait3A_1113 = arith.constant 3 : i32
    %dma_wait3A_1114 = arith.constant 0 : i32
    %dma_wait3A_1115 = tpu.memref_slice %arg2[%dma_wait3A_1113, %dma_wait3A_1114] : memref<128x128xf32, #tpu.memory_space<hbm>> -> memref<1x128xf32, #tpu.memory_space<hbm>>
    tpu.wait_dma2 semaphore(%arg6 : memref<!tpu.dma_semaphore, #tpu.memory_space<semaphore_mem>>) src(%dma_wait3A_1115 : memref<1x128xf32, #tpu.memory_space<hbm>>) dst(%dma_wait3A_1112 : memref<1x128xf32, #tpu.memory_space<hbm>>)
    %dma_wait3A_1116 = arith.constant 0 : i32
    %dma_wait3A_1117 = tpu.memref_slice %arg3[%add3A_44, %dma_wait3A_1116] : memref<262144x128xf32, #tpu.memory_space<hbm>> -> memref<1x128xf32, #tpu.memory_space<hbm>>
    %dma_wait3A_1118 = arith.constant 35 : i32
    %dma_wait3A_1119 = arith.constant 0 : i32
    %dma_wait3A_1120 = tpu.memref_slice %arg2[%dma_wait3A_1118, %dma_wait3A_1119] : memref<128x128xf32, #tpu.memory_space<hbm>> -> memref<1x128xf32, #tpu.memory_space<hbm>>
    tpu.wait_dma2 semaphore(%arg6 : memref<!tpu.dma_semaphore, #tpu.memory_space<semaphore_mem>>) src(%dma_wait3A_1120 : memref<1x128xf32, #tpu.memory_space<hbm>>) dst(%dma_wait3A_1117 : memref<1x128xf32, #tpu.memory_space<hbm>>)
    %dma_wait3A_1121 = arith.constant 0 : i32
    %dma_wait3A_1122 = tpu.memref_slice %arg3[%add3A_46, %dma_wait3A_1121] : memref<262144x128xf32, #tpu.memory_space<hbm>> -> memref<1x128xf32, #tpu.memory_space<hbm>>
    %dma_wait3A_1123 = arith.constant 67 : i32
    %dma_wait3A_1124 = arith.constant 0 : i32
    %dma_wait3A_1125 = tpu.memref_slice %arg2[%dma_wait3A_1123, %dma_wait3A_1124] : memref<128x128xf32, #tpu.memory_space<hbm>> -> memref<1x128xf32, #tpu.memory_space<hbm>>
    tpu.wait_dma2 semaphore(%arg6 : memref<!tpu.dma_semaphore, #tpu.memory_space<semaphore_mem>>) src(%dma_wait3A_1125 : memref<1x128xf32, #tpu.memory_space<hbm>>) dst(%dma_wait3A_1122 : memref<1x128xf32, #tpu.memory_space<hbm>>)
    %dma_wait3A_1126 = arith.constant 0 : i32
    %dma_wait3A_1127 = tpu.memref_slice %arg3[%add3A_48, %dma_wait3A_1126] : memref<262144x128xf32, #tpu.memory_space<hbm>> -> memref<1x128xf32, #tpu.memory_space<hbm>>
    %dma_wait3A_1128 = arith.constant 99 : i32
    %dma_wait3A_1129 = arith.constant 0 : i32
    %dma_wait3A_1130 = tpu.memref_slice %arg2[%dma_wait3A_1128, %dma_wait3A_1129] : memref<128x128xf32, #tpu.memory_space<hbm>> -> memref<1x128xf32, #tpu.memory_space<hbm>>
    tpu.wait_dma2 semaphore(%arg6 : memref<!tpu.dma_semaphore, #tpu.memory_space<semaphore_mem>>) src(%dma_wait3A_1130 : memref<1x128xf32, #tpu.memory_space<hbm>>) dst(%dma_wait3A_1127 : memref<1x128xf32, #tpu.memory_space<hbm>>)
    %dma_wait3A_1131 = arith.constant 0 : i32
    %dma_wait3A_1132 = tpu.memref_slice %arg3[%add3A_55, %dma_wait3A_1131] : memref<262144x128xf32, #tpu.memory_space<hbm>> -> memref<1x128xf32, #tpu.memory_space<hbm>>
    %dma_wait3A_1133 = arith.constant 4 : i32
    %dma_wait3A_1134 = arith.constant 0 : i32
    %dma_wait3A_1135 = tpu.memref_slice %arg2[%dma_wait3A_1133, %dma_wait3A_1134] : memref<128x128xf32, #tpu.memory_space<hbm>> -> memref<1x128xf32, #tpu.memory_space<hbm>>
    tpu.wait_dma2 semaphore(%arg6 : memref<!tpu.dma_semaphore, #tpu.memory_space<semaphore_mem>>) src(%dma_wait3A_1135 : memref<1x128xf32, #tpu.memory_space<hbm>>) dst(%dma_wait3A_1132 : memref<1x128xf32, #tpu.memory_space<hbm>>)
    %dma_wait3A_1136 = arith.constant 0 : i32
    %dma_wait3A_1137 = tpu.memref_slice %arg3[%add3A_57, %dma_wait3A_1136] : memref<262144x128xf32, #tpu.memory_space<hbm>> -> memref<1x128xf32, #tpu.memory_space<hbm>>
    %dma_wait3A_1138 = arith.constant 36 : i32
    %dma_wait3A_1139 = arith.constant 0 : i32
    %dma_wait3A_1140 = tpu.memref_slice %arg2[%dma_wait3A_1138, %dma_wait3A_1139] : memref<128x128xf32, #tpu.memory_space<hbm>> -> memref<1x128xf32, #tpu.memory_space<hbm>>
    tpu.wait_dma2 semaphore(%arg6 : memref<!tpu.dma_semaphore, #tpu.memory_space<semaphore_mem>>) src(%dma_wait3A_1140 : memref<1x128xf32, #tpu.memory_space<hbm>>) dst(%dma_wait3A_1137 : memref<1x128xf32, #tpu.memory_space<hbm>>)
    %dma_wait3A_1141 = arith.constant 0 : i32
    %dma_wait3A_1142 = tpu.memref_slice %arg3[%add3A_59, %dma_wait3A_1141] : memref<262144x128xf32, #tpu.memory_space<hbm>> -> memref<1x128xf32, #tpu.memory_space<hbm>>
    %dma_wait3A_1143 = arith.constant 68 : i32
    %dma_wait3A_1144 = arith.constant 0 : i32
    %dma_wait3A_1145 = tpu.memref_slice %arg2[%dma_wait3A_1143, %dma_wait3A_1144] : memref<128x128xf32, #tpu.memory_space<hbm>> -> memref<1x128xf32, #tpu.memory_space<hbm>>
    tpu.wait_dma2 semaphore(%arg6 : memref<!tpu.dma_semaphore, #tpu.memory_space<semaphore_mem>>) src(%dma_wait3A_1145 : memref<1x128xf32, #tpu.memory_space<hbm>>) dst(%dma_wait3A_1142 : memref<1x128xf32, #tpu.memory_space<hbm>>)
    %dma_wait3A_1146 = arith.constant 0 : i32
    %dma_wait3A_1147 = tpu.memref_slice %arg3[%add3A_61, %dma_wait3A_1146] : memref<262144x128xf32, #tpu.memory_space<hbm>> -> memref<1x128xf32, #tpu.memory_space<hbm>>
    %dma_wait3A_1148 = arith.constant 100 : i32
    %dma_wait3A_1149 = arith.constant 0 : i32
    %dma_wait3A_1150 = tpu.memref_slice %arg2[%dma_wait3A_1148, %dma_wait3A_1149] : memref<128x128xf32, #tpu.memory_space<hbm>> -> memref<1x128xf32, #tpu.memory_space<hbm>>
    tpu.wait_dma2 semaphore(%arg6 : memref<!tpu.dma_semaphore, #tpu.memory_space<semaphore_mem>>) src(%dma_wait3A_1150 : memref<1x128xf32, #tpu.memory_space<hbm>>) dst(%dma_wait3A_1147 : memref<1x128xf32, #tpu.memory_space<hbm>>)
    %dma_wait3A_1151 = arith.constant 0 : i32
    %dma_wait3A_1152 = tpu.memref_slice %arg3[%add3A_68, %dma_wait3A_1151] : memref<262144x128xf32, #tpu.memory_space<hbm>> -> memref<1x128xf32, #tpu.memory_space<hbm>>
    %dma_wait3A_1153 = arith.constant 5 : i32
    %dma_wait3A_1154 = arith.constant 0 : i32
    %dma_wait3A_1155 = tpu.memref_slice %arg2[%dma_wait3A_1153, %dma_wait3A_1154] : memref<128x128xf32, #tpu.memory_space<hbm>> -> memref<1x128xf32, #tpu.memory_space<hbm>>
    tpu.wait_dma2 semaphore(%arg6 : memref<!tpu.dma_semaphore, #tpu.memory_space<semaphore_mem>>) src(%dma_wait3A_1155 : memref<1x128xf32, #tpu.memory_space<hbm>>) dst(%dma_wait3A_1152 : memref<1x128xf32, #tpu.memory_space<hbm>>)
    %dma_wait3A_1156 = arith.constant 0 : i32
    %dma_wait3A_1157 = tpu.memref_slice %arg3[%add3A_70, %dma_wait3A_1156] : memref<262144x128xf32, #tpu.memory_space<hbm>> -> memref<1x128xf32, #tpu.memory_space<hbm>>
    %dma_wait3A_1158 = arith.constant 37 : i32
    %dma_wait3A_1159 = arith.constant 0 : i32
    %dma_wait3A_1160 = tpu.memref_slice %arg2[%dma_wait3A_1158, %dma_wait3A_1159] : memref<128x128xf32, #tpu.memory_space<hbm>> -> memref<1x128xf32, #tpu.memory_space<hbm>>
    tpu.wait_dma2 semaphore(%arg6 : memref<!tpu.dma_semaphore, #tpu.memory_space<semaphore_mem>>) src(%dma_wait3A_1160 : memref<1x128xf32, #tpu.memory_space<hbm>>) dst(%dma_wait3A_1157 : memref<1x128xf32, #tpu.memory_space<hbm>>)
    %dma_wait3A_1161 = arith.constant 0 : i32
    %dma_wait3A_1162 = tpu.memref_slice %arg3[%add3A_72, %dma_wait3A_1161] : memref<262144x128xf32, #tpu.memory_space<hbm>> -> memref<1x128xf32, #tpu.memory_space<hbm>>
    %dma_wait3A_1163 = arith.constant 69 : i32
    %dma_wait3A_1164 = arith.constant 0 : i32
    %dma_wait3A_1165 = tpu.memref_slice %arg2[%dma_wait3A_1163, %dma_wait3A_1164] : memref<128x128xf32, #tpu.memory_space<hbm>> -> memref<1x128xf32, #tpu.memory_space<hbm>>
    tpu.wait_dma2 semaphore(%arg6 : memref<!tpu.dma_semaphore, #tpu.memory_space<semaphore_mem>>) src(%dma_wait3A_1165 : memref<1x128xf32, #tpu.memory_space<hbm>>) dst(%dma_wait3A_1162 : memref<1x128xf32, #tpu.memory_space<hbm>>)
    %dma_wait3A_1166 = arith.constant 0 : i32
    %dma_wait3A_1167 = tpu.memref_slice %arg3[%add3A_74, %dma_wait3A_1166] : memref<262144x128xf32, #tpu.memory_space<hbm>> -> memref<1x128xf32, #tpu.memory_space<hbm>>
    %dma_wait3A_1168 = arith.constant 101 : i32
    %dma_wait3A_1169 = arith.constant 0 : i32
    %dma_wait3A_1170 = tpu.memref_slice %arg2[%dma_wait3A_1168, %dma_wait3A_1169] : memref<128x128xf32, #tpu.memory_space<hbm>> -> memref<1x128xf32, #tpu.memory_space<hbm>>
    tpu.wait_dma2 semaphore(%arg6 : memref<!tpu.dma_semaphore, #tpu.memory_space<semaphore_mem>>) src(%dma_wait3A_1170 : memref<1x128xf32, #tpu.memory_space<hbm>>) dst(%dma_wait3A_1167 : memref<1x128xf32, #tpu.memory_space<hbm>>)
    %dma_wait3A_1171 = arith.constant 0 : i32
    %dma_wait3A_1172 = tpu.memref_slice %arg3[%add3A_81, %dma_wait3A_1171] : memref<262144x128xf32, #tpu.memory_space<hbm>> -> memref<1x128xf32, #tpu.memory_space<hbm>>
    %dma_wait3A_1173 = arith.constant 6 : i32
    %dma_wait3A_1174 = arith.constant 0 : i32
    %dma_wait3A_1175 = tpu.memref_slice %arg2[%dma_wait3A_1173, %dma_wait3A_1174] : memref<128x128xf32, #tpu.memory_space<hbm>> -> memref<1x128xf32, #tpu.memory_space<hbm>>
    tpu.wait_dma2 semaphore(%arg6 : memref<!tpu.dma_semaphore, #tpu.memory_space<semaphore_mem>>) src(%dma_wait3A_1175 : memref<1x128xf32, #tpu.memory_space<hbm>>) dst(%dma_wait3A_1172 : memref<1x128xf32, #tpu.memory_space<hbm>>)
    %dma_wait3A_1176 = arith.constant 0 : i32
    %dma_wait3A_1177 = tpu.memref_slice %arg3[%add3A_83, %dma_wait3A_1176] : memref<262144x128xf32, #tpu.memory_space<hbm>> -> memref<1x128xf32, #tpu.memory_space<hbm>>
    %dma_wait3A_1178 = arith.constant 38 : i32
    %dma_wait3A_1179 = arith.constant 0 : i32
    %dma_wait3A_1180 = tpu.memref_slice %arg2[%dma_wait3A_1178, %dma_wait3A_1179] : memref<128x128xf32, #tpu.memory_space<hbm>> -> memref<1x128xf32, #tpu.memory_space<hbm>>
    tpu.wait_dma2 semaphore(%arg6 : memref<!tpu.dma_semaphore, #tpu.memory_space<semaphore_mem>>) src(%dma_wait3A_1180 : memref<1x128xf32, #tpu.memory_space<hbm>>) dst(%dma_wait3A_1177 : memref<1x128xf32, #tpu.memory_space<hbm>>)
    %dma_wait3A_1181 = arith.constant 0 : i32
    %dma_wait3A_1182 = tpu.memref_slice %arg3[%add3A_85, %dma_wait3A_1181] : memref<262144x128xf32, #tpu.memory_space<hbm>> -> memref<1x128xf32, #tpu.memory_space<hbm>>
    %dma_wait3A_1183 = arith.constant 70 : i32
    %dma_wait3A_1184 = arith.constant 0 : i32
    %dma_wait3A_1185 = tpu.memref_slice %arg2[%dma_wait3A_1183, %dma_wait3A_1184] : memref<128x128xf32, #tpu.memory_space<hbm>> -> memref<1x128xf32, #tpu.memory_space<hbm>>
    tpu.wait_dma2 semaphore(%arg6 : memref<!tpu.dma_semaphore, #tpu.memory_space<semaphore_mem>>) src(%dma_wait3A_1185 : memref<1x128xf32, #tpu.memory_space<hbm>>) dst(%dma_wait3A_1182 : memref<1x128xf32, #tpu.memory_space<hbm>>)
    %dma_wait3A_1186 = arith.constant 0 : i32
    %dma_wait3A_1187 = tpu.memref_slice %arg3[%add3A_87, %dma_wait3A_1186] : memref<262144x128xf32, #tpu.memory_space<hbm>> -> memref<1x128xf32, #tpu.memory_space<hbm>>
    %dma_wait3A_1188 = arith.constant 102 : i32
    %dma_wait3A_1189 = arith.constant 0 : i32
    %dma_wait3A_1190 = tpu.memref_slice %arg2[%dma_wait3A_1188, %dma_wait3A_1189] : memref<128x128xf32, #tpu.memory_space<hbm>> -> memref<1x128xf32, #tpu.memory_space<hbm>>
    tpu.wait_dma2 semaphore(%arg6 : memref<!tpu.dma_semaphore, #tpu.memory_space<semaphore_mem>>) src(%dma_wait3A_1190 : memref<1x128xf32, #tpu.memory_space<hbm>>) dst(%dma_wait3A_1187 : memref<1x128xf32, #tpu.memory_space<hbm>>)
    %dma_wait3A_1191 = arith.constant 0 : i32
    %dma_wait3A_1192 = tpu.memref_slice %arg3[%add3A_94, %dma_wait3A_1191] : memref<262144x128xf32, #tpu.memory_space<hbm>> -> memref<1x128xf32, #tpu.memory_space<hbm>>
    %dma_wait3A_1193 = arith.constant 7 : i32
    %dma_wait3A_1194 = arith.constant 0 : i32
    %dma_wait3A_1195 = tpu.memref_slice %arg2[%dma_wait3A_1193, %dma_wait3A_1194] : memref<128x128xf32, #tpu.memory_space<hbm>> -> memref<1x128xf32, #tpu.memory_space<hbm>>
    tpu.wait_dma2 semaphore(%arg6 : memref<!tpu.dma_semaphore, #tpu.memory_space<semaphore_mem>>) src(%dma_wait3A_1195 : memref<1x128xf32, #tpu.memory_space<hbm>>) dst(%dma_wait3A_1192 : memref<1x128xf32, #tpu.memory_space<hbm>>)
    %dma_wait3A_1196 = arith.constant 0 : i32
    %dma_wait3A_1197 = tpu.memref_slice %arg3[%add3A_96, %dma_wait3A_1196] : memref<262144x128xf32, #tpu.memory_space<hbm>> -> memref<1x128xf32, #tpu.memory_space<hbm>>
    %dma_wait3A_1198 = arith.constant 39 : i32
    %dma_wait3A_1199 = arith.constant 0 : i32
    %dma_wait3A_1200 = tpu.memref_slice %arg2[%dma_wait3A_1198, %dma_wait3A_1199] : memref<128x128xf32, #tpu.memory_space<hbm>> -> memref<1x128xf32, #tpu.memory_space<hbm>>
    tpu.wait_dma2 semaphore(%arg6 : memref<!tpu.dma_semaphore, #tpu.memory_space<semaphore_mem>>) src(%dma_wait3A_1200 : memref<1x128xf32, #tpu.memory_space<hbm>>) dst(%dma_wait3A_1197 : memref<1x128xf32, #tpu.memory_space<hbm>>)
    %dma_wait3A_1201 = arith.constant 0 : i32
    %dma_wait3A_1202 = tpu.memref_slice %arg3[%add3A_98, %dma_wait3A_1201] : memref<262144x128xf32, #tpu.memory_space<hbm>> -> memref<1x128xf32, #tpu.memory_space<hbm>>
    %dma_wait3A_1203 = arith.constant 71 : i32
    %dma_wait3A_1204 = arith.constant 0 : i32
    %dma_wait3A_1205 = tpu.memref_slice %arg2[%dma_wait3A_1203, %dma_wait3A_1204] : memref<128x128xf32, #tpu.memory_space<hbm>> -> memref<1x128xf32, #tpu.memory_space<hbm>>
    tpu.wait_dma2 semaphore(%arg6 : memref<!tpu.dma_semaphore, #tpu.memory_space<semaphore_mem>>) src(%dma_wait3A_1205 : memref<1x128xf32, #tpu.memory_space<hbm>>) dst(%dma_wait3A_1202 : memref<1x128xf32, #tpu.memory_space<hbm>>)
    %dma_wait3A_1206 = arith.constant 0 : i32
    %dma_wait3A_1207 = tpu.memref_slice %arg3[%add3A_100, %dma_wait3A_1206] : memref<262144x128xf32, #tpu.memory_space<hbm>> -> memref<1x128xf32, #tpu.memory_space<hbm>>
    %dma_wait3A_1208 = arith.constant 103 : i32
    %dma_wait3A_1209 = arith.constant 0 : i32
    %dma_wait3A_1210 = tpu.memref_slice %arg2[%dma_wait3A_1208, %dma_wait3A_1209] : memref<128x128xf32, #tpu.memory_space<hbm>> -> memref<1x128xf32, #tpu.memory_space<hbm>>
    tpu.wait_dma2 semaphore(%arg6 : memref<!tpu.dma_semaphore, #tpu.memory_space<semaphore_mem>>) src(%dma_wait3A_1210 : memref<1x128xf32, #tpu.memory_space<hbm>>) dst(%dma_wait3A_1207 : memref<1x128xf32, #tpu.memory_space<hbm>>)
    %dma_wait3A_1211 = arith.constant 0 : i32
    %dma_wait3A_1212 = tpu.memref_slice %arg3[%add3A_107, %dma_wait3A_1211] : memref<262144x128xf32, #tpu.memory_space<hbm>> -> memref<1x128xf32, #tpu.memory_space<hbm>>
    %dma_wait3A_1213 = arith.constant 8 : i32
    %dma_wait3A_1214 = arith.constant 0 : i32
    %dma_wait3A_1215 = tpu.memref_slice %arg2[%dma_wait3A_1213, %dma_wait3A_1214] : memref<128x128xf32, #tpu.memory_space<hbm>> -> memref<1x128xf32, #tpu.memory_space<hbm>>
    tpu.wait_dma2 semaphore(%arg6 : memref<!tpu.dma_semaphore, #tpu.memory_space<semaphore_mem>>) src(%dma_wait3A_1215 : memref<1x128xf32, #tpu.memory_space<hbm>>) dst(%dma_wait3A_1212 : memref<1x128xf32, #tpu.memory_space<hbm>>)
    %dma_wait3A_1216 = arith.constant 0 : i32
    %dma_wait3A_1217 = tpu.memref_slice %arg3[%add3A_109, %dma_wait3A_1216] : memref<262144x128xf32, #tpu.memory_space<hbm>> -> memref<1x128xf32, #tpu.memory_space<hbm>>
    %dma_wait3A_1218 = arith.constant 40 : i32
    %dma_wait3A_1219 = arith.constant 0 : i32
    %dma_wait3A_1220 = tpu.memref_slice %arg2[%dma_wait3A_1218, %dma_wait3A_1219] : memref<128x128xf32, #tpu.memory_space<hbm>> -> memref<1x128xf32, #tpu.memory_space<hbm>>
    tpu.wait_dma2 semaphore(%arg6 : memref<!tpu.dma_semaphore, #tpu.memory_space<semaphore_mem>>) src(%dma_wait3A_1220 : memref<1x128xf32, #tpu.memory_space<hbm>>) dst(%dma_wait3A_1217 : memref<1x128xf32, #tpu.memory_space<hbm>>)
    %dma_wait3A_1221 = arith.constant 0 : i32
    %dma_wait3A_1222 = tpu.memref_slice %arg3[%add3A_111, %dma_wait3A_1221] : memref<262144x128xf32, #tpu.memory_space<hbm>> -> memref<1x128xf32, #tpu.memory_space<hbm>>
    %dma_wait3A_1223 = arith.constant 72 : i32
    %dma_wait3A_1224 = arith.constant 0 : i32
    %dma_wait3A_1225 = tpu.memref_slice %arg2[%dma_wait3A_1223, %dma_wait3A_1224] : memref<128x128xf32, #tpu.memory_space<hbm>> -> memref<1x128xf32, #tpu.memory_space<hbm>>
    tpu.wait_dma2 semaphore(%arg6 : memref<!tpu.dma_semaphore, #tpu.memory_space<semaphore_mem>>) src(%dma_wait3A_1225 : memref<1x128xf32, #tpu.memory_space<hbm>>) dst(%dma_wait3A_1222 : memref<1x128xf32, #tpu.memory_space<hbm>>)
    %dma_wait3A_1226 = arith.constant 0 : i32
    %dma_wait3A_1227 = tpu.memref_slice %arg3[%add3A_113, %dma_wait3A_1226] : memref<262144x128xf32, #tpu.memory_space<hbm>> -> memref<1x128xf32, #tpu.memory_space<hbm>>
    %dma_wait3A_1228 = arith.constant 104 : i32
    %dma_wait3A_1229 = arith.constant 0 : i32
    %dma_wait3A_1230 = tpu.memref_slice %arg2[%dma_wait3A_1228, %dma_wait3A_1229] : memref<128x128xf32, #tpu.memory_space<hbm>> -> memref<1x128xf32, #tpu.memory_space<hbm>>
    tpu.wait_dma2 semaphore(%arg6 : memref<!tpu.dma_semaphore, #tpu.memory_space<semaphore_mem>>) src(%dma_wait3A_1230 : memref<1x128xf32, #tpu.memory_space<hbm>>) dst(%dma_wait3A_1227 : memref<1x128xf32, #tpu.memory_space<hbm>>)
    %dma_wait3A_1231 = arith.constant 0 : i32
    %dma_wait3A_1232 = tpu.memref_slice %arg3[%add3A_120, %dma_wait3A_1231] : memref<262144x128xf32, #tpu.memory_space<hbm>> -> memref<1x128xf32, #tpu.memory_space<hbm>>
    %dma_wait3A_1233 = arith.constant 9 : i32
    %dma_wait3A_1234 = arith.constant 0 : i32
    %dma_wait3A_1235 = tpu.memref_slice %arg2[%dma_wait3A_1233, %dma_wait3A_1234] : memref<128x128xf32, #tpu.memory_space<hbm>> -> memref<1x128xf32, #tpu.memory_space<hbm>>
    tpu.wait_dma2 semaphore(%arg6 : memref<!tpu.dma_semaphore, #tpu.memory_space<semaphore_mem>>) src(%dma_wait3A_1235 : memref<1x128xf32, #tpu.memory_space<hbm>>) dst(%dma_wait3A_1232 : memref<1x128xf32, #tpu.memory_space<hbm>>)
    %dma_wait3A_1236 = arith.constant 0 : i32
    %dma_wait3A_1237 = tpu.memref_slice %arg3[%add3A_122, %dma_wait3A_1236] : memref<262144x128xf32, #tpu.memory_space<hbm>> -> memref<1x128xf32, #tpu.memory_space<hbm>>
    %dma_wait3A_1238 = arith.constant 41 : i32
    %dma_wait3A_1239 = arith.constant 0 : i32
    %dma_wait3A_1240 = tpu.memref_slice %arg2[%dma_wait3A_1238, %dma_wait3A_1239] : memref<128x128xf32, #tpu.memory_space<hbm>> -> memref<1x128xf32, #tpu.memory_space<hbm>>
    tpu.wait_dma2 semaphore(%arg6 : memref<!tpu.dma_semaphore, #tpu.memory_space<semaphore_mem>>) src(%dma_wait3A_1240 : memref<1x128xf32, #tpu.memory_space<hbm>>) dst(%dma_wait3A_1237 : memref<1x128xf32, #tpu.memory_space<hbm>>)
    %dma_wait3A_1241 = arith.constant 0 : i32
    %dma_wait3A_1242 = tpu.memref_slice %arg3[%add3A_124, %dma_wait3A_1241] : memref<262144x128xf32, #tpu.memory_space<hbm>> -> memref<1x128xf32, #tpu.memory_space<hbm>>
    %dma_wait3A_1243 = arith.constant 73 : i32
    %dma_wait3A_1244 = arith.constant 0 : i32
    %dma_wait3A_1245 = tpu.memref_slice %arg2[%dma_wait3A_1243, %dma_wait3A_1244] : memref<128x128xf32, #tpu.memory_space<hbm>> -> memref<1x128xf32, #tpu.memory_space<hbm>>
    tpu.wait_dma2 semaphore(%arg6 : memref<!tpu.dma_semaphore, #tpu.memory_space<semaphore_mem>>) src(%dma_wait3A_1245 : memref<1x128xf32, #tpu.memory_space<hbm>>) dst(%dma_wait3A_1242 : memref<1x128xf32, #tpu.memory_space<hbm>>)
    %dma_wait3A_1246 = arith.constant 0 : i32
    %dma_wait3A_1247 = tpu.memref_slice %arg3[%add3A_126, %dma_wait3A_1246] : memref<262144x128xf32, #tpu.memory_space<hbm>> -> memref<1x128xf32, #tpu.memory_space<hbm>>
    %dma_wait3A_1248 = arith.constant 105 : i32
    %dma_wait3A_1249 = arith.constant 0 : i32
    %dma_wait3A_1250 = tpu.memref_slice %arg2[%dma_wait3A_1248, %dma_wait3A_1249] : memref<128x128xf32, #tpu.memory_space<hbm>> -> memref<1x128xf32, #tpu.memory_space<hbm>>
    tpu.wait_dma2 semaphore(%arg6 : memref<!tpu.dma_semaphore, #tpu.memory_space<semaphore_mem>>) src(%dma_wait3A_1250 : memref<1x128xf32, #tpu.memory_space<hbm>>) dst(%dma_wait3A_1247 : memref<1x128xf32, #tpu.memory_space<hbm>>)
    %dma_wait3A_1251 = arith.constant 0 : i32
    %dma_wait3A_1252 = tpu.memref_slice %arg3[%add3A_133, %dma_wait3A_1251] : memref<262144x128xf32, #tpu.memory_space<hbm>> -> memref<1x128xf32, #tpu.memory_space<hbm>>
    %dma_wait3A_1253 = arith.constant 10 : i32
    %dma_wait3A_1254 = arith.constant 0 : i32
    %dma_wait3A_1255 = tpu.memref_slice %arg2[%dma_wait3A_1253, %dma_wait3A_1254] : memref<128x128xf32, #tpu.memory_space<hbm>> -> memref<1x128xf32, #tpu.memory_space<hbm>>
    tpu.wait_dma2 semaphore(%arg6 : memref<!tpu.dma_semaphore, #tpu.memory_space<semaphore_mem>>) src(%dma_wait3A_1255 : memref<1x128xf32, #tpu.memory_space<hbm>>) dst(%dma_wait3A_1252 : memref<1x128xf32, #tpu.memory_space<hbm>>)
    %dma_wait3A_1256 = arith.constant 0 : i32
    %dma_wait3A_1257 = tpu.memref_slice %arg3[%add3A_135, %dma_wait3A_1256] : memref<262144x128xf32, #tpu.memory_space<hbm>> -> memref<1x128xf32, #tpu.memory_space<hbm>>
    %dma_wait3A_1258 = arith.constant 42 : i32
    %dma_wait3A_1259 = arith.constant 0 : i32
    %dma_wait3A_1260 = tpu.memref_slice %arg2[%dma_wait3A_1258, %dma_wait3A_1259] : memref<128x128xf32, #tpu.memory_space<hbm>> -> memref<1x128xf32, #tpu.memory_space<hbm>>
    tpu.wait_dma2 semaphore(%arg6 : memref<!tpu.dma_semaphore, #tpu.memory_space<semaphore_mem>>) src(%dma_wait3A_1260 : memref<1x128xf32, #tpu.memory_space<hbm>>) dst(%dma_wait3A_1257 : memref<1x128xf32, #tpu.memory_space<hbm>>)
    %dma_wait3A_1261 = arith.constant 0 : i32
    %dma_wait3A_1262 = tpu.memref_slice %arg3[%add3A_137, %dma_wait3A_1261] : memref<262144x128xf32, #tpu.memory_space<hbm>> -> memref<1x128xf32, #tpu.memory_space<hbm>>
    %dma_wait3A_1263 = arith.constant 74 : i32
    %dma_wait3A_1264 = arith.constant 0 : i32
    %dma_wait3A_1265 = tpu.memref_slice %arg2[%dma_wait3A_1263, %dma_wait3A_1264] : memref<128x128xf32, #tpu.memory_space<hbm>> -> memref<1x128xf32, #tpu.memory_space<hbm>>
    tpu.wait_dma2 semaphore(%arg6 : memref<!tpu.dma_semaphore, #tpu.memory_space<semaphore_mem>>) src(%dma_wait3A_1265 : memref<1x128xf32, #tpu.memory_space<hbm>>) dst(%dma_wait3A_1262 : memref<1x128xf32, #tpu.memory_space<hbm>>)
    %dma_wait3A_1266 = arith.constant 0 : i32
    %dma_wait3A_1267 = tpu.memref_slice %arg3[%add3A_139, %dma_wait3A_1266] : memref<262144x128xf32, #tpu.memory_space<hbm>> -> memref<1x128xf32, #tpu.memory_space<hbm>>
    %dma_wait3A_1268 = arith.constant 106 : i32
    %dma_wait3A_1269 = arith.constant 0 : i32
    %dma_wait3A_1270 = tpu.memref_slice %arg2[%dma_wait3A_1268, %dma_wait3A_1269] : memref<128x128xf32, #tpu.memory_space<hbm>> -> memref<1x128xf32, #tpu.memory_space<hbm>>
    tpu.wait_dma2 semaphore(%arg6 : memref<!tpu.dma_semaphore, #tpu.memory_space<semaphore_mem>>) src(%dma_wait3A_1270 : memref<1x128xf32, #tpu.memory_space<hbm>>) dst(%dma_wait3A_1267 : memref<1x128xf32, #tpu.memory_space<hbm>>)
    %dma_wait3A_1271 = arith.constant 0 : i32
    %dma_wait3A_1272 = tpu.memref_slice %arg3[%add3A_146, %dma_wait3A_1271] : memref<262144x128xf32, #tpu.memory_space<hbm>> -> memref<1x128xf32, #tpu.memory_space<hbm>>
    %dma_wait3A_1273 = arith.constant 11 : i32
    %dma_wait3A_1274 = arith.constant 0 : i32
    %dma_wait3A_1275 = tpu.memref_slice %arg2[%dma_wait3A_1273, %dma_wait3A_1274] : memref<128x128xf32, #tpu.memory_space<hbm>> -> memref<1x128xf32, #tpu.memory_space<hbm>>
    tpu.wait_dma2 semaphore(%arg6 : memref<!tpu.dma_semaphore, #tpu.memory_space<semaphore_mem>>) src(%dma_wait3A_1275 : memref<1x128xf32, #tpu.memory_space<hbm>>) dst(%dma_wait3A_1272 : memref<1x128xf32, #tpu.memory_space<hbm>>)
    %dma_wait3A_1276 = arith.constant 0 : i32
    %dma_wait3A_1277 = tpu.memref_slice %arg3[%add3A_148, %dma_wait3A_1276] : memref<262144x128xf32, #tpu.memory_space<hbm>> -> memref<1x128xf32, #tpu.memory_space<hbm>>
    %dma_wait3A_1278 = arith.constant 43 : i32
    %dma_wait3A_1279 = arith.constant 0 : i32
    %dma_wait3A_1280 = tpu.memref_slice %arg2[%dma_wait3A_1278, %dma_wait3A_1279] : memref<128x128xf32, #tpu.memory_space<hbm>> -> memref<1x128xf32, #tpu.memory_space<hbm>>
    tpu.wait_dma2 semaphore(%arg6 : memref<!tpu.dma_semaphore, #tpu.memory_space<semaphore_mem>>) src(%dma_wait3A_1280 : memref<1x128xf32, #tpu.memory_space<hbm>>) dst(%dma_wait3A_1277 : memref<1x128xf32, #tpu.memory_space<hbm>>)
    %dma_wait3A_1281 = arith.constant 0 : i32
    %dma_wait3A_1282 = tpu.memref_slice %arg3[%add3A_150, %dma_wait3A_1281] : memref<262144x128xf32, #tpu.memory_space<hbm>> -> memref<1x128xf32, #tpu.memory_space<hbm>>
    %dma_wait3A_1283 = arith.constant 75 : i32
    %dma_wait3A_1284 = arith.constant 0 : i32
    %dma_wait3A_1285 = tpu.memref_slice %arg2[%dma_wait3A_1283, %dma_wait3A_1284] : memref<128x128xf32, #tpu.memory_space<hbm>> -> memref<1x128xf32, #tpu.memory_space<hbm>>
    tpu.wait_dma2 semaphore(%arg6 : memref<!tpu.dma_semaphore, #tpu.memory_space<semaphore_mem>>) src(%dma_wait3A_1285 : memref<1x128xf32, #tpu.memory_space<hbm>>) dst(%dma_wait3A_1282 : memref<1x128xf32, #tpu.memory_space<hbm>>)
    %dma_wait3A_1286 = arith.constant 0 : i32
    %dma_wait3A_1287 = tpu.memref_slice %arg3[%add3A_152, %dma_wait3A_1286] : memref<262144x128xf32, #tpu.memory_space<hbm>> -> memref<1x128xf32, #tpu.memory_space<hbm>>
    %dma_wait3A_1288 = arith.constant 107 : i32
    %dma_wait3A_1289 = arith.constant 0 : i32
    %dma_wait3A_1290 = tpu.memref_slice %arg2[%dma_wait3A_1288, %dma_wait3A_1289] : memref<128x128xf32, #tpu.memory_space<hbm>> -> memref<1x128xf32, #tpu.memory_space<hbm>>
    tpu.wait_dma2 semaphore(%arg6 : memref<!tpu.dma_semaphore, #tpu.memory_space<semaphore_mem>>) src(%dma_wait3A_1290 : memref<1x128xf32, #tpu.memory_space<hbm>>) dst(%dma_wait3A_1287 : memref<1x128xf32, #tpu.memory_space<hbm>>)
    %dma_wait3A_1291 = arith.constant 0 : i32
    %dma_wait3A_1292 = tpu.memref_slice %arg3[%add3A_159, %dma_wait3A_1291] : memref<262144x128xf32, #tpu.memory_space<hbm>> -> memref<1x128xf32, #tpu.memory_space<hbm>>
    %dma_wait3A_1293 = arith.constant 12 : i32
    %dma_wait3A_1294 = arith.constant 0 : i32
    %dma_wait3A_1295 = tpu.memref_slice %arg2[%dma_wait3A_1293, %dma_wait3A_1294] : memref<128x128xf32, #tpu.memory_space<hbm>> -> memref<1x128xf32, #tpu.memory_space<hbm>>
    tpu.wait_dma2 semaphore(%arg6 : memref<!tpu.dma_semaphore, #tpu.memory_space<semaphore_mem>>) src(%dma_wait3A_1295 : memref<1x128xf32, #tpu.memory_space<hbm>>) dst(%dma_wait3A_1292 : memref<1x128xf32, #tpu.memory_space<hbm>>)
    %dma_wait3A_1296 = arith.constant 0 : i32
    %dma_wait3A_1297 = tpu.memref_slice %arg3[%add3A_161, %dma_wait3A_1296] : memref<262144x128xf32, #tpu.memory_space<hbm>> -> memref<1x128xf32, #tpu.memory_space<hbm>>
    %dma_wait3A_1298 = arith.constant 44 : i32
    %dma_wait3A_1299 = arith.constant 0 : i32
    %dma_wait3A_1300 = tpu.memref_slice %arg2[%dma_wait3A_1298, %dma_wait3A_1299] : memref<128x128xf32, #tpu.memory_space<hbm>> -> memref<1x128xf32, #tpu.memory_space<hbm>>
    tpu.wait_dma2 semaphore(%arg6 : memref<!tpu.dma_semaphore, #tpu.memory_space<semaphore_mem>>) src(%dma_wait3A_1300 : memref<1x128xf32, #tpu.memory_space<hbm>>) dst(%dma_wait3A_1297 : memref<1x128xf32, #tpu.memory_space<hbm>>)
    %dma_wait3A_1301 = arith.constant 0 : i32
    %dma_wait3A_1302 = tpu.memref_slice %arg3[%add3A_163, %dma_wait3A_1301] : memref<262144x128xf32, #tpu.memory_space<hbm>> -> memref<1x128xf32, #tpu.memory_space<hbm>>
    %dma_wait3A_1303 = arith.constant 76 : i32
    %dma_wait3A_1304 = arith.constant 0 : i32
    %dma_wait3A_1305 = tpu.memref_slice %arg2[%dma_wait3A_1303, %dma_wait3A_1304] : memref<128x128xf32, #tpu.memory_space<hbm>> -> memref<1x128xf32, #tpu.memory_space<hbm>>
    tpu.wait_dma2 semaphore(%arg6 : memref<!tpu.dma_semaphore, #tpu.memory_space<semaphore_mem>>) src(%dma_wait3A_1305 : memref<1x128xf32, #tpu.memory_space<hbm>>) dst(%dma_wait3A_1302 : memref<1x128xf32, #tpu.memory_space<hbm>>)
    %dma_wait3A_1306 = arith.constant 0 : i32
    %dma_wait3A_1307 = tpu.memref_slice %arg3[%add3A_165, %dma_wait3A_1306] : memref<262144x128xf32, #tpu.memory_space<hbm>> -> memref<1x128xf32, #tpu.memory_space<hbm>>
    %dma_wait3A_1308 = arith.constant 108 : i32
    %dma_wait3A_1309 = arith.constant 0 : i32
    %dma_wait3A_1310 = tpu.memref_slice %arg2[%dma_wait3A_1308, %dma_wait3A_1309] : memref<128x128xf32, #tpu.memory_space<hbm>> -> memref<1x128xf32, #tpu.memory_space<hbm>>
    tpu.wait_dma2 semaphore(%arg6 : memref<!tpu.dma_semaphore, #tpu.memory_space<semaphore_mem>>) src(%dma_wait3A_1310 : memref<1x128xf32, #tpu.memory_space<hbm>>) dst(%dma_wait3A_1307 : memref<1x128xf32, #tpu.memory_space<hbm>>)
    %dma_wait3A_1311 = arith.constant 0 : i32
    %dma_wait3A_1312 = tpu.memref_slice %arg3[%add3A_172, %dma_wait3A_1311] : memref<262144x128xf32, #tpu.memory_space<hbm>> -> memref<1x128xf32, #tpu.memory_space<hbm>>
    %dma_wait3A_1313 = arith.constant 13 : i32
    %dma_wait3A_1314 = arith.constant 0 : i32
    %dma_wait3A_1315 = tpu.memref_slice %arg2[%dma_wait3A_1313, %dma_wait3A_1314] : memref<128x128xf32, #tpu.memory_space<hbm>> -> memref<1x128xf32, #tpu.memory_space<hbm>>
    tpu.wait_dma2 semaphore(%arg6 : memref<!tpu.dma_semaphore, #tpu.memory_space<semaphore_mem>>) src(%dma_wait3A_1315 : memref<1x128xf32, #tpu.memory_space<hbm>>) dst(%dma_wait3A_1312 : memref<1x128xf32, #tpu.memory_space<hbm>>)
    %dma_wait3A_1316 = arith.constant 0 : i32
    %dma_wait3A_1317 = tpu.memref_slice %arg3[%add3A_174, %dma_wait3A_1316] : memref<262144x128xf32, #tpu.memory_space<hbm>> -> memref<1x128xf32, #tpu.memory_space<hbm>>
    %dma_wait3A_1318 = arith.constant 45 : i32
    %dma_wait3A_1319 = arith.constant 0 : i32
    %dma_wait3A_1320 = tpu.memref_slice %arg2[%dma_wait3A_1318, %dma_wait3A_1319] : memref<128x128xf32, #tpu.memory_space<hbm>> -> memref<1x128xf32, #tpu.memory_space<hbm>>
    tpu.wait_dma2 semaphore(%arg6 : memref<!tpu.dma_semaphore, #tpu.memory_space<semaphore_mem>>) src(%dma_wait3A_1320 : memref<1x128xf32, #tpu.memory_space<hbm>>) dst(%dma_wait3A_1317 : memref<1x128xf32, #tpu.memory_space<hbm>>)
    %dma_wait3A_1321 = arith.constant 0 : i32
    %dma_wait3A_1322 = tpu.memref_slice %arg3[%add3A_176, %dma_wait3A_1321] : memref<262144x128xf32, #tpu.memory_space<hbm>> -> memref<1x128xf32, #tpu.memory_space<hbm>>
    %dma_wait3A_1323 = arith.constant 77 : i32
    %dma_wait3A_1324 = arith.constant 0 : i32
    %dma_wait3A_1325 = tpu.memref_slice %arg2[%dma_wait3A_1323, %dma_wait3A_1324] : memref<128x128xf32, #tpu.memory_space<hbm>> -> memref<1x128xf32, #tpu.memory_space<hbm>>
    tpu.wait_dma2 semaphore(%arg6 : memref<!tpu.dma_semaphore, #tpu.memory_space<semaphore_mem>>) src(%dma_wait3A_1325 : memref<1x128xf32, #tpu.memory_space<hbm>>) dst(%dma_wait3A_1322 : memref<1x128xf32, #tpu.memory_space<hbm>>)
    %dma_wait3A_1326 = arith.constant 0 : i32
    %dma_wait3A_1327 = tpu.memref_slice %arg3[%add3A_178, %dma_wait3A_1326] : memref<262144x128xf32, #tpu.memory_space<hbm>> -> memref<1x128xf32, #tpu.memory_space<hbm>>
    %dma_wait3A_1328 = arith.constant 109 : i32
    %dma_wait3A_1329 = arith.constant 0 : i32
    %dma_wait3A_1330 = tpu.memref_slice %arg2[%dma_wait3A_1328, %dma_wait3A_1329] : memref<128x128xf32, #tpu.memory_space<hbm>> -> memref<1x128xf32, #tpu.memory_space<hbm>>
    tpu.wait_dma2 semaphore(%arg6 : memref<!tpu.dma_semaphore, #tpu.memory_space<semaphore_mem>>) src(%dma_wait3A_1330 : memref<1x128xf32, #tpu.memory_space<hbm>>) dst(%dma_wait3A_1327 : memref<1x128xf32, #tpu.memory_space<hbm>>)
    %dma_wait3A_1331 = arith.constant 0 : i32
    %dma_wait3A_1332 = tpu.memref_slice %arg3[%add3A_185, %dma_wait3A_1331] : memref<262144x128xf32, #tpu.memory_space<hbm>> -> memref<1x128xf32, #tpu.memory_space<hbm>>
    %dma_wait3A_1333 = arith.constant 14 : i32
    %dma_wait3A_1334 = arith.constant 0 : i32
    %dma_wait3A_1335 = tpu.memref_slice %arg2[%dma_wait3A_1333, %dma_wait3A_1334] : memref<128x128xf32, #tpu.memory_space<hbm>> -> memref<1x128xf32, #tpu.memory_space<hbm>>
    tpu.wait_dma2 semaphore(%arg6 : memref<!tpu.dma_semaphore, #tpu.memory_space<semaphore_mem>>) src(%dma_wait3A_1335 : memref<1x128xf32, #tpu.memory_space<hbm>>) dst(%dma_wait3A_1332 : memref<1x128xf32, #tpu.memory_space<hbm>>)
    %dma_wait3A_1336 = arith.constant 0 : i32
    %dma_wait3A_1337 = tpu.memref_slice %arg3[%add3A_187, %dma_wait3A_1336] : memref<262144x128xf32, #tpu.memory_space<hbm>> -> memref<1x128xf32, #tpu.memory_space<hbm>>
    %dma_wait3A_1338 = arith.constant 46 : i32
    %dma_wait3A_1339 = arith.constant 0 : i32
    %dma_wait3A_1340 = tpu.memref_slice %arg2[%dma_wait3A_1338, %dma_wait3A_1339] : memref<128x128xf32, #tpu.memory_space<hbm>> -> memref<1x128xf32, #tpu.memory_space<hbm>>
    tpu.wait_dma2 semaphore(%arg6 : memref<!tpu.dma_semaphore, #tpu.memory_space<semaphore_mem>>) src(%dma_wait3A_1340 : memref<1x128xf32, #tpu.memory_space<hbm>>) dst(%dma_wait3A_1337 : memref<1x128xf32, #tpu.memory_space<hbm>>)
    %dma_wait3A_1341 = arith.constant 0 : i32
    %dma_wait3A_1342 = tpu.memref_slice %arg3[%add3A_189, %dma_wait3A_1341] : memref<262144x128xf32, #tpu.memory_space<hbm>> -> memref<1x128xf32, #tpu.memory_space<hbm>>
    %dma_wait3A_1343 = arith.constant 78 : i32
    %dma_wait3A_1344 = arith.constant 0 : i32
    %dma_wait3A_1345 = tpu.memref_slice %arg2[%dma_wait3A_1343, %dma_wait3A_1344] : memref<128x128xf32, #tpu.memory_space<hbm>> -> memref<1x128xf32, #tpu.memory_space<hbm>>
    tpu.wait_dma2 semaphore(%arg6 : memref<!tpu.dma_semaphore, #tpu.memory_space<semaphore_mem>>) src(%dma_wait3A_1345 : memref<1x128xf32, #tpu.memory_space<hbm>>) dst(%dma_wait3A_1342 : memref<1x128xf32, #tpu.memory_space<hbm>>)
    %dma_wait3A_1346 = arith.constant 0 : i32
    %dma_wait3A_1347 = tpu.memref_slice %arg3[%add3A_191, %dma_wait3A_1346] : memref<262144x128xf32, #tpu.memory_space<hbm>> -> memref<1x128xf32, #tpu.memory_space<hbm>>
    %dma_wait3A_1348 = arith.constant 110 : i32
    %dma_wait3A_1349 = arith.constant 0 : i32
    %dma_wait3A_1350 = tpu.memref_slice %arg2[%dma_wait3A_1348, %dma_wait3A_1349] : memref<128x128xf32, #tpu.memory_space<hbm>> -> memref<1x128xf32, #tpu.memory_space<hbm>>
    tpu.wait_dma2 semaphore(%arg6 : memref<!tpu.dma_semaphore, #tpu.memory_space<semaphore_mem>>) src(%dma_wait3A_1350 : memref<1x128xf32, #tpu.memory_space<hbm>>) dst(%dma_wait3A_1347 : memref<1x128xf32, #tpu.memory_space<hbm>>)
    %dma_wait3A_1351 = arith.constant 0 : i32
    %dma_wait3A_1352 = tpu.memref_slice %arg3[%add3A_198, %dma_wait3A_1351] : memref<262144x128xf32, #tpu.memory_space<hbm>> -> memref<1x128xf32, #tpu.memory_space<hbm>>
    %dma_wait3A_1353 = arith.constant 15 : i32
    %dma_wait3A_1354 = arith.constant 0 : i32
    %dma_wait3A_1355 = tpu.memref_slice %arg2[%dma_wait3A_1353, %dma_wait3A_1354] : memref<128x128xf32, #tpu.memory_space<hbm>> -> memref<1x128xf32, #tpu.memory_space<hbm>>
    tpu.wait_dma2 semaphore(%arg6 : memref<!tpu.dma_semaphore, #tpu.memory_space<semaphore_mem>>) src(%dma_wait3A_1355 : memref<1x128xf32, #tpu.memory_space<hbm>>) dst(%dma_wait3A_1352 : memref<1x128xf32, #tpu.memory_space<hbm>>)
    %dma_wait3A_1356 = arith.constant 0 : i32
    %dma_wait3A_1357 = tpu.memref_slice %arg3[%add3A_200, %dma_wait3A_1356] : memref<262144x128xf32, #tpu.memory_space<hbm>> -> memref<1x128xf32, #tpu.memory_space<hbm>>
    %dma_wait3A_1358 = arith.constant 47 : i32
    %dma_wait3A_1359 = arith.constant 0 : i32
    %dma_wait3A_1360 = tpu.memref_slice %arg2[%dma_wait3A_1358, %dma_wait3A_1359] : memref<128x128xf32, #tpu.memory_space<hbm>> -> memref<1x128xf32, #tpu.memory_space<hbm>>
    tpu.wait_dma2 semaphore(%arg6 : memref<!tpu.dma_semaphore, #tpu.memory_space<semaphore_mem>>) src(%dma_wait3A_1360 : memref<1x128xf32, #tpu.memory_space<hbm>>) dst(%dma_wait3A_1357 : memref<1x128xf32, #tpu.memory_space<hbm>>)
    %dma_wait3A_1361 = arith.constant 0 : i32
    %dma_wait3A_1362 = tpu.memref_slice %arg3[%add3A_202, %dma_wait3A_1361] : memref<262144x128xf32, #tpu.memory_space<hbm>> -> memref<1x128xf32, #tpu.memory_space<hbm>>
    %dma_wait3A_1363 = arith.constant 79 : i32
    %dma_wait3A_1364 = arith.constant 0 : i32
    %dma_wait3A_1365 = tpu.memref_slice %arg2[%dma_wait3A_1363, %dma_wait3A_1364] : memref<128x128xf32, #tpu.memory_space<hbm>> -> memref<1x128xf32, #tpu.memory_space<hbm>>
    tpu.wait_dma2 semaphore(%arg6 : memref<!tpu.dma_semaphore, #tpu.memory_space<semaphore_mem>>) src(%dma_wait3A_1365 : memref<1x128xf32, #tpu.memory_space<hbm>>) dst(%dma_wait3A_1362 : memref<1x128xf32, #tpu.memory_space<hbm>>)
    %dma_wait3A_1366 = arith.constant 0 : i32
    %dma_wait3A_1367 = tpu.memref_slice %arg3[%add3A_204, %dma_wait3A_1366] : memref<262144x128xf32, #tpu.memory_space<hbm>> -> memref<1x128xf32, #tpu.memory_space<hbm>>
    %dma_wait3A_1368 = arith.constant 111 : i32
    %dma_wait3A_1369 = arith.constant 0 : i32
    %dma_wait3A_1370 = tpu.memref_slice %arg2[%dma_wait3A_1368, %dma_wait3A_1369] : memref<128x128xf32, #tpu.memory_space<hbm>> -> memref<1x128xf32, #tpu.memory_space<hbm>>
    tpu.wait_dma2 semaphore(%arg6 : memref<!tpu.dma_semaphore, #tpu.memory_space<semaphore_mem>>) src(%dma_wait3A_1370 : memref<1x128xf32, #tpu.memory_space<hbm>>) dst(%dma_wait3A_1367 : memref<1x128xf32, #tpu.memory_space<hbm>>)
    %dma_wait3A_1371 = arith.constant 0 : i32
    %dma_wait3A_1372 = tpu.memref_slice %arg3[%add3A_211, %dma_wait3A_1371] : memref<262144x128xf32, #tpu.memory_space<hbm>> -> memref<1x128xf32, #tpu.memory_space<hbm>>
    %dma_wait3A_1373 = arith.constant 16 : i32
    %dma_wait3A_1374 = arith.constant 0 : i32
    %dma_wait3A_1375 = tpu.memref_slice %arg2[%dma_wait3A_1373, %dma_wait3A_1374] : memref<128x128xf32, #tpu.memory_space<hbm>> -> memref<1x128xf32, #tpu.memory_space<hbm>>
    tpu.wait_dma2 semaphore(%arg6 : memref<!tpu.dma_semaphore, #tpu.memory_space<semaphore_mem>>) src(%dma_wait3A_1375 : memref<1x128xf32, #tpu.memory_space<hbm>>) dst(%dma_wait3A_1372 : memref<1x128xf32, #tpu.memory_space<hbm>>)
    %dma_wait3A_1376 = arith.constant 0 : i32
    %dma_wait3A_1377 = tpu.memref_slice %arg3[%add3A_213, %dma_wait3A_1376] : memref<262144x128xf32, #tpu.memory_space<hbm>> -> memref<1x128xf32, #tpu.memory_space<hbm>>
    %dma_wait3A_1378 = arith.constant 48 : i32
    %dma_wait3A_1379 = arith.constant 0 : i32
    %dma_wait3A_1380 = tpu.memref_slice %arg2[%dma_wait3A_1378, %dma_wait3A_1379] : memref<128x128xf32, #tpu.memory_space<hbm>> -> memref<1x128xf32, #tpu.memory_space<hbm>>
    tpu.wait_dma2 semaphore(%arg6 : memref<!tpu.dma_semaphore, #tpu.memory_space<semaphore_mem>>) src(%dma_wait3A_1380 : memref<1x128xf32, #tpu.memory_space<hbm>>) dst(%dma_wait3A_1377 : memref<1x128xf32, #tpu.memory_space<hbm>>)
    %dma_wait3A_1381 = arith.constant 0 : i32
    %dma_wait3A_1382 = tpu.memref_slice %arg3[%add3A_215, %dma_wait3A_1381] : memref<262144x128xf32, #tpu.memory_space<hbm>> -> memref<1x128xf32, #tpu.memory_space<hbm>>
    %dma_wait3A_1383 = arith.constant 80 : i32
    %dma_wait3A_1384 = arith.constant 0 : i32
    %dma_wait3A_1385 = tpu.memref_slice %arg2[%dma_wait3A_1383, %dma_wait3A_1384] : memref<128x128xf32, #tpu.memory_space<hbm>> -> memref<1x128xf32, #tpu.memory_space<hbm>>
    tpu.wait_dma2 semaphore(%arg6 : memref<!tpu.dma_semaphore, #tpu.memory_space<semaphore_mem>>) src(%dma_wait3A_1385 : memref<1x128xf32, #tpu.memory_space<hbm>>) dst(%dma_wait3A_1382 : memref<1x128xf32, #tpu.memory_space<hbm>>)
    %dma_wait3A_1386 = arith.constant 0 : i32
    %dma_wait3A_1387 = tpu.memref_slice %arg3[%add3A_217, %dma_wait3A_1386] : memref<262144x128xf32, #tpu.memory_space<hbm>> -> memref<1x128xf32, #tpu.memory_space<hbm>>
    %dma_wait3A_1388 = arith.constant 112 : i32
    %dma_wait3A_1389 = arith.constant 0 : i32
    %dma_wait3A_1390 = tpu.memref_slice %arg2[%dma_wait3A_1388, %dma_wait3A_1389] : memref<128x128xf32, #tpu.memory_space<hbm>> -> memref<1x128xf32, #tpu.memory_space<hbm>>
    tpu.wait_dma2 semaphore(%arg6 : memref<!tpu.dma_semaphore, #tpu.memory_space<semaphore_mem>>) src(%dma_wait3A_1390 : memref<1x128xf32, #tpu.memory_space<hbm>>) dst(%dma_wait3A_1387 : memref<1x128xf32, #tpu.memory_space<hbm>>)
    %dma_wait3A_1391 = arith.constant 0 : i32
    %dma_wait3A_1392 = tpu.memref_slice %arg3[%add3A_224, %dma_wait3A_1391] : memref<262144x128xf32, #tpu.memory_space<hbm>> -> memref<1x128xf32, #tpu.memory_space<hbm>>
    %dma_wait3A_1393 = arith.constant 17 : i32
    %dma_wait3A_1394 = arith.constant 0 : i32
    %dma_wait3A_1395 = tpu.memref_slice %arg2[%dma_wait3A_1393, %dma_wait3A_1394] : memref<128x128xf32, #tpu.memory_space<hbm>> -> memref<1x128xf32, #tpu.memory_space<hbm>>
    tpu.wait_dma2 semaphore(%arg6 : memref<!tpu.dma_semaphore, #tpu.memory_space<semaphore_mem>>) src(%dma_wait3A_1395 : memref<1x128xf32, #tpu.memory_space<hbm>>) dst(%dma_wait3A_1392 : memref<1x128xf32, #tpu.memory_space<hbm>>)
    %dma_wait3A_1396 = arith.constant 0 : i32
    %dma_wait3A_1397 = tpu.memref_slice %arg3[%add3A_226, %dma_wait3A_1396] : memref<262144x128xf32, #tpu.memory_space<hbm>> -> memref<1x128xf32, #tpu.memory_space<hbm>>
    %dma_wait3A_1398 = arith.constant 49 : i32
    %dma_wait3A_1399 = arith.constant 0 : i32
    %dma_wait3A_1400 = tpu.memref_slice %arg2[%dma_wait3A_1398, %dma_wait3A_1399] : memref<128x128xf32, #tpu.memory_space<hbm>> -> memref<1x128xf32, #tpu.memory_space<hbm>>
    tpu.wait_dma2 semaphore(%arg6 : memref<!tpu.dma_semaphore, #tpu.memory_space<semaphore_mem>>) src(%dma_wait3A_1400 : memref<1x128xf32, #tpu.memory_space<hbm>>) dst(%dma_wait3A_1397 : memref<1x128xf32, #tpu.memory_space<hbm>>)
    %dma_wait3A_1401 = arith.constant 0 : i32
    %dma_wait3A_1402 = tpu.memref_slice %arg3[%add3A_228, %dma_wait3A_1401] : memref<262144x128xf32, #tpu.memory_space<hbm>> -> memref<1x128xf32, #tpu.memory_space<hbm>>
    %dma_wait3A_1403 = arith.constant 81 : i32
    %dma_wait3A_1404 = arith.constant 0 : i32
    %dma_wait3A_1405 = tpu.memref_slice %arg2[%dma_wait3A_1403, %dma_wait3A_1404] : memref<128x128xf32, #tpu.memory_space<hbm>> -> memref<1x128xf32, #tpu.memory_space<hbm>>
    tpu.wait_dma2 semaphore(%arg6 : memref<!tpu.dma_semaphore, #tpu.memory_space<semaphore_mem>>) src(%dma_wait3A_1405 : memref<1x128xf32, #tpu.memory_space<hbm>>) dst(%dma_wait3A_1402 : memref<1x128xf32, #tpu.memory_space<hbm>>)
    %dma_wait3A_1406 = arith.constant 0 : i32
    %dma_wait3A_1407 = tpu.memref_slice %arg3[%add3A_230, %dma_wait3A_1406] : memref<262144x128xf32, #tpu.memory_space<hbm>> -> memref<1x128xf32, #tpu.memory_space<hbm>>
    %dma_wait3A_1408 = arith.constant 113 : i32
    %dma_wait3A_1409 = arith.constant 0 : i32
    %dma_wait3A_1410 = tpu.memref_slice %arg2[%dma_wait3A_1408, %dma_wait3A_1409] : memref<128x128xf32, #tpu.memory_space<hbm>> -> memref<1x128xf32, #tpu.memory_space<hbm>>
    tpu.wait_dma2 semaphore(%arg6 : memref<!tpu.dma_semaphore, #tpu.memory_space<semaphore_mem>>) src(%dma_wait3A_1410 : memref<1x128xf32, #tpu.memory_space<hbm>>) dst(%dma_wait3A_1407 : memref<1x128xf32, #tpu.memory_space<hbm>>)
    %dma_wait3A_1411 = arith.constant 0 : i32
    %dma_wait3A_1412 = tpu.memref_slice %arg3[%add3A_237, %dma_wait3A_1411] : memref<262144x128xf32, #tpu.memory_space<hbm>> -> memref<1x128xf32, #tpu.memory_space<hbm>>
    %dma_wait3A_1413 = arith.constant 18 : i32
    %dma_wait3A_1414 = arith.constant 0 : i32
    %dma_wait3A_1415 = tpu.memref_slice %arg2[%dma_wait3A_1413, %dma_wait3A_1414] : memref<128x128xf32, #tpu.memory_space<hbm>> -> memref<1x128xf32, #tpu.memory_space<hbm>>
    tpu.wait_dma2 semaphore(%arg6 : memref<!tpu.dma_semaphore, #tpu.memory_space<semaphore_mem>>) src(%dma_wait3A_1415 : memref<1x128xf32, #tpu.memory_space<hbm>>) dst(%dma_wait3A_1412 : memref<1x128xf32, #tpu.memory_space<hbm>>)
    %dma_wait3A_1416 = arith.constant 0 : i32
    %dma_wait3A_1417 = tpu.memref_slice %arg3[%add3A_239, %dma_wait3A_1416] : memref<262144x128xf32, #tpu.memory_space<hbm>> -> memref<1x128xf32, #tpu.memory_space<hbm>>
    %dma_wait3A_1418 = arith.constant 50 : i32
    %dma_wait3A_1419 = arith.constant 0 : i32
    %dma_wait3A_1420 = tpu.memref_slice %arg2[%dma_wait3A_1418, %dma_wait3A_1419] : memref<128x128xf32, #tpu.memory_space<hbm>> -> memref<1x128xf32, #tpu.memory_space<hbm>>
    tpu.wait_dma2 semaphore(%arg6 : memref<!tpu.dma_semaphore, #tpu.memory_space<semaphore_mem>>) src(%dma_wait3A_1420 : memref<1x128xf32, #tpu.memory_space<hbm>>) dst(%dma_wait3A_1417 : memref<1x128xf32, #tpu.memory_space<hbm>>)
    %dma_wait3A_1421 = arith.constant 0 : i32
    %dma_wait3A_1422 = tpu.memref_slice %arg3[%add3A_241, %dma_wait3A_1421] : memref<262144x128xf32, #tpu.memory_space<hbm>> -> memref<1x128xf32, #tpu.memory_space<hbm>>
    %dma_wait3A_1423 = arith.constant 82 : i32
    %dma_wait3A_1424 = arith.constant 0 : i32
    %dma_wait3A_1425 = tpu.memref_slice %arg2[%dma_wait3A_1423, %dma_wait3A_1424] : memref<128x128xf32, #tpu.memory_space<hbm>> -> memref<1x128xf32, #tpu.memory_space<hbm>>
    tpu.wait_dma2 semaphore(%arg6 : memref<!tpu.dma_semaphore, #tpu.memory_space<semaphore_mem>>) src(%dma_wait3A_1425 : memref<1x128xf32, #tpu.memory_space<hbm>>) dst(%dma_wait3A_1422 : memref<1x128xf32, #tpu.memory_space<hbm>>)
    %dma_wait3A_1426 = arith.constant 0 : i32
    %dma_wait3A_1427 = tpu.memref_slice %arg3[%add3A_243, %dma_wait3A_1426] : memref<262144x128xf32, #tpu.memory_space<hbm>> -> memref<1x128xf32, #tpu.memory_space<hbm>>
    %dma_wait3A_1428 = arith.constant 114 : i32
    %dma_wait3A_1429 = arith.constant 0 : i32
    %dma_wait3A_1430 = tpu.memref_slice %arg2[%dma_wait3A_1428, %dma_wait3A_1429] : memref<128x128xf32, #tpu.memory_space<hbm>> -> memref<1x128xf32, #tpu.memory_space<hbm>>
    tpu.wait_dma2 semaphore(%arg6 : memref<!tpu.dma_semaphore, #tpu.memory_space<semaphore_mem>>) src(%dma_wait3A_1430 : memref<1x128xf32, #tpu.memory_space<hbm>>) dst(%dma_wait3A_1427 : memref<1x128xf32, #tpu.memory_space<hbm>>)
    %dma_wait3A_1431 = arith.constant 0 : i32
    %dma_wait3A_1432 = tpu.memref_slice %arg3[%add3A_250, %dma_wait3A_1431] : memref<262144x128xf32, #tpu.memory_space<hbm>> -> memref<1x128xf32, #tpu.memory_space<hbm>>
    %dma_wait3A_1433 = arith.constant 19 : i32
    %dma_wait3A_1434 = arith.constant 0 : i32
    %dma_wait3A_1435 = tpu.memref_slice %arg2[%dma_wait3A_1433, %dma_wait3A_1434] : memref<128x128xf32, #tpu.memory_space<hbm>> -> memref<1x128xf32, #tpu.memory_space<hbm>>
    tpu.wait_dma2 semaphore(%arg6 : memref<!tpu.dma_semaphore, #tpu.memory_space<semaphore_mem>>) src(%dma_wait3A_1435 : memref<1x128xf32, #tpu.memory_space<hbm>>) dst(%dma_wait3A_1432 : memref<1x128xf32, #tpu.memory_space<hbm>>)
    %dma_wait3A_1436 = arith.constant 0 : i32
    %dma_wait3A_1437 = tpu.memref_slice %arg3[%add3A_252, %dma_wait3A_1436] : memref<262144x128xf32, #tpu.memory_space<hbm>> -> memref<1x128xf32, #tpu.memory_space<hbm>>
    %dma_wait3A_1438 = arith.constant 51 : i32
    %dma_wait3A_1439 = arith.constant 0 : i32
    %dma_wait3A_1440 = tpu.memref_slice %arg2[%dma_wait3A_1438, %dma_wait3A_1439] : memref<128x128xf32, #tpu.memory_space<hbm>> -> memref<1x128xf32, #tpu.memory_space<hbm>>
    tpu.wait_dma2 semaphore(%arg6 : memref<!tpu.dma_semaphore, #tpu.memory_space<semaphore_mem>>) src(%dma_wait3A_1440 : memref<1x128xf32, #tpu.memory_space<hbm>>) dst(%dma_wait3A_1437 : memref<1x128xf32, #tpu.memory_space<hbm>>)
    %dma_wait3A_1441 = arith.constant 0 : i32
    %dma_wait3A_1442 = tpu.memref_slice %arg3[%add3A_254, %dma_wait3A_1441] : memref<262144x128xf32, #tpu.memory_space<hbm>> -> memref<1x128xf32, #tpu.memory_space<hbm>>
    %dma_wait3A_1443 = arith.constant 83 : i32
    %dma_wait3A_1444 = arith.constant 0 : i32
    %dma_wait3A_1445 = tpu.memref_slice %arg2[%dma_wait3A_1443, %dma_wait3A_1444] : memref<128x128xf32, #tpu.memory_space<hbm>> -> memref<1x128xf32, #tpu.memory_space<hbm>>
    tpu.wait_dma2 semaphore(%arg6 : memref<!tpu.dma_semaphore, #tpu.memory_space<semaphore_mem>>) src(%dma_wait3A_1445 : memref<1x128xf32, #tpu.memory_space<hbm>>) dst(%dma_wait3A_1442 : memref<1x128xf32, #tpu.memory_space<hbm>>)
    %dma_wait3A_1446 = arith.constant 0 : i32
    %dma_wait3A_1447 = tpu.memref_slice %arg3[%add3A_256, %dma_wait3A_1446] : memref<262144x128xf32, #tpu.memory_space<hbm>> -> memref<1x128xf32, #tpu.memory_space<hbm>>
    %dma_wait3A_1448 = arith.constant 115 : i32
    %dma_wait3A_1449 = arith.constant 0 : i32
    %dma_wait3A_1450 = tpu.memref_slice %arg2[%dma_wait3A_1448, %dma_wait3A_1449] : memref<128x128xf32, #tpu.memory_space<hbm>> -> memref<1x128xf32, #tpu.memory_space<hbm>>
    tpu.wait_dma2 semaphore(%arg6 : memref<!tpu.dma_semaphore, #tpu.memory_space<semaphore_mem>>) src(%dma_wait3A_1450 : memref<1x128xf32, #tpu.memory_space<hbm>>) dst(%dma_wait3A_1447 : memref<1x128xf32, #tpu.memory_space<hbm>>)
    %dma_wait3A_1451 = arith.constant 0 : i32
    %dma_wait3A_1452 = tpu.memref_slice %arg3[%add3A_263, %dma_wait3A_1451] : memref<262144x128xf32, #tpu.memory_space<hbm>> -> memref<1x128xf32, #tpu.memory_space<hbm>>
    %dma_wait3A_1453 = arith.constant 20 : i32
    %dma_wait3A_1454 = arith.constant 0 : i32
    %dma_wait3A_1455 = tpu.memref_slice %arg2[%dma_wait3A_1453, %dma_wait3A_1454] : memref<128x128xf32, #tpu.memory_space<hbm>> -> memref<1x128xf32, #tpu.memory_space<hbm>>
    tpu.wait_dma2 semaphore(%arg6 : memref<!tpu.dma_semaphore, #tpu.memory_space<semaphore_mem>>) src(%dma_wait3A_1455 : memref<1x128xf32, #tpu.memory_space<hbm>>) dst(%dma_wait3A_1452 : memref<1x128xf32, #tpu.memory_space<hbm>>)
    %dma_wait3A_1456 = arith.constant 0 : i32
    %dma_wait3A_1457 = tpu.memref_slice %arg3[%add3A_265, %dma_wait3A_1456] : memref<262144x128xf32, #tpu.memory_space<hbm>> -> memref<1x128xf32, #tpu.memory_space<hbm>>
    %dma_wait3A_1458 = arith.constant 52 : i32
    %dma_wait3A_1459 = arith.constant 0 : i32
    %dma_wait3A_1460 = tpu.memref_slice %arg2[%dma_wait3A_1458, %dma_wait3A_1459] : memref<128x128xf32, #tpu.memory_space<hbm>> -> memref<1x128xf32, #tpu.memory_space<hbm>>
    tpu.wait_dma2 semaphore(%arg6 : memref<!tpu.dma_semaphore, #tpu.memory_space<semaphore_mem>>) src(%dma_wait3A_1460 : memref<1x128xf32, #tpu.memory_space<hbm>>) dst(%dma_wait3A_1457 : memref<1x128xf32, #tpu.memory_space<hbm>>)
    %dma_wait3A_1461 = arith.constant 0 : i32
    %dma_wait3A_1462 = tpu.memref_slice %arg3[%add3A_267, %dma_wait3A_1461] : memref<262144x128xf32, #tpu.memory_space<hbm>> -> memref<1x128xf32, #tpu.memory_space<hbm>>
    %dma_wait3A_1463 = arith.constant 84 : i32
    %dma_wait3A_1464 = arith.constant 0 : i32
    %dma_wait3A_1465 = tpu.memref_slice %arg2[%dma_wait3A_1463, %dma_wait3A_1464] : memref<128x128xf32, #tpu.memory_space<hbm>> -> memref<1x128xf32, #tpu.memory_space<hbm>>
    tpu.wait_dma2 semaphore(%arg6 : memref<!tpu.dma_semaphore, #tpu.memory_space<semaphore_mem>>) src(%dma_wait3A_1465 : memref<1x128xf32, #tpu.memory_space<hbm>>) dst(%dma_wait3A_1462 : memref<1x128xf32, #tpu.memory_space<hbm>>)
    %dma_wait3A_1466 = arith.constant 0 : i32
    %dma_wait3A_1467 = tpu.memref_slice %arg3[%add3A_269, %dma_wait3A_1466] : memref<262144x128xf32, #tpu.memory_space<hbm>> -> memref<1x128xf32, #tpu.memory_space<hbm>>
    %dma_wait3A_1468 = arith.constant 116 : i32
    %dma_wait3A_1469 = arith.constant 0 : i32
    %dma_wait3A_1470 = tpu.memref_slice %arg2[%dma_wait3A_1468, %dma_wait3A_1469] : memref<128x128xf32, #tpu.memory_space<hbm>> -> memref<1x128xf32, #tpu.memory_space<hbm>>
    tpu.wait_dma2 semaphore(%arg6 : memref<!tpu.dma_semaphore, #tpu.memory_space<semaphore_mem>>) src(%dma_wait3A_1470 : memref<1x128xf32, #tpu.memory_space<hbm>>) dst(%dma_wait3A_1467 : memref<1x128xf32, #tpu.memory_space<hbm>>)
    %dma_wait3A_1471 = arith.constant 0 : i32
    %dma_wait3A_1472 = tpu.memref_slice %arg3[%add3A_276, %dma_wait3A_1471] : memref<262144x128xf32, #tpu.memory_space<hbm>> -> memref<1x128xf32, #tpu.memory_space<hbm>>
    %dma_wait3A_1473 = arith.constant 21 : i32
    %dma_wait3A_1474 = arith.constant 0 : i32
    %dma_wait3A_1475 = tpu.memref_slice %arg2[%dma_wait3A_1473, %dma_wait3A_1474] : memref<128x128xf32, #tpu.memory_space<hbm>> -> memref<1x128xf32, #tpu.memory_space<hbm>>
    tpu.wait_dma2 semaphore(%arg6 : memref<!tpu.dma_semaphore, #tpu.memory_space<semaphore_mem>>) src(%dma_wait3A_1475 : memref<1x128xf32, #tpu.memory_space<hbm>>) dst(%dma_wait3A_1472 : memref<1x128xf32, #tpu.memory_space<hbm>>)
    %dma_wait3A_1476 = arith.constant 0 : i32
    %dma_wait3A_1477 = tpu.memref_slice %arg3[%add3A_278, %dma_wait3A_1476] : memref<262144x128xf32, #tpu.memory_space<hbm>> -> memref<1x128xf32, #tpu.memory_space<hbm>>
    %dma_wait3A_1478 = arith.constant 53 : i32
    %dma_wait3A_1479 = arith.constant 0 : i32
    %dma_wait3A_1480 = tpu.memref_slice %arg2[%dma_wait3A_1478, %dma_wait3A_1479] : memref<128x128xf32, #tpu.memory_space<hbm>> -> memref<1x128xf32, #tpu.memory_space<hbm>>
    tpu.wait_dma2 semaphore(%arg6 : memref<!tpu.dma_semaphore, #tpu.memory_space<semaphore_mem>>) src(%dma_wait3A_1480 : memref<1x128xf32, #tpu.memory_space<hbm>>) dst(%dma_wait3A_1477 : memref<1x128xf32, #tpu.memory_space<hbm>>)
    %dma_wait3A_1481 = arith.constant 0 : i32
    %dma_wait3A_1482 = tpu.memref_slice %arg3[%add3A_280, %dma_wait3A_1481] : memref<262144x128xf32, #tpu.memory_space<hbm>> -> memref<1x128xf32, #tpu.memory_space<hbm>>
    %dma_wait3A_1483 = arith.constant 85 : i32
    %dma_wait3A_1484 = arith.constant 0 : i32
    %dma_wait3A_1485 = tpu.memref_slice %arg2[%dma_wait3A_1483, %dma_wait3A_1484] : memref<128x128xf32, #tpu.memory_space<hbm>> -> memref<1x128xf32, #tpu.memory_space<hbm>>
    tpu.wait_dma2 semaphore(%arg6 : memref<!tpu.dma_semaphore, #tpu.memory_space<semaphore_mem>>) src(%dma_wait3A_1485 : memref<1x128xf32, #tpu.memory_space<hbm>>) dst(%dma_wait3A_1482 : memref<1x128xf32, #tpu.memory_space<hbm>>)
    %dma_wait3A_1486 = arith.constant 0 : i32
    %dma_wait3A_1487 = tpu.memref_slice %arg3[%add3A_282, %dma_wait3A_1486] : memref<262144x128xf32, #tpu.memory_space<hbm>> -> memref<1x128xf32, #tpu.memory_space<hbm>>
    %dma_wait3A_1488 = arith.constant 117 : i32
    %dma_wait3A_1489 = arith.constant 0 : i32
    %dma_wait3A_1490 = tpu.memref_slice %arg2[%dma_wait3A_1488, %dma_wait3A_1489] : memref<128x128xf32, #tpu.memory_space<hbm>> -> memref<1x128xf32, #tpu.memory_space<hbm>>
    tpu.wait_dma2 semaphore(%arg6 : memref<!tpu.dma_semaphore, #tpu.memory_space<semaphore_mem>>) src(%dma_wait3A_1490 : memref<1x128xf32, #tpu.memory_space<hbm>>) dst(%dma_wait3A_1487 : memref<1x128xf32, #tpu.memory_space<hbm>>)
    %dma_wait3A_1491 = arith.constant 0 : i32
    %dma_wait3A_1492 = tpu.memref_slice %arg3[%add3A_289, %dma_wait3A_1491] : memref<262144x128xf32, #tpu.memory_space<hbm>> -> memref<1x128xf32, #tpu.memory_space<hbm>>
    %dma_wait3A_1493 = arith.constant 22 : i32
    %dma_wait3A_1494 = arith.constant 0 : i32
    %dma_wait3A_1495 = tpu.memref_slice %arg2[%dma_wait3A_1493, %dma_wait3A_1494] : memref<128x128xf32, #tpu.memory_space<hbm>> -> memref<1x128xf32, #tpu.memory_space<hbm>>
    tpu.wait_dma2 semaphore(%arg6 : memref<!tpu.dma_semaphore, #tpu.memory_space<semaphore_mem>>) src(%dma_wait3A_1495 : memref<1x128xf32, #tpu.memory_space<hbm>>) dst(%dma_wait3A_1492 : memref<1x128xf32, #tpu.memory_space<hbm>>)
    %dma_wait3A_1496 = arith.constant 0 : i32
    %dma_wait3A_1497 = tpu.memref_slice %arg3[%add3A_291, %dma_wait3A_1496] : memref<262144x128xf32, #tpu.memory_space<hbm>> -> memref<1x128xf32, #tpu.memory_space<hbm>>
    %dma_wait3A_1498 = arith.constant 54 : i32
    %dma_wait3A_1499 = arith.constant 0 : i32
    %dma_wait3A_1500 = tpu.memref_slice %arg2[%dma_wait3A_1498, %dma_wait3A_1499] : memref<128x128xf32, #tpu.memory_space<hbm>> -> memref<1x128xf32, #tpu.memory_space<hbm>>
    tpu.wait_dma2 semaphore(%arg6 : memref<!tpu.dma_semaphore, #tpu.memory_space<semaphore_mem>>) src(%dma_wait3A_1500 : memref<1x128xf32, #tpu.memory_space<hbm>>) dst(%dma_wait3A_1497 : memref<1x128xf32, #tpu.memory_space<hbm>>)
    %dma_wait3A_1501 = arith.constant 0 : i32
    %dma_wait3A_1502 = tpu.memref_slice %arg3[%add3A_293, %dma_wait3A_1501] : memref<262144x128xf32, #tpu.memory_space<hbm>> -> memref<1x128xf32, #tpu.memory_space<hbm>>
    %dma_wait3A_1503 = arith.constant 86 : i32
    %dma_wait3A_1504 = arith.constant 0 : i32
    %dma_wait3A_1505 = tpu.memref_slice %arg2[%dma_wait3A_1503, %dma_wait3A_1504] : memref<128x128xf32, #tpu.memory_space<hbm>> -> memref<1x128xf32, #tpu.memory_space<hbm>>
    tpu.wait_dma2 semaphore(%arg6 : memref<!tpu.dma_semaphore, #tpu.memory_space<semaphore_mem>>) src(%dma_wait3A_1505 : memref<1x128xf32, #tpu.memory_space<hbm>>) dst(%dma_wait3A_1502 : memref<1x128xf32, #tpu.memory_space<hbm>>)
    %dma_wait3A_1506 = arith.constant 0 : i32
    %dma_wait3A_1507 = tpu.memref_slice %arg3[%add3A_295, %dma_wait3A_1506] : memref<262144x128xf32, #tpu.memory_space<hbm>> -> memref<1x128xf32, #tpu.memory_space<hbm>>
    %dma_wait3A_1508 = arith.constant 118 : i32
    %dma_wait3A_1509 = arith.constant 0 : i32
    %dma_wait3A_1510 = tpu.memref_slice %arg2[%dma_wait3A_1508, %dma_wait3A_1509] : memref<128x128xf32, #tpu.memory_space<hbm>> -> memref<1x128xf32, #tpu.memory_space<hbm>>
    tpu.wait_dma2 semaphore(%arg6 : memref<!tpu.dma_semaphore, #tpu.memory_space<semaphore_mem>>) src(%dma_wait3A_1510 : memref<1x128xf32, #tpu.memory_space<hbm>>) dst(%dma_wait3A_1507 : memref<1x128xf32, #tpu.memory_space<hbm>>)
    %dma_wait3A_1511 = arith.constant 0 : i32
    %dma_wait3A_1512 = tpu.memref_slice %arg3[%add3A_302, %dma_wait3A_1511] : memref<262144x128xf32, #tpu.memory_space<hbm>> -> memref<1x128xf32, #tpu.memory_space<hbm>>
    %dma_wait3A_1513 = arith.constant 23 : i32
    %dma_wait3A_1514 = arith.constant 0 : i32
    %dma_wait3A_1515 = tpu.memref_slice %arg2[%dma_wait3A_1513, %dma_wait3A_1514] : memref<128x128xf32, #tpu.memory_space<hbm>> -> memref<1x128xf32, #tpu.memory_space<hbm>>
    tpu.wait_dma2 semaphore(%arg6 : memref<!tpu.dma_semaphore, #tpu.memory_space<semaphore_mem>>) src(%dma_wait3A_1515 : memref<1x128xf32, #tpu.memory_space<hbm>>) dst(%dma_wait3A_1512 : memref<1x128xf32, #tpu.memory_space<hbm>>)
    %dma_wait3A_1516 = arith.constant 0 : i32
    %dma_wait3A_1517 = tpu.memref_slice %arg3[%add3A_304, %dma_wait3A_1516] : memref<262144x128xf32, #tpu.memory_space<hbm>> -> memref<1x128xf32, #tpu.memory_space<hbm>>
    %dma_wait3A_1518 = arith.constant 55 : i32
    %dma_wait3A_1519 = arith.constant 0 : i32
    %dma_wait3A_1520 = tpu.memref_slice %arg2[%dma_wait3A_1518, %dma_wait3A_1519] : memref<128x128xf32, #tpu.memory_space<hbm>> -> memref<1x128xf32, #tpu.memory_space<hbm>>
    tpu.wait_dma2 semaphore(%arg6 : memref<!tpu.dma_semaphore, #tpu.memory_space<semaphore_mem>>) src(%dma_wait3A_1520 : memref<1x128xf32, #tpu.memory_space<hbm>>) dst(%dma_wait3A_1517 : memref<1x128xf32, #tpu.memory_space<hbm>>)
    %dma_wait3A_1521 = arith.constant 0 : i32
    %dma_wait3A_1522 = tpu.memref_slice %arg3[%add3A_306, %dma_wait3A_1521] : memref<262144x128xf32, #tpu.memory_space<hbm>> -> memref<1x128xf32, #tpu.memory_space<hbm>>
    %dma_wait3A_1523 = arith.constant 87 : i32
    %dma_wait3A_1524 = arith.constant 0 : i32
    %dma_wait3A_1525 = tpu.memref_slice %arg2[%dma_wait3A_1523, %dma_wait3A_1524] : memref<128x128xf32, #tpu.memory_space<hbm>> -> memref<1x128xf32, #tpu.memory_space<hbm>>
    tpu.wait_dma2 semaphore(%arg6 : memref<!tpu.dma_semaphore, #tpu.memory_space<semaphore_mem>>) src(%dma_wait3A_1525 : memref<1x128xf32, #tpu.memory_space<hbm>>) dst(%dma_wait3A_1522 : memref<1x128xf32, #tpu.memory_space<hbm>>)
    %dma_wait3A_1526 = arith.constant 0 : i32
    %dma_wait3A_1527 = tpu.memref_slice %arg3[%add3A_308, %dma_wait3A_1526] : memref<262144x128xf32, #tpu.memory_space<hbm>> -> memref<1x128xf32, #tpu.memory_space<hbm>>
    %dma_wait3A_1528 = arith.constant 119 : i32
    %dma_wait3A_1529 = arith.constant 0 : i32
    %dma_wait3A_1530 = tpu.memref_slice %arg2[%dma_wait3A_1528, %dma_wait3A_1529] : memref<128x128xf32, #tpu.memory_space<hbm>> -> memref<1x128xf32, #tpu.memory_space<hbm>>
    tpu.wait_dma2 semaphore(%arg6 : memref<!tpu.dma_semaphore, #tpu.memory_space<semaphore_mem>>) src(%dma_wait3A_1530 : memref<1x128xf32, #tpu.memory_space<hbm>>) dst(%dma_wait3A_1527 : memref<1x128xf32, #tpu.memory_space<hbm>>)
    %dma_wait3A_1531 = arith.constant 0 : i32
    %dma_wait3A_1532 = tpu.memref_slice %arg3[%add3A_315, %dma_wait3A_1531] : memref<262144x128xf32, #tpu.memory_space<hbm>> -> memref<1x128xf32, #tpu.memory_space<hbm>>
    %dma_wait3A_1533 = arith.constant 24 : i32
    %dma_wait3A_1534 = arith.constant 0 : i32
    %dma_wait3A_1535 = tpu.memref_slice %arg2[%dma_wait3A_1533, %dma_wait3A_1534] : memref<128x128xf32, #tpu.memory_space<hbm>> -> memref<1x128xf32, #tpu.memory_space<hbm>>
    tpu.wait_dma2 semaphore(%arg6 : memref<!tpu.dma_semaphore, #tpu.memory_space<semaphore_mem>>) src(%dma_wait3A_1535 : memref<1x128xf32, #tpu.memory_space<hbm>>) dst(%dma_wait3A_1532 : memref<1x128xf32, #tpu.memory_space<hbm>>)
    %dma_wait3A_1536 = arith.constant 0 : i32
    %dma_wait3A_1537 = tpu.memref_slice %arg3[%add3A_317, %dma_wait3A_1536] : memref<262144x128xf32, #tpu.memory_space<hbm>> -> memref<1x128xf32, #tpu.memory_space<hbm>>
    %dma_wait3A_1538 = arith.constant 56 : i32
    %dma_wait3A_1539 = arith.constant 0 : i32
    %dma_wait3A_1540 = tpu.memref_slice %arg2[%dma_wait3A_1538, %dma_wait3A_1539] : memref<128x128xf32, #tpu.memory_space<hbm>> -> memref<1x128xf32, #tpu.memory_space<hbm>>
    tpu.wait_dma2 semaphore(%arg6 : memref<!tpu.dma_semaphore, #tpu.memory_space<semaphore_mem>>) src(%dma_wait3A_1540 : memref<1x128xf32, #tpu.memory_space<hbm>>) dst(%dma_wait3A_1537 : memref<1x128xf32, #tpu.memory_space<hbm>>)
    %dma_wait3A_1541 = arith.constant 0 : i32
    %dma_wait3A_1542 = tpu.memref_slice %arg3[%add3A_319, %dma_wait3A_1541] : memref<262144x128xf32, #tpu.memory_space<hbm>> -> memref<1x128xf32, #tpu.memory_space<hbm>>
    %dma_wait3A_1543 = arith.constant 88 : i32
    %dma_wait3A_1544 = arith.constant 0 : i32
    %dma_wait3A_1545 = tpu.memref_slice %arg2[%dma_wait3A_1543, %dma_wait3A_1544] : memref<128x128xf32, #tpu.memory_space<hbm>> -> memref<1x128xf32, #tpu.memory_space<hbm>>
    tpu.wait_dma2 semaphore(%arg6 : memref<!tpu.dma_semaphore, #tpu.memory_space<semaphore_mem>>) src(%dma_wait3A_1545 : memref<1x128xf32, #tpu.memory_space<hbm>>) dst(%dma_wait3A_1542 : memref<1x128xf32, #tpu.memory_space<hbm>>)
    %dma_wait3A_1546 = arith.constant 0 : i32
    %dma_wait3A_1547 = tpu.memref_slice %arg3[%add3A_321, %dma_wait3A_1546] : memref<262144x128xf32, #tpu.memory_space<hbm>> -> memref<1x128xf32, #tpu.memory_space<hbm>>
    %dma_wait3A_1548 = arith.constant 120 : i32
    %dma_wait3A_1549 = arith.constant 0 : i32
    %dma_wait3A_1550 = tpu.memref_slice %arg2[%dma_wait3A_1548, %dma_wait3A_1549] : memref<128x128xf32, #tpu.memory_space<hbm>> -> memref<1x128xf32, #tpu.memory_space<hbm>>
    tpu.wait_dma2 semaphore(%arg6 : memref<!tpu.dma_semaphore, #tpu.memory_space<semaphore_mem>>) src(%dma_wait3A_1550 : memref<1x128xf32, #tpu.memory_space<hbm>>) dst(%dma_wait3A_1547 : memref<1x128xf32, #tpu.memory_space<hbm>>)
    %dma_wait3A_1551 = arith.constant 0 : i32
    %dma_wait3A_1552 = tpu.memref_slice %arg3[%add3A_328, %dma_wait3A_1551] : memref<262144x128xf32, #tpu.memory_space<hbm>> -> memref<1x128xf32, #tpu.memory_space<hbm>>
    %dma_wait3A_1553 = arith.constant 25 : i32
    %dma_wait3A_1554 = arith.constant 0 : i32
    %dma_wait3A_1555 = tpu.memref_slice %arg2[%dma_wait3A_1553, %dma_wait3A_1554] : memref<128x128xf32, #tpu.memory_space<hbm>> -> memref<1x128xf32, #tpu.memory_space<hbm>>
    tpu.wait_dma2 semaphore(%arg6 : memref<!tpu.dma_semaphore, #tpu.memory_space<semaphore_mem>>) src(%dma_wait3A_1555 : memref<1x128xf32, #tpu.memory_space<hbm>>) dst(%dma_wait3A_1552 : memref<1x128xf32, #tpu.memory_space<hbm>>)
    %dma_wait3A_1556 = arith.constant 0 : i32
    %dma_wait3A_1557 = tpu.memref_slice %arg3[%add3A_330, %dma_wait3A_1556] : memref<262144x128xf32, #tpu.memory_space<hbm>> -> memref<1x128xf32, #tpu.memory_space<hbm>>
    %dma_wait3A_1558 = arith.constant 57 : i32
    %dma_wait3A_1559 = arith.constant 0 : i32
    %dma_wait3A_1560 = tpu.memref_slice %arg2[%dma_wait3A_1558, %dma_wait3A_1559] : memref<128x128xf32, #tpu.memory_space<hbm>> -> memref<1x128xf32, #tpu.memory_space<hbm>>
    tpu.wait_dma2 semaphore(%arg6 : memref<!tpu.dma_semaphore, #tpu.memory_space<semaphore_mem>>) src(%dma_wait3A_1560 : memref<1x128xf32, #tpu.memory_space<hbm>>) dst(%dma_wait3A_1557 : memref<1x128xf32, #tpu.memory_space<hbm>>)
    %dma_wait3A_1561 = arith.constant 0 : i32
    %dma_wait3A_1562 = tpu.memref_slice %arg3[%add3A_332, %dma_wait3A_1561] : memref<262144x128xf32, #tpu.memory_space<hbm>> -> memref<1x128xf32, #tpu.memory_space<hbm>>
    %dma_wait3A_1563 = arith.constant 89 : i32
    %dma_wait3A_1564 = arith.constant 0 : i32
    %dma_wait3A_1565 = tpu.memref_slice %arg2[%dma_wait3A_1563, %dma_wait3A_1564] : memref<128x128xf32, #tpu.memory_space<hbm>> -> memref<1x128xf32, #tpu.memory_space<hbm>>
    tpu.wait_dma2 semaphore(%arg6 : memref<!tpu.dma_semaphore, #tpu.memory_space<semaphore_mem>>) src(%dma_wait3A_1565 : memref<1x128xf32, #tpu.memory_space<hbm>>) dst(%dma_wait3A_1562 : memref<1x128xf32, #tpu.memory_space<hbm>>)
    %dma_wait3A_1566 = arith.constant 0 : i32
    %dma_wait3A_1567 = tpu.memref_slice %arg3[%add3A_334, %dma_wait3A_1566] : memref<262144x128xf32, #tpu.memory_space<hbm>> -> memref<1x128xf32, #tpu.memory_space<hbm>>
    %dma_wait3A_1568 = arith.constant 121 : i32
    %dma_wait3A_1569 = arith.constant 0 : i32
    %dma_wait3A_1570 = tpu.memref_slice %arg2[%dma_wait3A_1568, %dma_wait3A_1569] : memref<128x128xf32, #tpu.memory_space<hbm>> -> memref<1x128xf32, #tpu.memory_space<hbm>>
    tpu.wait_dma2 semaphore(%arg6 : memref<!tpu.dma_semaphore, #tpu.memory_space<semaphore_mem>>) src(%dma_wait3A_1570 : memref<1x128xf32, #tpu.memory_space<hbm>>) dst(%dma_wait3A_1567 : memref<1x128xf32, #tpu.memory_space<hbm>>)
    %dma_wait3A_1571 = arith.constant 0 : i32
    %dma_wait3A_1572 = tpu.memref_slice %arg3[%add3A_341, %dma_wait3A_1571] : memref<262144x128xf32, #tpu.memory_space<hbm>> -> memref<1x128xf32, #tpu.memory_space<hbm>>
    %dma_wait3A_1573 = arith.constant 26 : i32
    %dma_wait3A_1574 = arith.constant 0 : i32
    %dma_wait3A_1575 = tpu.memref_slice %arg2[%dma_wait3A_1573, %dma_wait3A_1574] : memref<128x128xf32, #tpu.memory_space<hbm>> -> memref<1x128xf32, #tpu.memory_space<hbm>>
    tpu.wait_dma2 semaphore(%arg6 : memref<!tpu.dma_semaphore, #tpu.memory_space<semaphore_mem>>) src(%dma_wait3A_1575 : memref<1x128xf32, #tpu.memory_space<hbm>>) dst(%dma_wait3A_1572 : memref<1x128xf32, #tpu.memory_space<hbm>>)
    %dma_wait3A_1576 = arith.constant 0 : i32
    %dma_wait3A_1577 = tpu.memref_slice %arg3[%add3A_343, %dma_wait3A_1576] : memref<262144x128xf32, #tpu.memory_space<hbm>> -> memref<1x128xf32, #tpu.memory_space<hbm>>
    %dma_wait3A_1578 = arith.constant 58 : i32
    %dma_wait3A_1579 = arith.constant 0 : i32
    %dma_wait3A_1580 = tpu.memref_slice %arg2[%dma_wait3A_1578, %dma_wait3A_1579] : memref<128x128xf32, #tpu.memory_space<hbm>> -> memref<1x128xf32, #tpu.memory_space<hbm>>
    tpu.wait_dma2 semaphore(%arg6 : memref<!tpu.dma_semaphore, #tpu.memory_space<semaphore_mem>>) src(%dma_wait3A_1580 : memref<1x128xf32, #tpu.memory_space<hbm>>) dst(%dma_wait3A_1577 : memref<1x128xf32, #tpu.memory_space<hbm>>)
    %dma_wait3A_1581 = arith.constant 0 : i32
    %dma_wait3A_1582 = tpu.memref_slice %arg3[%add3A_345, %dma_wait3A_1581] : memref<262144x128xf32, #tpu.memory_space<hbm>> -> memref<1x128xf32, #tpu.memory_space<hbm>>
    %dma_wait3A_1583 = arith.constant 90 : i32
    %dma_wait3A_1584 = arith.constant 0 : i32
    %dma_wait3A_1585 = tpu.memref_slice %arg2[%dma_wait3A_1583, %dma_wait3A_1584] : memref<128x128xf32, #tpu.memory_space<hbm>> -> memref<1x128xf32, #tpu.memory_space<hbm>>
    tpu.wait_dma2 semaphore(%arg6 : memref<!tpu.dma_semaphore, #tpu.memory_space<semaphore_mem>>) src(%dma_wait3A_1585 : memref<1x128xf32, #tpu.memory_space<hbm>>) dst(%dma_wait3A_1582 : memref<1x128xf32, #tpu.memory_space<hbm>>)
    %dma_wait3A_1586 = arith.constant 0 : i32
    %dma_wait3A_1587 = tpu.memref_slice %arg3[%add3A_347, %dma_wait3A_1586] : memref<262144x128xf32, #tpu.memory_space<hbm>> -> memref<1x128xf32, #tpu.memory_space<hbm>>
    %dma_wait3A_1588 = arith.constant 122 : i32
    %dma_wait3A_1589 = arith.constant 0 : i32
    %dma_wait3A_1590 = tpu.memref_slice %arg2[%dma_wait3A_1588, %dma_wait3A_1589] : memref<128x128xf32, #tpu.memory_space<hbm>> -> memref<1x128xf32, #tpu.memory_space<hbm>>
    tpu.wait_dma2 semaphore(%arg6 : memref<!tpu.dma_semaphore, #tpu.memory_space<semaphore_mem>>) src(%dma_wait3A_1590 : memref<1x128xf32, #tpu.memory_space<hbm>>) dst(%dma_wait3A_1587 : memref<1x128xf32, #tpu.memory_space<hbm>>)
    %dma_wait3A_1591 = arith.constant 0 : i32
    %dma_wait3A_1592 = tpu.memref_slice %arg3[%add3A_354, %dma_wait3A_1591] : memref<262144x128xf32, #tpu.memory_space<hbm>> -> memref<1x128xf32, #tpu.memory_space<hbm>>
    %dma_wait3A_1593 = arith.constant 27 : i32
    %dma_wait3A_1594 = arith.constant 0 : i32
    %dma_wait3A_1595 = tpu.memref_slice %arg2[%dma_wait3A_1593, %dma_wait3A_1594] : memref<128x128xf32, #tpu.memory_space<hbm>> -> memref<1x128xf32, #tpu.memory_space<hbm>>
    tpu.wait_dma2 semaphore(%arg6 : memref<!tpu.dma_semaphore, #tpu.memory_space<semaphore_mem>>) src(%dma_wait3A_1595 : memref<1x128xf32, #tpu.memory_space<hbm>>) dst(%dma_wait3A_1592 : memref<1x128xf32, #tpu.memory_space<hbm>>)
    %dma_wait3A_1596 = arith.constant 0 : i32
    %dma_wait3A_1597 = tpu.memref_slice %arg3[%add3A_356, %dma_wait3A_1596] : memref<262144x128xf32, #tpu.memory_space<hbm>> -> memref<1x128xf32, #tpu.memory_space<hbm>>
    %dma_wait3A_1598 = arith.constant 59 : i32
    %dma_wait3A_1599 = arith.constant 0 : i32
    %dma_wait3A_1600 = tpu.memref_slice %arg2[%dma_wait3A_1598, %dma_wait3A_1599] : memref<128x128xf32, #tpu.memory_space<hbm>> -> memref<1x128xf32, #tpu.memory_space<hbm>>
    tpu.wait_dma2 semaphore(%arg6 : memref<!tpu.dma_semaphore, #tpu.memory_space<semaphore_mem>>) src(%dma_wait3A_1600 : memref<1x128xf32, #tpu.memory_space<hbm>>) dst(%dma_wait3A_1597 : memref<1x128xf32, #tpu.memory_space<hbm>>)
    %dma_wait3A_1601 = arith.constant 0 : i32
    %dma_wait3A_1602 = tpu.memref_slice %arg3[%add3A_358, %dma_wait3A_1601] : memref<262144x128xf32, #tpu.memory_space<hbm>> -> memref<1x128xf32, #tpu.memory_space<hbm>>
    %dma_wait3A_1603 = arith.constant 91 : i32
    %dma_wait3A_1604 = arith.constant 0 : i32
    %dma_wait3A_1605 = tpu.memref_slice %arg2[%dma_wait3A_1603, %dma_wait3A_1604] : memref<128x128xf32, #tpu.memory_space<hbm>> -> memref<1x128xf32, #tpu.memory_space<hbm>>
    tpu.wait_dma2 semaphore(%arg6 : memref<!tpu.dma_semaphore, #tpu.memory_space<semaphore_mem>>) src(%dma_wait3A_1605 : memref<1x128xf32, #tpu.memory_space<hbm>>) dst(%dma_wait3A_1602 : memref<1x128xf32, #tpu.memory_space<hbm>>)
    %dma_wait3A_1606 = arith.constant 0 : i32
    %dma_wait3A_1607 = tpu.memref_slice %arg3[%add3A_360, %dma_wait3A_1606] : memref<262144x128xf32, #tpu.memory_space<hbm>> -> memref<1x128xf32, #tpu.memory_space<hbm>>
    %dma_wait3A_1608 = arith.constant 123 : i32
    %dma_wait3A_1609 = arith.constant 0 : i32
    %dma_wait3A_1610 = tpu.memref_slice %arg2[%dma_wait3A_1608, %dma_wait3A_1609] : memref<128x128xf32, #tpu.memory_space<hbm>> -> memref<1x128xf32, #tpu.memory_space<hbm>>
    tpu.wait_dma2 semaphore(%arg6 : memref<!tpu.dma_semaphore, #tpu.memory_space<semaphore_mem>>) src(%dma_wait3A_1610 : memref<1x128xf32, #tpu.memory_space<hbm>>) dst(%dma_wait3A_1607 : memref<1x128xf32, #tpu.memory_space<hbm>>)
    %dma_wait3A_1611 = arith.constant 0 : i32
    %dma_wait3A_1612 = tpu.memref_slice %arg3[%add3A_367, %dma_wait3A_1611] : memref<262144x128xf32, #tpu.memory_space<hbm>> -> memref<1x128xf32, #tpu.memory_space<hbm>>
    %dma_wait3A_1613 = arith.constant 28 : i32
    %dma_wait3A_1614 = arith.constant 0 : i32
    %dma_wait3A_1615 = tpu.memref_slice %arg2[%dma_wait3A_1613, %dma_wait3A_1614] : memref<128x128xf32, #tpu.memory_space<hbm>> -> memref<1x128xf32, #tpu.memory_space<hbm>>
    tpu.wait_dma2 semaphore(%arg6 : memref<!tpu.dma_semaphore, #tpu.memory_space<semaphore_mem>>) src(%dma_wait3A_1615 : memref<1x128xf32, #tpu.memory_space<hbm>>) dst(%dma_wait3A_1612 : memref<1x128xf32, #tpu.memory_space<hbm>>)
    %dma_wait3A_1616 = arith.constant 0 : i32
    %dma_wait3A_1617 = tpu.memref_slice %arg3[%add3A_369, %dma_wait3A_1616] : memref<262144x128xf32, #tpu.memory_space<hbm>> -> memref<1x128xf32, #tpu.memory_space<hbm>>
    %dma_wait3A_1618 = arith.constant 60 : i32
    %dma_wait3A_1619 = arith.constant 0 : i32
    %dma_wait3A_1620 = tpu.memref_slice %arg2[%dma_wait3A_1618, %dma_wait3A_1619] : memref<128x128xf32, #tpu.memory_space<hbm>> -> memref<1x128xf32, #tpu.memory_space<hbm>>
    tpu.wait_dma2 semaphore(%arg6 : memref<!tpu.dma_semaphore, #tpu.memory_space<semaphore_mem>>) src(%dma_wait3A_1620 : memref<1x128xf32, #tpu.memory_space<hbm>>) dst(%dma_wait3A_1617 : memref<1x128xf32, #tpu.memory_space<hbm>>)
    %dma_wait3A_1621 = arith.constant 0 : i32
    %dma_wait3A_1622 = tpu.memref_slice %arg3[%add3A_371, %dma_wait3A_1621] : memref<262144x128xf32, #tpu.memory_space<hbm>> -> memref<1x128xf32, #tpu.memory_space<hbm>>
    %dma_wait3A_1623 = arith.constant 92 : i32
    %dma_wait3A_1624 = arith.constant 0 : i32
    %dma_wait3A_1625 = tpu.memref_slice %arg2[%dma_wait3A_1623, %dma_wait3A_1624] : memref<128x128xf32, #tpu.memory_space<hbm>> -> memref<1x128xf32, #tpu.memory_space<hbm>>
    tpu.wait_dma2 semaphore(%arg6 : memref<!tpu.dma_semaphore, #tpu.memory_space<semaphore_mem>>) src(%dma_wait3A_1625 : memref<1x128xf32, #tpu.memory_space<hbm>>) dst(%dma_wait3A_1622 : memref<1x128xf32, #tpu.memory_space<hbm>>)
    %dma_wait3A_1626 = arith.constant 0 : i32
    %dma_wait3A_1627 = tpu.memref_slice %arg3[%add3A_373, %dma_wait3A_1626] : memref<262144x128xf32, #tpu.memory_space<hbm>> -> memref<1x128xf32, #tpu.memory_space<hbm>>
    %dma_wait3A_1628 = arith.constant 124 : i32
    %dma_wait3A_1629 = arith.constant 0 : i32
    %dma_wait3A_1630 = tpu.memref_slice %arg2[%dma_wait3A_1628, %dma_wait3A_1629] : memref<128x128xf32, #tpu.memory_space<hbm>> -> memref<1x128xf32, #tpu.memory_space<hbm>>
    tpu.wait_dma2 semaphore(%arg6 : memref<!tpu.dma_semaphore, #tpu.memory_space<semaphore_mem>>) src(%dma_wait3A_1630 : memref<1x128xf32, #tpu.memory_space<hbm>>) dst(%dma_wait3A_1627 : memref<1x128xf32, #tpu.memory_space<hbm>>)
    %dma_wait3A_1631 = arith.constant 0 : i32
    %dma_wait3A_1632 = tpu.memref_slice %arg3[%add3A_380, %dma_wait3A_1631] : memref<262144x128xf32, #tpu.memory_space<hbm>> -> memref<1x128xf32, #tpu.memory_space<hbm>>
    %dma_wait3A_1633 = arith.constant 29 : i32
    %dma_wait3A_1634 = arith.constant 0 : i32
    %dma_wait3A_1635 = tpu.memref_slice %arg2[%dma_wait3A_1633, %dma_wait3A_1634] : memref<128x128xf32, #tpu.memory_space<hbm>> -> memref<1x128xf32, #tpu.memory_space<hbm>>
    tpu.wait_dma2 semaphore(%arg6 : memref<!tpu.dma_semaphore, #tpu.memory_space<semaphore_mem>>) src(%dma_wait3A_1635 : memref<1x128xf32, #tpu.memory_space<hbm>>) dst(%dma_wait3A_1632 : memref<1x128xf32, #tpu.memory_space<hbm>>)
    %dma_wait3A_1636 = arith.constant 0 : i32
    %dma_wait3A_1637 = tpu.memref_slice %arg3[%add3A_382, %dma_wait3A_1636] : memref<262144x128xf32, #tpu.memory_space<hbm>> -> memref<1x128xf32, #tpu.memory_space<hbm>>
    %dma_wait3A_1638 = arith.constant 61 : i32
    %dma_wait3A_1639 = arith.constant 0 : i32
    %dma_wait3A_1640 = tpu.memref_slice %arg2[%dma_wait3A_1638, %dma_wait3A_1639] : memref<128x128xf32, #tpu.memory_space<hbm>> -> memref<1x128xf32, #tpu.memory_space<hbm>>
    tpu.wait_dma2 semaphore(%arg6 : memref<!tpu.dma_semaphore, #tpu.memory_space<semaphore_mem>>) src(%dma_wait3A_1640 : memref<1x128xf32, #tpu.memory_space<hbm>>) dst(%dma_wait3A_1637 : memref<1x128xf32, #tpu.memory_space<hbm>>)
    %dma_wait3A_1641 = arith.constant 0 : i32
    %dma_wait3A_1642 = tpu.memref_slice %arg3[%add3A_384, %dma_wait3A_1641] : memref<262144x128xf32, #tpu.memory_space<hbm>> -> memref<1x128xf32, #tpu.memory_space<hbm>>
    %dma_wait3A_1643 = arith.constant 93 : i32
    %dma_wait3A_1644 = arith.constant 0 : i32
    %dma_wait3A_1645 = tpu.memref_slice %arg2[%dma_wait3A_1643, %dma_wait3A_1644] : memref<128x128xf32, #tpu.memory_space<hbm>> -> memref<1x128xf32, #tpu.memory_space<hbm>>
    tpu.wait_dma2 semaphore(%arg6 : memref<!tpu.dma_semaphore, #tpu.memory_space<semaphore_mem>>) src(%dma_wait3A_1645 : memref<1x128xf32, #tpu.memory_space<hbm>>) dst(%dma_wait3A_1642 : memref<1x128xf32, #tpu.memory_space<hbm>>)
    %dma_wait3A_1646 = arith.constant 0 : i32
    %dma_wait3A_1647 = tpu.memref_slice %arg3[%add3A_386, %dma_wait3A_1646] : memref<262144x128xf32, #tpu.memory_space<hbm>> -> memref<1x128xf32, #tpu.memory_space<hbm>>
    %dma_wait3A_1648 = arith.constant 125 : i32
    %dma_wait3A_1649 = arith.constant 0 : i32
    %dma_wait3A_1650 = tpu.memref_slice %arg2[%dma_wait3A_1648, %dma_wait3A_1649] : memref<128x128xf32, #tpu.memory_space<hbm>> -> memref<1x128xf32, #tpu.memory_space<hbm>>
    tpu.wait_dma2 semaphore(%arg6 : memref<!tpu.dma_semaphore, #tpu.memory_space<semaphore_mem>>) src(%dma_wait3A_1650 : memref<1x128xf32, #tpu.memory_space<hbm>>) dst(%dma_wait3A_1647 : memref<1x128xf32, #tpu.memory_space<hbm>>)
    %dma_wait3A_1651 = arith.constant 0 : i32
    %dma_wait3A_1652 = tpu.memref_slice %arg3[%add3A_393, %dma_wait3A_1651] : memref<262144x128xf32, #tpu.memory_space<hbm>> -> memref<1x128xf32, #tpu.memory_space<hbm>>
    %dma_wait3A_1653 = arith.constant 30 : i32
    %dma_wait3A_1654 = arith.constant 0 : i32
    %dma_wait3A_1655 = tpu.memref_slice %arg2[%dma_wait3A_1653, %dma_wait3A_1654] : memref<128x128xf32, #tpu.memory_space<hbm>> -> memref<1x128xf32, #tpu.memory_space<hbm>>
    tpu.wait_dma2 semaphore(%arg6 : memref<!tpu.dma_semaphore, #tpu.memory_space<semaphore_mem>>) src(%dma_wait3A_1655 : memref<1x128xf32, #tpu.memory_space<hbm>>) dst(%dma_wait3A_1652 : memref<1x128xf32, #tpu.memory_space<hbm>>)
    %dma_wait3A_1656 = arith.constant 0 : i32
    %dma_wait3A_1657 = tpu.memref_slice %arg3[%add3A_395, %dma_wait3A_1656] : memref<262144x128xf32, #tpu.memory_space<hbm>> -> memref<1x128xf32, #tpu.memory_space<hbm>>
    %dma_wait3A_1658 = arith.constant 62 : i32
    %dma_wait3A_1659 = arith.constant 0 : i32
    %dma_wait3A_1660 = tpu.memref_slice %arg2[%dma_wait3A_1658, %dma_wait3A_1659] : memref<128x128xf32, #tpu.memory_space<hbm>> -> memref<1x128xf32, #tpu.memory_space<hbm>>
    tpu.wait_dma2 semaphore(%arg6 : memref<!tpu.dma_semaphore, #tpu.memory_space<semaphore_mem>>) src(%dma_wait3A_1660 : memref<1x128xf32, #tpu.memory_space<hbm>>) dst(%dma_wait3A_1657 : memref<1x128xf32, #tpu.memory_space<hbm>>)
    %dma_wait3A_1661 = arith.constant 0 : i32
    %dma_wait3A_1662 = tpu.memref_slice %arg3[%add3A_397, %dma_wait3A_1661] : memref<262144x128xf32, #tpu.memory_space<hbm>> -> memref<1x128xf32, #tpu.memory_space<hbm>>
    %dma_wait3A_1663 = arith.constant 94 : i32
    %dma_wait3A_1664 = arith.constant 0 : i32
    %dma_wait3A_1665 = tpu.memref_slice %arg2[%dma_wait3A_1663, %dma_wait3A_1664] : memref<128x128xf32, #tpu.memory_space<hbm>> -> memref<1x128xf32, #tpu.memory_space<hbm>>
    tpu.wait_dma2 semaphore(%arg6 : memref<!tpu.dma_semaphore, #tpu.memory_space<semaphore_mem>>) src(%dma_wait3A_1665 : memref<1x128xf32, #tpu.memory_space<hbm>>) dst(%dma_wait3A_1662 : memref<1x128xf32, #tpu.memory_space<hbm>>)
    %dma_wait3A_1666 = arith.constant 0 : i32
    %dma_wait3A_1667 = tpu.memref_slice %arg3[%add3A_399, %dma_wait3A_1666] : memref<262144x128xf32, #tpu.memory_space<hbm>> -> memref<1x128xf32, #tpu.memory_space<hbm>>
    %dma_wait3A_1668 = arith.constant 126 : i32
    %dma_wait3A_1669 = arith.constant 0 : i32
    %dma_wait3A_1670 = tpu.memref_slice %arg2[%dma_wait3A_1668, %dma_wait3A_1669] : memref<128x128xf32, #tpu.memory_space<hbm>> -> memref<1x128xf32, #tpu.memory_space<hbm>>
    tpu.wait_dma2 semaphore(%arg6 : memref<!tpu.dma_semaphore, #tpu.memory_space<semaphore_mem>>) src(%dma_wait3A_1670 : memref<1x128xf32, #tpu.memory_space<hbm>>) dst(%dma_wait3A_1667 : memref<1x128xf32, #tpu.memory_space<hbm>>)
    %dma_wait3A_1671 = arith.constant 0 : i32
    %dma_wait3A_1672 = tpu.memref_slice %arg3[%add3A_406, %dma_wait3A_1671] : memref<262144x128xf32, #tpu.memory_space<hbm>> -> memref<1x128xf32, #tpu.memory_space<hbm>>
    %dma_wait3A_1673 = arith.constant 31 : i32
    %dma_wait3A_1674 = arith.constant 0 : i32
    %dma_wait3A_1675 = tpu.memref_slice %arg2[%dma_wait3A_1673, %dma_wait3A_1674] : memref<128x128xf32, #tpu.memory_space<hbm>> -> memref<1x128xf32, #tpu.memory_space<hbm>>
    tpu.wait_dma2 semaphore(%arg6 : memref<!tpu.dma_semaphore, #tpu.memory_space<semaphore_mem>>) src(%dma_wait3A_1675 : memref<1x128xf32, #tpu.memory_space<hbm>>) dst(%dma_wait3A_1672 : memref<1x128xf32, #tpu.memory_space<hbm>>)
    %dma_wait3A_1676 = arith.constant 0 : i32
    %dma_wait3A_1677 = tpu.memref_slice %arg3[%add3A_408, %dma_wait3A_1676] : memref<262144x128xf32, #tpu.memory_space<hbm>> -> memref<1x128xf32, #tpu.memory_space<hbm>>
    %dma_wait3A_1678 = arith.constant 63 : i32
    %dma_wait3A_1679 = arith.constant 0 : i32
    %dma_wait3A_1680 = tpu.memref_slice %arg2[%dma_wait3A_1678, %dma_wait3A_1679] : memref<128x128xf32, #tpu.memory_space<hbm>> -> memref<1x128xf32, #tpu.memory_space<hbm>>
    tpu.wait_dma2 semaphore(%arg6 : memref<!tpu.dma_semaphore, #tpu.memory_space<semaphore_mem>>) src(%dma_wait3A_1680 : memref<1x128xf32, #tpu.memory_space<hbm>>) dst(%dma_wait3A_1677 : memref<1x128xf32, #tpu.memory_space<hbm>>)
    %dma_wait3A_1681 = arith.constant 0 : i32
    %dma_wait3A_1682 = tpu.memref_slice %arg3[%add3A_410, %dma_wait3A_1681] : memref<262144x128xf32, #tpu.memory_space<hbm>> -> memref<1x128xf32, #tpu.memory_space<hbm>>
    %dma_wait3A_1683 = arith.constant 95 : i32
    %dma_wait3A_1684 = arith.constant 0 : i32
    %dma_wait3A_1685 = tpu.memref_slice %arg2[%dma_wait3A_1683, %dma_wait3A_1684] : memref<128x128xf32, #tpu.memory_space<hbm>> -> memref<1x128xf32, #tpu.memory_space<hbm>>
    tpu.wait_dma2 semaphore(%arg6 : memref<!tpu.dma_semaphore, #tpu.memory_space<semaphore_mem>>) src(%dma_wait3A_1685 : memref<1x128xf32, #tpu.memory_space<hbm>>) dst(%dma_wait3A_1682 : memref<1x128xf32, #tpu.memory_space<hbm>>)
    %dma_wait3A_1686 = arith.constant 0 : i32
    %dma_wait3A_1687 = tpu.memref_slice %arg3[%add3A_412, %dma_wait3A_1686] : memref<262144x128xf32, #tpu.memory_space<hbm>> -> memref<1x128xf32, #tpu.memory_space<hbm>>
    %dma_wait3A_1688 = arith.constant 127 : i32
    %dma_wait3A_1689 = arith.constant 0 : i32
    %dma_wait3A_1690 = tpu.memref_slice %arg2[%dma_wait3A_1688, %dma_wait3A_1689] : memref<128x128xf32, #tpu.memory_space<hbm>> -> memref<1x128xf32, #tpu.memory_space<hbm>>
    tpu.wait_dma2 semaphore(%arg6 : memref<!tpu.dma_semaphore, #tpu.memory_space<semaphore_mem>>) src(%dma_wait3A_1690 : memref<1x128xf32, #tpu.memory_space<hbm>>) dst(%dma_wait3A_1687 : memref<1x128xf32, #tpu.memory_space<hbm>>)
    return
  }
}

module attributes {stable_mosaic.version = 14 : i64} {
  func.func @_tc_copy_body(%arg0: i32, %arg1: memref<4096x128xf32, #tpu.memory_space<vmem>>, %arg2: memref<4096x128xf32, #tpu.memory_space<vmem>>, %arg3: memref<4096x128xf32, #tpu.memory_space<vmem>>, %arg4: memref<4096x128xf32, #tpu.memory_space<vmem>>, %arg5: memref<4x4096x128xf32, #tpu.memory_space<vmem>>) attributes {dimension_semantics = [#tpu.dimension_semantics<arbitrary>], iteration_bounds = array<i64: 16>, scalar_prefetch = 0 : i64, scratch_operands = 0 : i64, tpu.core_type = #tpu.core_type<tc>, window_params = [{transform_indices = @transform_0, window_bounds = array<i64: 4096, 128>}, {transform_indices = @transform_1, window_bounds = array<i64: 4096, 128>}, {transform_indices = @transform_2, window_bounds = array<i64: 4096, 128>}, {transform_indices = @transform_3, window_bounds = array<i64: 4096, 128>}, {transform_indices = @transform_4, window_bounds = array<i64: 4, 4096, 128>}]} {
    %get3A = arith.constant 0 : index
    %get3A_0 = arith.constant 0 : index
    %get3A_1 = vector.load %arg1[%get3A, %get3A_0] : memref<4096x128xf32, #tpu.memory_space<vmem>>, vector<4096x128xf32>
    %swap3A = arith.constant 0 : index
    %swap3A_2 = arith.constant 0 : index
    %swap3A_3 = arith.constant 0 : index
    %swap3A_4 = vector.load %arg5[%swap3A, %swap3A_2, %swap3A_3] : memref<4x4096x128xf32, #tpu.memory_space<vmem>>, vector<1x4096x128xf32>
    %swap3A_5 = vector.shape_cast %swap3A_4 : vector<1x4096x128xf32> to vector<4096x128xf32>
    %swap3A_6 = vector.shape_cast %get3A_1 : vector<4096x128xf32> to vector<1x4096x128xf32>
    tpu.vector_store %arg5[%swap3A, %swap3A_2, %swap3A_3], %swap3A_6 {strides = array<i32>} : memref<4x4096x128xf32, #tpu.memory_space<vmem>>, vector<1x4096x128xf32>,
    %get3A_7 = arith.constant 0 : index
    %get3A_8 = arith.constant 0 : index
    %get3A_9 = vector.load %arg2[%get3A_7, %get3A_8] : memref<4096x128xf32, #tpu.memory_space<vmem>>, vector<4096x128xf32>
    %swap3A_10 = arith.constant 1 : index
    %swap3A_11 = arith.constant 0 : index
    %swap3A_12 = arith.constant 0 : index
    %swap3A_13 = vector.load %arg5[%swap3A_10, %swap3A_11, %swap3A_12] : memref<4x4096x128xf32, #tpu.memory_space<vmem>>, vector<1x4096x128xf32>
    %swap3A_14 = vector.shape_cast %swap3A_13 : vector<1x4096x128xf32> to vector<4096x128xf32>
    %swap3A_15 = vector.shape_cast %get3A_9 : vector<4096x128xf32> to vector<1x4096x128xf32>
    tpu.vector_store %arg5[%swap3A_10, %swap3A_11, %swap3A_12], %swap3A_15 {strides = array<i32>} : memref<4x4096x128xf32, #tpu.memory_space<vmem>>, vector<1x4096x128xf32>,
    %get3A_16 = arith.constant 0 : index
    %get3A_17 = arith.constant 0 : index
    %get3A_18 = vector.load %arg3[%get3A_16, %get3A_17] : memref<4096x128xf32, #tpu.memory_space<vmem>>, vector<4096x128xf32>
    %swap3A_19 = arith.constant 2 : index
    %swap3A_20 = arith.constant 0 : index
    %swap3A_21 = arith.constant 0 : index
    %swap3A_22 = vector.load %arg5[%swap3A_19, %swap3A_20, %swap3A_21] : memref<4x4096x128xf32, #tpu.memory_space<vmem>>, vector<1x4096x128xf32>
    %swap3A_23 = vector.shape_cast %swap3A_22 : vector<1x4096x128xf32> to vector<4096x128xf32>
    %swap3A_24 = vector.shape_cast %get3A_18 : vector<4096x128xf32> to vector<1x4096x128xf32>
    tpu.vector_store %arg5[%swap3A_19, %swap3A_20, %swap3A_21], %swap3A_24 {strides = array<i32>} : memref<4x4096x128xf32, #tpu.memory_space<vmem>>, vector<1x4096x128xf32>,
    %get3A_25 = arith.constant 0 : index
    %get3A_26 = arith.constant 0 : index
    %get3A_27 = vector.load %arg4[%get3A_25, %get3A_26] : memref<4096x128xf32, #tpu.memory_space<vmem>>, vector<4096x128xf32>
    %swap3A_28 = arith.constant 3 : index
    %swap3A_29 = arith.constant 0 : index
    %swap3A_30 = arith.constant 0 : index
    %swap3A_31 = vector.load %arg5[%swap3A_28, %swap3A_29, %swap3A_30] : memref<4x4096x128xf32, #tpu.memory_space<vmem>>, vector<1x4096x128xf32>
    %swap3A_32 = vector.shape_cast %swap3A_31 : vector<1x4096x128xf32> to vector<4096x128xf32>
    %swap3A_33 = vector.shape_cast %get3A_27 : vector<4096x128xf32> to vector<1x4096x128xf32>
    tpu.vector_store %arg5[%swap3A_28, %swap3A_29, %swap3A_30], %swap3A_33 {strides = array<i32>} : memref<4x4096x128xf32, #tpu.memory_space<vmem>>, vector<1x4096x128xf32>,
    return
  }
  func.func @transform_0(%arg0: i32) -> (i32, i32) {
    %c0_i32 = arith.constant 0 : i32
    %c0_i32_0 = arith.constant 0 : i32
    return %arg0, %c0_i32 : i32, i32
  }
  func.func @transform_1(%arg0: i32) -> (i32, i32) {
    %c0_i32 = arith.constant 0 : i32
    %c0_i32_0 = arith.constant 0 : i32
    return %arg0, %c0_i32 : i32, i32
  }
  func.func @transform_2(%arg0: i32) -> (i32, i32) {
    %c0_i32 = arith.constant 0 : i32
    %c0_i32_0 = arith.constant 0 : i32
    return %arg0, %c0_i32 : i32, i32
  }
  func.func @transform_3(%arg0: i32) -> (i32, i32) {
    %c0_i32 = arith.constant 0 : i32
    %c0_i32_0 = arith.constant 0 : i32
    return %arg0, %c0_i32 : i32, i32
  }
  func.func @transform_4(%arg0: i32) -> (i32, i32, i32) {
    %c0_i32 = arith.constant 0 : i32
    %c0_i32_0 = arith.constant 0 : i32
    %c0_i32_1 = arith.constant 0 : i32
    return %c0_i32, %arg0, %c0_i32_0 : i32, i32, i32
  }
}

</mosaic_0001>

<sc_bundles>
// kernel: _.3.cloned.1.call-start
scs
__scs_entry_jumppad:
0x0: {  	(pc) =	sbr.rel $0x88, $3  }
0x1: {  	(tag) =	ssettag $0x0;
	lr =	simm.s32 $0x1  }
0x2: {  	[smem:$0x3F98] =	sst lr;
	_ =	strace $0xD0000000  }
0x3: {  	_ = 	snop  }
0x4: {  	_ = 	snop  }
0x5: {  	_ = 	snop  }
0x6: {  	_ = 	snop  }
0x7: {  	_ = 	snop  }
__scs_overlays_trampoline_lowered:
0x8: {  	[smem:$0x3FA7] =	sst s0  }
0x9: {  	[smem:$0x3FA8] =	sst s1  }
0xa: {  	[smem:$0x3FA9] =	sst s2  }
0xb: {  	[smem:$0x3FAA] =	sst s3  }
0xc: {  	[smem:$0x3FAB] =	sst s4  }
0xd: {  	[smem:$0x3FAC] =	sst s5  }
0xe: {  	[smem:$0x3FAD] =	sst s6  }
0xf: {  	[smem:$0x3FAE] =	sst s7  }
0x10: {  	[smem:$0x3FAF] =	sst s8  }
0x11: {  	[smem:$0x3FB0] =	sst s9;
	s0 =	simm.s32 @!p0 $0x0  }
0x12: {  	s1 =	sld [smem:$0x3F96];
	s0 =	simm.s32 @p0 $0x1  }
0x13: {  	[smem:$0x3FB1] =	sst s0;
	s0 =	simm.s32 @!p1 $0x0  }
0x14: {  	s2 =	sld [smem:$0x3F95];
	s0 =	simm.s32 @p1 $0x1  }
0x15: {  	[smem:$0x3FB2] =	sst s0;
	s0 =	simm.s32 @!p2 $0x0  }
0x16: {  	s3 =	sld [smem:$0x3FDB];
	s0 =	simm.s32 @p2 $0x1  }
0x17: {  	s4 =	simm.s32 $0x1BF5;
	[smem:$0x3FB4] =	sst s0  }
0x18: {  	s0 =	sld [smem:$0x3F97];
	_ =	swait.ge [sflag:s4], $0x0  }
0x19: {  	s7 =	sld [smem:$0x3F98]  }
0x1a: {  	s8 =	sadd.s32 $0xFFFFE003, lr  }
0x1b: {  	s9 =	sadd.s32 $0xFFFFFEF7, lr;
	s5 =	simm.s32 $0xFFFFFFFF;
	p2 =	slt.u32 s8, $0xFFFFF086  }
0x1c: {  	p1 =	slt.u32 s9, $0xF7A;
	s5 =	simm.s32 @!p2 $0x0  }
0x1d: {  	s5 =	simm.s32 @p1 $0x1;
	p0 =	seq.s32 s7, s2  }
0x1e: {  	s7 =	smul.u32 @!p0 $0xF7A, s2;
	p2 =	seq.s32 @!p0 s5, $0x0  }
0x1f: {  	s9 =	smul.u32 $0xF7A, s1;
	s8 =	simm.s32 @!p0 $0x1BF5;
	p2 =	por !p2, p0  }
0x20: {  	[sflag:s8] =	ssyncset.s32 @!p0 $0xFFFFF086;
	s6 =	sadd.s32 @!p0 s3, s7;
	s7 =	simm.s32 @!p0 $0x108  }
0x21: {  	s3 =	sadd.s32 s3, s9;
	s6 =	sadd.s32 @!p0 $0x88, s6;
	s7 =	simm.s32 @p2 $0x1082  }
0x22: {  	[simem:s7], [sflag:s8] =	dma.local @!p0 [hbm:s6], $0xF7A  }
0x23: {  	s9 =	sor.u32 $0xD0000000, s2;
	s6 =	simm.s32 $0x108;
	_ =	swait.ge @!p0 [sflag:s8], $0x0  }
0x24: {  	s3 =	sadd.s32 $0x88, s3;
	s6 =	simm.s32 @!p1 $0x1082;
	[sflag:s4] =	ssyncset.s32 $0xFFFFF086  }
0x25: {  	[simem:s6], [sflag:s4] =	dma.local [hbm:s3], $0xF7A  }
0x26: {  	[smem:$0x3F98] =	sst s1;
	(tag) =	ssettag s2;
	_ =	strace s9  }
0x27: {  	s1 =	sld [smem:$0x3FA8]  }
0x28: {  	s2 =	sld [smem:$0x3FA9]  }
0x29: {  	s4 =	sld [smem:$0x3FAB]  }
0x2a: {  	p0 =	seq.s32 s5, $0x0;
	s5 =	sld [smem:$0x3FAC]  }
0x2b: {  	s6 =	sld [smem:$0x3FAD]  }
0x2c: {  	s7 =	sld [smem:$0x3FAE]  }
0x2d: {  	s3 =	simm.s32 $0x108;
	s8 =	sld [smem:$0x3FAF]  }
0x2e: {  	s3 =	simm.s32 @!p0 $0x1082;
	s9 =	sld [smem:$0x3FB0]  }
0x2f: {  	lr =	sadd.s32 s0, s3;
	s0 =	sld [smem:$0x3FA7]  }
0x30: {  	s3 =	sld [smem:$0x3FAA]  }
0x31: {  	[smem:$0x3FB3] =	sst s10  }
0x32: {  	s10 =	sld [smem:$0x3FB1];
	_ =	sdelay $0x3  }
0x33: {  	p0 =	seq.s32 s10, $0x1;
	s10 =	sld [smem:$0x3FB3];
	_ =	sdelay $0x3  }
0x34: {  	[smem:$0x3FB3] =	sst s10  }
0x35: {  	s10 =	sld [smem:$0x3FB2];
	_ =	sdelay $0x3  }
0x36: {  	p1 =	seq.s32 s10, $0x1;
	s10 =	sld [smem:$0x3FB3];
	_ =	sdelay $0x3  }
0x37: {  	[smem:$0x3FB3] =	sst s10  }
0x38: {  	s10 =	sld [smem:$0x3FB4]  }
0x39: {  	_ = 	snop;
	(pc) =	sbr.ind lr, $3  }
0x3a: {  	_ = 	snop  }
0x3b: {  	_ = 	snop  }
0x3c: {  	p2 =	seq.s32 s10, $0x1;
	s10 =	sld [smem:$0x3FB3]  }
0x3d: {  	_ =	shalt  }
0x3e: {  	_ =	shalt  }
0x3f: {  	_ =	shalt  }
0x40: {  	_ =	shalt  }
0x41: {  	_ =	shalt  }
0x42: {  	_ =	shalt  }
0x43: {  	_ =	shalt  }
0x44: {  	_ =	shalt  }
0x45: {  	_ =	shalt  }
0x46: {  	_ =	shalt  }
0x47: {  	_ =	shalt  }
0x48: {  	_ =	shalt  }
0x49: {  	_ =	shalt  }
0x4a: {  	_ =	shalt  }
0x4b: {  	_ =	shalt  }
0x4c: {  	_ =	shalt  }
0x4d: {  	_ =	shalt  }
0x4e: {  	_ =	shalt  }
0x4f: {  	_ =	shalt  }
0x50: {  	_ =	shalt  }
0x51: {  	_ =	shalt  }
0x52: {  	_ =	shalt  }
0x53: {  	_ =	shalt  }
0x54: {  	_ =	shalt  }
0x55: {  	_ =	shalt  }
0x56: {  	_ =	shalt  }
0x57: {  	_ =	shalt  }
0x58: {  	_ =	shalt  }
0x59: {  	_ =	shalt  }
0x5a: {  	_ =	shalt  }
0x5b: {  	_ =	shalt  }
0x5c: {  	_ =	shalt  }
0x5d: {  	_ =	shalt  }
0x5e: {  	_ =	shalt  }
0x5f: {  	_ =	shalt  }
0x60: {  	_ =	shalt  }
0x61: {  	_ =	shalt  }
0x62: {  	_ =	shalt  }
0x63: {  	_ =	shalt  }
0x64: {  	_ =	shalt  }
0x65: {  	_ =	shalt  }
0x66: {  	_ =	shalt  }
0x67: {  	_ =	shalt  }
0x68: {  	_ =	shalt  }
0x69: {  	_ =	shalt  }
0x6a: {  	_ =	shalt  }
0x6b: {  	_ =	shalt  }
0x6c: {  	_ =	shalt  }
0x6d: {  	_ =	shalt  }
0x6e: {  	_ =	shalt  }
0x6f: {  	_ =	shalt  }
0x70: {  	_ =	shalt  }
0x71: {  	_ =	shalt  }
0x72: {  	_ =	shalt  }
0x73: {  	_ =	shalt  }
0x74: {  	_ =	shalt  }
0x75: {  	_ =	shalt  }
0x76: {  	_ =	shalt  }
0x77: {  	_ =	shalt  }
0x78: {  	_ =	shalt  }
0x79: {  	_ =	shalt  }
0x7a: {  	_ =	shalt  }
0x7b: {  	_ =	shalt  }
0x7c: {  	_ =	shalt  }
0x7d: {  	_ =	shalt  }
0x7e: {  	_ =	shalt  }
0x7f: {  	_ =	shalt  }
0x80: {  	_ =	shalt  }
0x81: {  	_ =	shalt  }
0x82: {  	_ =	shalt  }
0x83: {  	_ =	shalt  }
0x84: {  	_ =	shalt  }
0x85: {  	_ =	shalt  }
0x86: {  	_ =	shalt  }
0x87: {  	_ =	shalt  }
.Lfunc_end0:
.L_simem_size_0:
called_computation_lowered:
.L_overlay_start_0:
0x88: {  	s0 =	sld [smem:$0x3FD9]  }
0x89: {  	s1 =	sld [smem:$0x3FFE];
	_ =	sdelay $0x3  }
0x8a: {  	s0 =	sadd.s32 s1, s0  }
0x8b: {  	s10 =	simm.s32 $0x0;
	[smem:$0x3FBF] =	sst s0  }
0x8c: {  	[smem:$0xF] =	sst s10  }
0x8d: {  	s1 =	sld [smem:$0x3FD0];
	(tm) =	ssettm $0x1  }
0x8e: {  	s11 =	sld [smem:$0x3FFB];
	_ =	sdelay $0x3  }
0x8f: {  	_ =	strace s11  }
0x90: {  	s0 =	sld [smem:$0x3FFC];
	_ =	sdelay $0x3  }
0x91: {  	_ =	strace s0  }
0x92: {  	s0 =	sld [smem:$0x3FFD];
	_ =	sdelay $0x3  }
0x93: {  	_ =	strace s0  }
0x94: {  	s12 =	simm.s32 $0x1B8B;
	_ =	strace $0x8FFFFFFF  }
0x95: {  	_ =	swait.ge [sflag:s12], $0x1  }
0x96: {  	s2 =	sld [smem:$0x3FFE]  }
0x97: {  	[sflag:s12] =	ssyncset.done $0x0  }
0x98: {  	s13 =	simm.s32 $0x1B8E;
	[sflag:s12] =	ssyncadd.s32 $0xFFFFFFFF  }
0x99: {  	s3 =	simm.s32 $0xA;
	[smem:$0x3FD2] =	sst s13  }
0x9a: {  	s4 =	simm.s32 $0x10;
	_ =	strace $0x80000046;
	s14 =	sadd.s32 $0x400, s2  }
0x9b: {  	[smem:s4], [sflag:s3] =	dma.local [hbm:s14], $0x10  }
0x9c: {  	_ =	swait.ge [sflag:s3], $0x10  }
0x9d: {  	[sflag:s3] =	ssyncset.done $0x0  }
0x9e: {  	[sflag:s3] =	ssyncadd.s32 $0xFFFFFFF0  }
0x9f: {  	s15 =	sld [smem:$0x10]  }
0xa0: {  	s0 =	simm.s32 $0x9;
	s9 =	sld [smem:$0x11]  }
0xa1: {  	s11 =	sadd.s32 $0x600, s2;
	s17 =	sadd.s32 $0x800, s2;
	s8 =	sld [smem:$0x12]  }
0xa2: {  	s19 =	sadd.s32 $0xA00, s2;
	s21 =	sadd.s32 $0xC00, s2;
	s7 =	sld [smem:$0x13]  }
0xa3: {  	s24 =	sadd.s32 $0x610, s2;
	s26 =	sadd.s32 $0x810, s2;
	s6 =	sld [smem:$0x14]  }
0xa4: {  	s28 =	sadd.s32 $0xA10, s2;
	s30 =	sadd.s32 $0xC10, s2;
	s5 =	sld [smem:$0x15]  }
0xa5: {  	s14 =	sadd.s32 $0x620, s2;
	s4 =	sld [smem:$0x16];
	s10 =	sshll.u32 s15, $0x7  }
0xa6: {  	s3 =	sld [smem:$0x17];
	s12 =	sshrl.u32 s10, $0x3;
	s16 =	sadd.s32 $0x800000, s10  }
0xa7: {  	s23 =	sadd.s32 $0x40000, s10;
	s25 =	sadd.s32 $0x840000, s10;
	s13 =	sadd.s32 s1, s12  }
0xa8: {  	[hbm:s13], [sflag:s0] =	dma.local [hbm:s11], $0x10  }
0xa9: {  	s15 =	sadd.s32 $0x880000, s10;
	s18 =	sand.u32 $0x1FF0, s12;
	s11 =	sshrl.u32 s16, $0x3  }
0xaa: {  	s12 =	sshrl.u32 s23, $0x3;
	s23 =	sadd.s32 $0x830, s2;
	s11 =	sadd.s32 s1, s11  }
0xab: {  	[hbm:s11], [sflag:s0] =	dma.local [hbm:s17], $0x10  }
0xac: {  	s12 =	sadd.s32 s1, s12;
	s13 =	sadd.s32 $0x80000, s10;
	s11 =	sadd.s32 s18, s1  }
0xad: {  	s16 =	sadd.s32 $0x820, s2;
	s17 =	sadd.s32 $0xA20, s2;
	s20 =	sadd.s32 $0x200000, s11  }
0xae: {  	s22 =	sadd.s32 $0x300000, s11;
	s29 =	sadd.s32 $0x208000, s11;
	s31 =	sadd.s32 $0x308000, s11  }
0xaf: {  	[hbm:s20], [sflag:s0] =	dma.local [hbm:s19], $0x10  }
0xb0: {  	s18 =	sadd.s32 $0x210000, s11;
	s19 =	sadd.s32 $0xC20, s2;
	s20 =	sadd.s32 $0x310000, s11  }
0xb1: {  	[hbm:s22], [sflag:s0] =	dma.local [hbm:s21], $0x10  }
0xb2: {  	[hbm:s12], [sflag:s0] =	dma.local [hbm:s24], $0x10  }
0xb3: {  	s21 =	sadd.s32 $0xC0000, s10;
	s10 =	sadd.s32 $0x8C0000, s10;
	s12 =	sshrl.u32 s25, $0x3  }
0xb4: {  	s22 =	sadd.s32 $0x630, s2;
	s10 =	sshrl.u32 s10, $0x3;
	s12 =	sadd.s32 s1, s12  }
0xb5: {  	[hbm:s12], [sflag:s0] =	dma.local [hbm:s26], $0x10  }
0xb6: {  	s24 =	sadd.s32 $0xA30, s2;
	s25 =	sadd.s32 $0x218000, s11;
	s12 =	sshrl.u32 s13, $0x3  }
0xb7: {  	[hbm:s29], [sflag:s0] =	dma.local [hbm:s28], $0x10  }
0xb8: {  	s11 =	sadd.s32 $0x318000, s11;
	s10 =	sadd.s32 s1, s10;
	s12 =	sadd.s32 s1, s12  }
0xb9: {  	[hbm:s31], [sflag:s0] =	dma.local [hbm:s30], $0x10  }
0xba: {  	[hbm:s12], [sflag:s0] =	dma.local [hbm:s14], $0x10  }
0xbb: {  	s26 =	sadd.s32 $0xC30, s2;
	s13 =	sadd.s32 $0xA40, s2;
	s12 =	sshrl.u32 s15, $0x3  }
0xbc: {  	s29 =	sadd.s32 $0x640, s2;
	s31 =	sadd.s32 $0x840, s2;
	s12 =	sadd.s32 s1, s12  }
0xbd: {  	[hbm:s12], [sflag:s0] =	dma.local [hbm:s16], $0x10  }
0xbe: {  	s15 =	sadd.s32 $0xC40, s2;
	s12 =	sshrl.u32 s21, $0x3;
	s21 =	sadd.s32 $0xA50, s2  }
0xbf: {  	[hbm:s18], [sflag:s0] =	dma.local [hbm:s17], $0x10  }
0xc0: {  	[hbm:s20], [sflag:s0] =	dma.local [hbm:s19], $0x10  }
0xc1: {  	s12 =	sadd.s32 s1, s12;
	s18 =	sadd.s32 $0x650, s2;
	s20 =	sadd.s32 $0x850, s2  }
0xc2: {  	[hbm:s12], [sflag:s0] =	dma.local [hbm:s22], $0x10  }
0xc3: {  	[hbm:s10], [sflag:s0] =	dma.local [hbm:s23], $0x10  }
0xc4: {  	s10 =	sshll.u32 s9, $0x7;
	s9 =	sshll.u32 s9, $0x4;
	s23 =	sadd.s32 $0xC50, s2  }
0xc5: {  	[hbm:s25], [sflag:s0] =	dma.local [hbm:s24], $0x10  }
0xc6: {  	s28 =	sadd.s32 $0x100000, s10;
	s30 =	sadd.s32 $0x900000, s10;
	s9 =	sand.u32 $0x1FF0, s9  }
0xc7: {  	s17 =	sadd.s32 $0x140000, s10;
	s19 =	sadd.s32 $0x940000, s10;
	s25 =	sadd.s32 $0x180000, s10  }
0xc8: {  	[hbm:s11], [sflag:s0] =	dma.local [hbm:s26], $0x10  }
0xc9: {  	s11 =	sshrl.u32 s28, $0x3;
	s9 =	sadd.s32 s9, s1;
	s26 =	sadd.s32 $0x660, s2  }
0xca: {  	s28 =	sadd.s32 $0x980000, s10;
	s11 =	sadd.s32 s1, s11;
	s14 =	sadd.s32 $0x220000, s9  }
0xcb: {  	[hbm:s11], [sflag:s0] =	dma.local [hbm:s29], $0x10  }
0xcc: {  	s16 =	sadd.s32 $0x320000, s9;
	s22 =	sadd.s32 $0x228000, s9;
	s11 =	sshrl.u32 s30, $0x3  }
0xcd: {  	s24 =	sadd.s32 $0x328000, s9;
	s29 =	sadd.s32 $0x860, s2;
	s11 =	sadd.s32 s1, s11  }
0xce: {  	[hbm:s11], [sflag:s0] =	dma.local [hbm:s31], $0x10  }
0xcf: {  	s30 =	sadd.s32 $0xA60, s2;
	s11 =	sshrl.u32 s17, $0x3;
	s31 =	sadd.s32 $0x230000, s9  }
0xd0: {  	[hbm:s14], [sflag:s0] =	dma.local [hbm:s13], $0x10  }
0xd1: {  	s17 =	sadd.s32 $0x870, s2;
	s11 =	sadd.s32 s1, s11;
	s13 =	sadd.s32 $0xC60, s2  }
0xd2: {  	[hbm:s16], [sflag:s0] =	dma.local [hbm:s15], $0x10  }
0xd3: {  	[hbm:s11], [sflag:s0] =	dma.local [hbm:s18], $0x10  }
0xd4: {  	s14 =	sadd.s32 $0x330000, s9;
	s15 =	sadd.s32 $0x1C0000, s10;
	s11 =	sshrl.u32 s19, $0x3  }
0xd5: {  	s16 =	sadd.s32 $0x670, s2;
	s10 =	sadd.s32 $0x9C0000, s10;
	s11 =	sadd.s32 s1, s11  }
0xd6: {  	[hbm:s11], [sflag:s0] =	dma.local [hbm:s20], $0x10  }
0xd7: {  	s10 =	sshrl.u32 s10, $0x3;
	s18 =	sadd.s32 $0xA70, s2;
	s11 =	sshrl.u32 s25, $0x3  }
0xd8: {  	[hbm:s22], [sflag:s0] =	dma.local [hbm:s21], $0x10  }
0xd9: {  	s19 =	sadd.s32 $0x238000, s9;
	s9 =	sadd.s32 $0x338000, s9;
	s11 =	sadd.s32 s1, s11  }
0xda: {  	[hbm:s24], [sflag:s0] =	dma.local [hbm:s23], $0x10  }
0xdb: {  	[hbm:s11], [sflag:s0] =	dma.local [hbm:s26], $0x10  }
0xdc: {  	s10 =	sadd.s32 s1, s10;
	s20 =	sadd.s32 $0xC70, s2;
	s11 =	sshrl.u32 s28, $0x3  }
0xdd: {  	s25 =	sadd.s32 $0xA80, s2;
	s22 =	sadd.s32 $0x680, s2;
	s11 =	sadd.s32 s1, s11  }
0xde: {  	[hbm:s11], [sflag:s0] =	dma.local [hbm:s29], $0x10  }
0xdf: {  	s24 =	sadd.s32 $0x880, s2;
	s28 =	sadd.s32 $0xC80, s2;
	s11 =	sshrl.u32 s15, $0x3  }
0xe0: {  	[hbm:s31], [sflag:s0] =	dma.local [hbm:s30], $0x10  }
0xe1: {  	[hbm:s14], [sflag:s0] =	dma.local [hbm:s13], $0x10  }
0xe2: {  	s11 =	sadd.s32 s1, s11;
	s31 =	sadd.s32 $0x690, s2;
	s13 =	sadd.s32 $0x890, s2  }
0xe3: {  	[hbm:s11], [sflag:s0] =	dma.local [hbm:s16], $0x10  }
0xe4: {  	[hbm:s10], [sflag:s0] =	dma.local [hbm:s17], $0x10  }
0xe5: {  	[hbm:s19], [sflag:s0] =	dma.local [hbm:s18], $0x10  }
0xe6: {  	[hbm:s9], [sflag:s0] =	dma.local [hbm:s20], $0x10  }
0xe7: {  	s14 =	sadd.s32 $0xA90, s2;
	s16 =	sadd.s32 $0xC90, s2;
	s9 =	sshll.u32 s8, $0x7  }
0xe8: {  	s19 =	sadd.s32 $0x6A0, s2;
	s8 =	sshll.u32 s8, $0x4;
	s21 =	sadd.s32 $0x200000, s9  }
0xe9: {  	s23 =	sadd.s32 $0xA00000, s9;
	s8 =	sand.u32 $0x1FF0, s8;
	s30 =	sadd.s32 $0x240000, s9  }
0xea: {  	s12 =	sadd.s32 $0xA40000, s9;
	s18 =	sadd.s32 $0x280000, s9;
	s10 =	sshrl.u32 s21, $0x3  }
0xeb: {  	s20 =	sadd.s32 $0xA80000, s9;
	s8 =	sadd.s32 s8, s1;
	s10 =	sadd.s32 s1, s10  }
0xec: {  	[hbm:s10], [sflag:s0] =	dma.local [hbm:s22], $0x10  }
0xed: {  	s21 =	sadd.s32 $0x8A0, s2;
	s26 =	sadd.s32 $0x240000, s8;
	s10 =	sshrl.u32 s23, $0x3  }
0xee: {  	s29 =	sadd.s32 $0x340000, s8;
	s15 =	sadd.s32 $0x248000, s8;
	s10 =	sadd.s32 s1, s10  }
0xef: {  	[hbm:s10], [sflag:s0] =	dma.local [hbm:s24], $0x10  }
0xf0: {  	s17 =	sadd.s32 $0x348000, s8;
	s22 =	sadd.s32 $0xAA0, s2;
	s10 =	sshrl.u32 s30, $0x3  }
0xf1: {  	[hbm:s26], [sflag:s0] =	dma.local [hbm:s25], $0x10  }
0xf2: {  	s23 =	sadd.s32 $0x250000, s8;
	s24 =	sadd.s32 $0xCA0, s2;
	s10 =	sadd.s32 s1, s10  }
0xf3: {  	[hbm:s29], [sflag:s0] =	dma.local [hbm:s28], $0x10  }
0xf4: {  	[hbm:s10], [sflag:s0] =	dma.local [hbm:s31], $0x10  }
0xf5: {  	s30 =	sadd.s32 $0xAB0, s2;
	s25 =	sadd.s32 $0x350000, s8;
	s10 =	sshrl.u32 s12, $0x3  }
0xf6: {  	s26 =	sadd.s32 $0x2C0000, s9;
	s9 =	sadd.s32 $0xAC0000, s9;
	s10 =	sadd.s32 s1, s10  }
0xf7: {  	[hbm:s10], [sflag:s0] =	dma.local [hbm:s13], $0x10  }
0xf8: {  	s28 =	sadd.s32 $0x6B0, s2;
	s9 =	sshrl.u32 s9, $0x3;
	s10 =	sshrl.u32 s18, $0x3  }
0xf9: {  	[hbm:s15], [sflag:s0] =	dma.local [hbm:s14], $0x10  }
0xfa: {  	s29 =	sadd.s32 $0x8B0, s2;
	s9 =	sadd.s32 s1, s9;
	s10 =	sadd.s32 s1, s10  }
0xfb: {  	[hbm:s17], [sflag:s0] =	dma.local [hbm:s16], $0x10  }
0xfc: {  	[hbm:s10], [sflag:s0] =	dma.local [hbm:s19], $0x10  }
0xfd: {  	s31 =	sadd.s32 $0x258000, s8;
	s8 =	sadd.s32 $0x358000, s8;
	s10 =	sshrl.u32 s20, $0x3  }
0xfe: {  	s12 =	sadd.s32 $0x6C0, s2;
	s14 =	sadd.s32 $0x8C0, s2;
	s10 =	sadd.s32 s1, s10  }
0xff: {  	[hbm:s10], [sflag:s0] =	dma.local [hbm:s21], $0x10  }
0x100: {  	s15 =	sadd.s32 $0xAC0, s2;
	s17 =	sadd.s32 $0xCC0, s2;
	s10 =	sshrl.u32 s26, $0x3  }
0x101: {  	[hbm:s23], [sflag:s0] =	dma.local [hbm:s22], $0x10  }
0x102: {  	s20 =	sadd.s32 $0x6D0, s2;
	s10 =	sadd.s32 s1, s10;
	s22 =	sadd.s32 $0x8D0, s2  }
0x103: {  	[hbm:s25], [sflag:s0] =	dma.local [hbm:s24], $0x10  }
0x104: {  	[hbm:s10], [sflag:s0] =	dma.local [hbm:s28], $0x10  }
0x105: {  	s23 =	sadd.s32 $0xAD0, s2;
	s25 =	sadd.s32 $0xCD0, s2;
	s10 =	sadd.s32 $0xCB0, s2  }
0x106: {  	[hbm:s9], [sflag:s0] =	dma.local [hbm:s29], $0x10  }
0x107: {  	[hbm:s31], [sflag:s0] =	dma.local [hbm:s30], $0x10  }
0x108: {  	[hbm:s8], [sflag:s0] =	dma.local [hbm:s10], $0x10  }
0x109: {  	s29 =	sadd.s32 $0x6E0, s2;
	s31 =	sadd.s32 $0x8E0, s2;
	s8 =	sshll.u32 s7, $0x7  }
0x10a: {  	s7 =	sshll.u32 s7, $0x4;
	s10 =	sadd.s32 $0x910, s2;
	s11 =	sadd.s32 $0x300000, s8  }
0x10b: {  	s13 =	sadd.s32 $0xB00000, s8;
	s7 =	sand.u32 $0x1FF0, s7;
	s19 =	sadd.s32 $0x340000, s8  }
0x10c: {  	s21 =	sadd.s32 $0xB40000, s8;
	s28 =	sadd.s32 $0x380000, s8;
	s9 =	sshrl.u32 s11, $0x3  }
0x10d: {  	s30 =	sadd.s32 $0xB80000, s8;
	s7 =	sadd.s32 s7, s1;
	s9 =	sadd.s32 s1, s9  }
0x10e: {  	[hbm:s9], [sflag:s0] =	dma.local [hbm:s12], $0x10  }
0x10f: {  	s11 =	sadd.s32 $0xAE0, s2;
	s16 =	sadd.s32 $0x260000, s7;
	s9 =	sshrl.u32 s13, $0x3  }
0x110: {  	s18 =	sadd.s32 $0x360000, s7;
	s24 =	sadd.s32 $0x268000, s7;
	s9 =	sadd.s32 s1, s9  }
0x111: {  	[hbm:s9], [sflag:s0] =	dma.local [hbm:s14], $0x10  }
0x112: {  	s26 =	sadd.s32 $0x368000, s7;
	s12 =	sadd.s32 $0x270000, s7;
	s9 =	sshrl.u32 s19, $0x3  }
0x113: {  	[hbm:s16], [sflag:s0] =	dma.local [hbm:s15], $0x10  }
0x114: {  	s13 =	sadd.s32 $0xCE0, s2;
	s14 =	sadd.s32 $0x370000, s7;
	s9 =	sadd.s32 s1, s9  }
0x115: {  	[hbm:s18], [sflag:s0] =	dma.local [hbm:s17], $0x10  }
0x116: {  	[hbm:s9], [sflag:s0] =	dma.local [hbm:s20], $0x10  }
0x117: {  	s19 =	sadd.s32 $0x278000, s7;
	s7 =	sadd.s32 $0x378000, s7;
	s9 =	sshrl.u32 s21, $0x3  }
0x118: {  	s15 =	sadd.s32 $0x3C0000, s8;
	s8 =	sadd.s32 $0xBC0000, s8;
	s9 =	sadd.s32 s1, s9  }
0x119: {  	[hbm:s9], [sflag:s0] =	dma.local [hbm:s22], $0x10  }
0x11a: {  	s16 =	sadd.s32 $0x6F0, s2;
	s8 =	sshrl.u32 s8, $0x3;
	s9 =	sshrl.u32 s28, $0x3  }
0x11b: {  	[hbm:s24], [sflag:s0] =	dma.local [hbm:s23], $0x10  }
0x11c: {  	s17 =	sadd.s32 $0x8F0, s2;
	s18 =	sadd.s32 $0xAF0, s2;
	s9 =	sadd.s32 s1, s9  }
0x11d: {  	[hbm:s26], [sflag:s0] =	dma.local [hbm:s25], $0x10  }
0x11e: {  	[hbm:s9], [sflag:s0] =	dma.local [hbm:s29], $0x10  }
0x11f: {  	s8 =	sadd.s32 s1, s8;
	s20 =	sadd.s32 $0xCF0, s2;
	s9 =	sshrl.u32 s30, $0x3  }
0x120: {  	s22 =	sadd.s32 $0x700, s2;
	s28 =	sadd.s32 $0xD00, s2;
	s9 =	sadd.s32 s1, s9  }
0x121: {  	[hbm:s9], [sflag:s0] =	dma.local [hbm:s31], $0x10  }
0x122: {  	s24 =	sadd.s32 $0x900, s2;
	s25 =	sadd.s32 $0xB00, s2;
	s9 =	sshrl.u32 s15, $0x3  }
0x123: {  	[hbm:s12], [sflag:s0] =	dma.local [hbm:s11], $0x10  }
0x124: {  	s31 =	sadd.s32 $0x710, s2;
	s9 =	sadd.s32 s1, s9;
	s11 =	sadd.s32 $0xB10, s2  }
0x125: {  	[hbm:s14], [sflag:s0] =	dma.local [hbm:s13], $0x10  }
0x126: {  	[hbm:s9], [sflag:s0] =	dma.local [hbm:s16], $0x10  }
0x127: {  	[hbm:s8], [sflag:s0] =	dma.local [hbm:s17], $0x10  }
0x128: {  	[hbm:s19], [sflag:s0] =	dma.local [hbm:s18], $0x10  }
0x129: {  	s13 =	sadd.s32 $0xD10, s2;
	s16 =	sadd.s32 $0x720, s2;
	s18 =	sadd.s32 $0x920, s2  }
0x12a: {  	[hbm:s7], [sflag:s0] =	dma.local [hbm:s20], $0x10  }
0x12b: {  	s19 =	sadd.s32 $0xB20, s2;
	s7 =	sshll.u32 s6, $0x7;
	s6 =	sshll.u32 s6, $0x4  }
0x12c: {  	s21 =	sadd.s32 $0x400000, s7;
	s23 =	sadd.s32 $0xC00000, s7;
	s6 =	sand.u32 $0x1FF0, s6  }
0x12d: {  	s30 =	sadd.s32 $0x440000, s7;
	s9 =	sadd.s32 $0xC40000, s7;
	s8 =	sshrl.u32 s21, $0x3  }
0x12e: {  	s15 =	sadd.s32 $0x480000, s7;
	s17 =	sadd.s32 $0xC80000, s7;
	s8 =	sadd.s32 s1, s8  }
0x12f: {  	[hbm:s8], [sflag:s0] =	dma.local [hbm:s22], $0x10  }
0x130: {  	s6 =	sadd.s32 s6, s1;
	s21 =	sadd.s32 $0xD20, s2;
	s8 =	sshrl.u32 s23, $0x3  }
0x131: {  	s26 =	sadd.s32 $0x280000, s6;
	s29 =	sadd.s32 $0x380000, s6;
	s8 =	sadd.s32 s1, s8  }
0x132: {  	[hbm:s8], [sflag:s0] =	dma.local [hbm:s24], $0x10  }
0x133: {  	s12 =	sadd.s32 $0x288000, s6;
	s14 =	sadd.s32 $0x388000, s6;
	s8 =	sshrl.u32 s30, $0x3  }
0x134: {  	[hbm:s26], [sflag:s0] =	dma.local [hbm:s25], $0x10  }
0x135: {  	s20 =	sadd.s32 $0x290000, s6;
	s22 =	sadd.s32 $0x390000, s6;
	s8 =	sadd.s32 s1, s8  }
0x136: {  	[hbm:s29], [sflag:s0] =	dma.local [hbm:s28], $0x10  }
0x137: {  	[hbm:s8], [sflag:s0] =	dma.local [hbm:s31], $0x10  }
0x138: {  	s23 =	sadd.s32 $0x4C0000, s7;
	s7 =	sadd.s32 $0xCC0000, s7;
	s8 =	sshrl.u32 s9, $0x3  }
0x139: {  	s7 =	sshrl.u32 s7, $0x3;
	s24 =	sadd.s32 $0x730, s2;
	s8 =	sadd.s32 s1, s8  }
0x13a: {  	[hbm:s8], [sflag:s0] =	dma.local [hbm:s10], $0x10  }
0x13b: {  	s7 =	sadd.s32 s1, s7;
	s25 =	sadd.s32 $0x930, s2;
	s8 =	sshrl.u32 s15, $0x3  }
0x13c: {  	[hbm:s12], [sflag:s0] =	dma.local [hbm:s11], $0x10  }
0x13d: {  	s26 =	sadd.s32 $0xB30, s2;
	s28 =	sadd.s32 $0x298000, s6;
	s8 =	sadd.s32 s1, s8  }
0x13e: {  	[hbm:s14], [sflag:s0] =	dma.local [hbm:s13], $0x10  }
0x13f: {  	[hbm:s8], [sflag:s0] =	dma.local [hbm:s16], $0x10  }
0x140: {  	s29 =	sadd.s32 $0xD30, s2;
	s6 =	sadd.s32 $0x398000, s6;
	s8 =	sshrl.u32 s17, $0x3  }
0x141: {  	s31 =	sadd.s32 $0x740, s2;
	s10 =	sadd.s32 $0x940, s2;
	s8 =	sadd.s32 s1, s8  }
0x142: {  	[hbm:s8], [sflag:s0] =	dma.local [hbm:s18], $0x10  }
0x143: {  	s11 =	sadd.s32 $0xB40, s2;
	s13 =	sadd.s32 $0xD40, s2;
	s8 =	sshrl.u32 s23, $0x3  }
0x144: {  	[hbm:s20], [sflag:s0] =	dma.local [hbm:s19], $0x10  }
0x145: {  	s16 =	sadd.s32 $0x750, s2;
	s18 =	sadd.s32 $0x950, s2;
	s8 =	sadd.s32 s1, s8  }
0x146: {  	[hbm:s22], [sflag:s0] =	dma.local [hbm:s21], $0x10  }
0x147: {  	[hbm:s8], [sflag:s0] =	dma.local [hbm:s24], $0x10  }
0x148: {  	s19 =	sadd.s32 $0xB50, s2;
	s21 =	sadd.s32 $0xD50, s2;
	s24 =	sadd.s32 $0x760, s2  }
0x149: {  	[hbm:s7], [sflag:s0] =	dma.local [hbm:s25], $0x10  }
0x14a: {  	[hbm:s28], [sflag:s0] =	dma.local [hbm:s26], $0x10  }
0x14b: {  	[hbm:s6], [sflag:s0] =	dma.local [hbm:s29], $0x10  }
0x14c: {  	s8 =	sadd.s32 $0x7A0, s2;
	s26 =	sadd.s32 $0x960, s2;
	s6 =	sshll.u32 s5, $0x7  }
0x14d: {  	s28 =	sadd.s32 $0xB60, s2;
	s5 =	sshll.u32 s5, $0x4;
	s30 =	sadd.s32 $0x500000, s6  }
0x14e: {  	s9 =	sadd.s32 $0xD00000, s6;
	s5 =	sand.u32 $0x1FF0, s5;
	s15 =	sadd.s32 $0x540000, s6  }
0x14f: {  	s17 =	sadd.s32 $0xD40000, s6;
	s23 =	sadd.s32 $0x580000, s6;
	s7 =	sshrl.u32 s30, $0x3  }
0x150: {  	s25 =	sadd.s32 $0xD80000, s6;
	s5 =	sadd.s32 s5, s1;
	s7 =	sadd.s32 s1, s7  }
0x151: {  	[hbm:s7], [sflag:s0] =	dma.local [hbm:s31], $0x10  }
0x152: {  	s30 =	sadd.s32 $0xD60, s2;
	s12 =	sadd.s32 $0x2A0000, s5;
	s7 =	sshrl.u32 s9, $0x3  }
0x153: {  	s14 =	sadd.s32 $0x3A0000, s5;
	s20 =	sadd.s32 $0x2A8000, s5;
	s7 =	sadd.s32 s1, s7  }
0x154: {  	[hbm:s7], [sflag:s0] =	dma.local [hbm:s10], $0x10  }
0x155: {  	s22 =	sadd.s32 $0x3A8000, s5;
	s29 =	sadd.s32 $0x2B0000, s5;
	s7 =	sshrl.u32 s15, $0x3  }
0x156: {  	[hbm:s12], [sflag:s0] =	dma.local [hbm:s11], $0x10  }
0x157: {  	s9 =	sadd.s32 $0x5C0000, s6;
	s6 =	sadd.s32 $0xDC0000, s6;
	s7 =	sadd.s32 s1, s7  }
0x158: {  	[hbm:s14], [sflag:s0] =	dma.local [hbm:s13], $0x10  }
0x159: {  	[hbm:s7], [sflag:s0] =	dma.local [hbm:s16], $0x10  }
0x15a: {  	s31 =	sadd.s32 $0x3B0000, s5;
	s6 =	sshrl.u32 s6, $0x3;
	s7 =	sshrl.u32 s17, $0x3  }
0x15b: {  	s10 =	sadd.s32 $0x770, s2;
	s6 =	sadd.s32 s1, s6;
	s7 =	sadd.s32 s1, s7  }
0x15c: {  	[hbm:s7], [sflag:s0] =	dma.local [hbm:s18], $0x10  }
0x15d: {  	s11 =	sadd.s32 $0x970, s2;
	s12 =	sadd.s32 $0xB70, s2;
	s7 =	sshrl.u32 s23, $0x3  }
0x15e: {  	[hbm:s20], [sflag:s0] =	dma.local [hbm:s19], $0x10  }
0x15f: {  	s13 =	sadd.s32 $0x2B8000, s5;
	s14 =	sadd.s32 $0xD70, s2;
	s7 =	sadd.s32 s1, s7  }
0x160: {  	[hbm:s22], [sflag:s0] =	dma.local [hbm:s21], $0x10  }
0x161: {  	[hbm:s7], [sflag:s0] =	dma.local [hbm:s24], $0x10  }
0x162: {  	s5 =	sadd.s32 $0x3B8000, s5;
	s16 =	sadd.s32 $0x780, s2;
	s7 =	sshrl.u32 s25, $0x3  }
0x163: {  	s18 =	sadd.s32 $0x980, s2;
	s19 =	sadd.s32 $0xB80, s2;
	s7 =	sadd.s32 s1, s7  }
0x164: {  	[hbm:s7], [sflag:s0] =	dma.local [hbm:s26], $0x10  }
0x165: {  	s21 =	sadd.s32 $0xD80, s2;
	s24 =	sadd.s32 $0x790, s2;
	s7 =	sshrl.u32 s9, $0x3  }
0x166: {  	[hbm:s29], [sflag:s0] =	dma.local [hbm:s28], $0x10  }
0x167: {  	s26 =	sadd.s32 $0x990, s2;
	s7 =	sadd.s32 s1, s7;
	s28 =	sadd.s32 $0xB90, s2  }
0x168: {  	[hbm:s31], [sflag:s0] =	dma.local [hbm:s30], $0x10  }
0x169: {  	[hbm:s7], [sflag:s0] =	dma.local [hbm:s10], $0x10  }
0x16a: {  	[hbm:s6], [sflag:s0] =	dma.local [hbm:s11], $0x10  }
0x16b: {  	[hbm:s13], [sflag:s0] =	dma.local [hbm:s12], $0x10  }
0x16c: {  	[hbm:s5], [sflag:s0] =	dma.local [hbm:s14], $0x10  }
0x16d: {  	s30 =	sadd.s32 $0xD90, s2;
	s10 =	sadd.s32 $0x9A0, s2;
	s5 =	sshll.u32 s4, $0x7  }
0x16e: {  	s11 =	sadd.s32 $0xBA0, s2;
	s13 =	sadd.s32 $0xDA0, s2;
	s15 =	sadd.s32 $0x600000, s5  }
0x16f: {  	s4 =	sshll.u32 s4, $0x4;
	s17 =	sadd.s32 $0xE00000, s5;
	s6 =	sshrl.u32 s15, $0x3  }
0x170: {  	s4 =	sand.u32 $0x1FF0, s4;
	s23 =	sadd.s32 $0x640000, s5;
	s6 =	sadd.s32 s1, s6  }
0x171: {  	[hbm:s6], [sflag:s0] =	dma.local [hbm:s16], $0x10  }
0x172: {  	s25 =	sadd.s32 $0xE40000, s5;
	s7 =	sadd.s32 $0x680000, s5;
	s6 =	sshrl.u32 s17, $0x3  }
0x173: {  	s9 =	sadd.s32 $0xE80000, s5;
	s4 =	sadd.s32 s4, s1;
	s6 =	sadd.s32 s1, s6  }
0x174: {  	[hbm:s6], [sflag:s0] =	dma.local [hbm:s18], $0x10  }
0x175: {  	s15 =	sadd.s32 $0x6C0000, s5;
	s20 =	sadd.s32 $0x2C0000, s4;
	s6 =	sshrl.u32 s23, $0x3  }
0x176: {  	[hbm:s20], [sflag:s0] =	dma.local [hbm:s19], $0x10  }
0x177: {  	s5 =	sadd.s32 $0xEC0000, s5;
	s22 =	sadd.s32 $0x3C0000, s4;
	s6 =	sadd.s32 s1, s6  }
0x178: {  	[hbm:s22], [sflag:s0] =	dma.local [hbm:s21], $0x10  }
0x179: {  	[hbm:s6], [sflag:s0] =	dma.local [hbm:s24], $0x10  }
0x17a: {  	s29 =	sadd.s32 $0x2C8000, s4;
	s31 =	sadd.s32 $0x3C8000, s4;
	s6 =	sshrl.u32 s25, $0x3  }
0x17b: {  	s12 =	sadd.s32 $0x2D0000, s4;
	s14 =	sadd.s32 $0x3D0000, s4;
	s6 =	sadd.s32 s1, s6  }
0x17c: {  	[hbm:s6], [sflag:s0] =	dma.local [hbm:s26], $0x10  }
0x17d: {  	s5 =	sshrl.u32 s5, $0x3;
	s16 =	sadd.s32 $0x7B0, s2;
	s6 =	sshrl.u32 s7, $0x3  }
0x17e: {  	[hbm:s29], [sflag:s0] =	dma.local [hbm:s28], $0x10  }
0x17f: {  	s17 =	sadd.s32 $0x9B0, s2;
	s5 =	sadd.s32 s1, s5;
	s6 =	sadd.s32 s1, s6  }
0x180: {  	[hbm:s31], [sflag:s0] =	dma.local [hbm:s30], $0x10  }
0x181: {  	[hbm:s6], [sflag:s0] =	dma.local [hbm:s8], $0x10  }
0x182: {  	s18 =	sadd.s32 $0xBB0, s2;
	s19 =	sadd.s32 $0x2D8000, s4;
	s6 =	sshrl.u32 s9, $0x3  }
0x183: {  	s20 =	sadd.s32 $0xDB0, s2;
	s4 =	sadd.s32 $0x3D8000, s4;
	s6 =	sadd.s32 s1, s6  }
0x184: {  	[hbm:s6], [sflag:s0] =	dma.local [hbm:s10], $0x10  }
0x185: {  	s22 =	sadd.s32 $0x7C0, s2;
	s24 =	sadd.s32 $0x9C0, s2;
	s6 =	sshrl.u32 s15, $0x3  }
0x186: {  	[hbm:s12], [sflag:s0] =	dma.local [hbm:s11], $0x10  }
0x187: {  	s25 =	sadd.s32 $0xBC0, s2;
	s7 =	sadd.s32 $0x9D0, s2;
	s6 =	sadd.s32 s1, s6  }
0x188: {  	[hbm:s14], [sflag:s0] =	dma.local [hbm:s13], $0x10  }
0x189: {  	[hbm:s6], [sflag:s0] =	dma.local [hbm:s16], $0x10  }
0x18a: {  	[hbm:s5], [sflag:s0] =	dma.local [hbm:s17], $0x10  }
0x18b: {  	[hbm:s19], [sflag:s0] =	dma.local [hbm:s18], $0x10  }
0x18c: {  	[hbm:s4], [sflag:s0] =	dma.local [hbm:s20], $0x10  }
0x18d: {  	s28 =	sadd.s32 $0xDC0, s2;
	s31 =	sadd.s32 $0x7D0, s2;
	s4 =	sshll.u32 s3, $0x7  }
0x18e: {  	s8 =	sadd.s32 $0xBD0, s2;
	s10 =	sadd.s32 $0xDD0, s2;
	s21 =	sadd.s32 $0x700000, s4  }
0x18f: {  	s15 =	sadd.s32 $0x9E0, s2;
	s13 =	sadd.s32 $0x7E0, s2;
	s5 =	sshrl.u32 s21, $0x3  }
0x190: {  	s3 =	sshll.u32 s3, $0x4;
	s23 =	sadd.s32 $0xF00000, s4;
	s5 =	sadd.s32 s1, s5  }
0x191: {  	[hbm:s5], [sflag:s0] =	dma.local [hbm:s22], $0x10  }
0x192: {  	s16 =	sadd.s32 $0xBE0, s2;
	s3 =	sand.u32 $0x1FF0, s3;
	s5 =	sshrl.u32 s23, $0x3  }
0x193: {  	s30 =	sadd.s32 $0x740000, s4;
	s3 =	sadd.s32 s3, s1;
	s5 =	sadd.s32 s1, s5  }
0x194: {  	[hbm:s5], [sflag:s0] =	dma.local [hbm:s24], $0x10  }
0x195: {  	s18 =	sadd.s32 $0xDE0, s2;
	s26 =	sadd.s32 $0x2E0000, s3;
	s5 =	sshrl.u32 s30, $0x3  }
0x196: {  	[hbm:s26], [sflag:s0] =	dma.local [hbm:s25], $0x10  }
0x197: {  	s6 =	sadd.s32 $0xF40000, s4;
	s29 =	sadd.s32 $0x3E0000, s3;
	s5 =	sadd.s32 s1, s5  }
0x198: {  	[hbm:s29], [sflag:s0] =	dma.local [hbm:s28], $0x10  }
0x199: {  	[hbm:s5], [sflag:s0] =	dma.local [hbm:s31], $0x10  }
0x19a: {  	s12 =	sadd.s32 $0x780000, s4;
	s14 =	sadd.s32 $0xF80000, s4;
	s5 =	sshrl.u32 s6, $0x3  }
0x19b: {  	s20 =	sadd.s32 $0x7C0000, s4;
	s4 =	sadd.s32 $0xFC0000, s4;
	s5 =	sadd.s32 s1, s5  }
0x19c: {  	[hbm:s5], [sflag:s0] =	dma.local [hbm:s7], $0x10  }
0x19d: {  	s21 =	sadd.s32 $0x7F0, s2;
	s9 =	sadd.s32 $0x2E8000, s3;
	s5 =	sshrl.u32 s12, $0x3  }
0x19e: {  	[hbm:s9], [sflag:s0] =	dma.local [hbm:s8], $0x10  }
0x19f: {  	s4 =	sshrl.u32 s4, $0x3;
	s11 =	sadd.s32 $0x3E8000, s3;
	s5 =	sadd.s32 s1, s5  }
0x1a0: {  	[hbm:s11], [sflag:s0] =	dma.local [hbm:s10], $0x10  }
0x1a1: {  	[hbm:s5], [sflag:s0] =	dma.local [hbm:s13], $0x10  }
0x1a2: {  	s17 =	sadd.s32 $0x2F0000, s3;
	s19 =	sadd.s32 $0x3F0000, s3;
	s5 =	sshrl.u32 s14, $0x3  }
0x1a3: {  	s22 =	sadd.s32 $0x9F0, s2;
	s23 =	sadd.s32 $0xBF0, s2;
	s5 =	sadd.s32 s1, s5  }
0x1a4: {  	[hbm:s5], [sflag:s0] =	dma.local [hbm:s15], $0x10  }
0x1a5: {  	s24 =	sadd.s32 $0x2F8000, s3;
	s25 =	sadd.s32 $0xDF0, s2;
	s5 =	sshrl.u32 s20, $0x3  }
0x1a6: {  	[hbm:s17], [sflag:s0] =	dma.local [hbm:s16], $0x10  }
0x1a7: {  	s26 =	sadd.s32 $0x3F8000, s3;
	s5 =	sadd.s32 s1, s5;
	s1 =	sadd.s32 s1, s4  }
0x1a8: {  	[hbm:s19], [sflag:s0] =	dma.local [hbm:s18], $0x10  }
0x1a9: {  	[hbm:s5], [sflag:s0] =	dma.local [hbm:s21], $0x10  }
0x1aa: {  	[hbm:s1], [sflag:s0] =	dma.local [hbm:s22], $0x10  }
0x1ab: {  	[hbm:s24], [sflag:s0] =	dma.local [hbm:s23], $0x10  }
0x1ac: {  	[hbm:s26], [sflag:s0] =	dma.local [hbm:s25], $0x10  }
0x1ad: {  	_ =	swait.ge [sflag:s0], $0x10  }
0x1ae: {  	[sflag:s0] =	ssyncset.done $0x0  }
0x1af: {  	[sflag:s0] =	ssyncadd.s32 $0xFFFFFFF0;
	_ =	sdelay $0x2  }
0x1b0: {  	_ =	swait.ge [sflag:s0], $0x10  }
0x1b1: {  	[sflag:s0] =	ssyncset.done $0x0  }
0x1b2: {  	[sflag:s0] =	ssyncadd.s32 $0xFFFFFFF0;
	_ =	sdelay $0x2  }
0x1b3: {  	_ =	swait.ge [sflag:s0], $0x10  }
0x1b4: {  	[sflag:s0] =	ssyncset.done $0x0  }
0x1b5: {  	[sflag:s0] =	ssyncadd.s32 $0xFFFFFFF0;
	_ =	sdelay $0x2  }
0x1b6: {  	_ =	swait.ge [sflag:s0], $0x10  }
0x1b7: {  	[sflag:s0] =	ssyncset.done $0x0  }
0x1b8: {  	[sflag:s0] =	ssyncadd.s32 $0xFFFFFFF0;
	_ =	sdelay $0x2  }
0x1b9: {  	_ =	swait.ge [sflag:s0], $0x10  }
0x1ba: {  	[sflag:s0] =	ssyncset.done $0x0  }
0x1bb: {  	[sflag:s0] =	ssyncadd.s32 $0xFFFFFFF0;
	_ =	sdelay $0x2  }
0x1bc: {  	_ =	swait.ge [sflag:s0], $0x10  }
0x1bd: {  	[sflag:s0] =	ssyncset.done $0x0  }
0x1be: {  	[sflag:s0] =	ssyncadd.s32 $0xFFFFFFF0;
	_ =	sdelay $0x2  }
0x1bf: {  	_ =	swait.ge [sflag:s0], $0x10  }
0x1c0: {  	[sflag:s0] =	ssyncset.done $0x0  }
0x1c1: {  	[sflag:s0] =	ssyncadd.s32 $0xFFFFFFF0;
	_ =	sdelay $0x2  }
0x1c2: {  	_ =	swait.ge [sflag:s0], $0x10  }
0x1c3: {  	[sflag:s0] =	ssyncset.done $0x0  }
0x1c4: {  	[sflag:s0] =	ssyncadd.s32 $0xFFFFFFF0;
	_ =	sdelay $0x2  }
0x1c5: {  	_ =	swait.ge [sflag:s0], $0x10  }
0x1c6: {  	[sflag:s0] =	ssyncset.done $0x0  }
0x1c7: {  	[sflag:s0] =	ssyncadd.s32 $0xFFFFFFF0;
	_ =	sdelay $0x2  }
0x1c8: {  	_ =	swait.ge [sflag:s0], $0x10  }
0x1c9: {  	[sflag:s0] =	ssyncset.done $0x0  }
0x1ca: {  	[sflag:s0] =	ssyncadd.s32 $0xFFFFFFF0;
	_ =	sdelay $0x2  }
0x1cb: {  	_ =	swait.ge [sflag:s0], $0x10  }
0x1cc: {  	[sflag:s0] =	ssyncset.done $0x0  }
0x1cd: {  	[sflag:s0] =	ssyncadd.s32 $0xFFFFFFF0;
	_ =	sdelay $0x2  }
0x1ce: {  	_ =	swait.ge [sflag:s0], $0x10  }
0x1cf: {  	[sflag:s0] =	ssyncset.done $0x0  }
0x1d0: {  	[sflag:s0] =	ssyncadd.s32 $0xFFFFFFF0;
	_ =	sdelay $0x2  }
0x1d1: {  	_ =	swait.ge [sflag:s0], $0x10  }
0x1d2: {  	[sflag:s0] =	ssyncset.done $0x0  }
0x1d3: {  	[sflag:s0] =	ssyncadd.s32 $0xFFFFFFF0;
	_ =	sdelay $0x2  }
0x1d4: {  	_ =	swait.ge [sflag:s0], $0x10  }
0x1d5: {  	[sflag:s0] =	ssyncset.done $0x0  }
0x1d6: {  	[sflag:s0] =	ssyncadd.s32 $0xFFFFFFF0;
	_ =	sdelay $0x2  }
0x1d7: {  	_ =	swait.ge [sflag:s0], $0x10  }
0x1d8: {  	[sflag:s0] =	ssyncset.done $0x0  }
0x1d9: {  	[sflag:s0] =	ssyncadd.s32 $0xFFFFFFF0;
	_ =	sdelay $0x2  }
0x1da: {  	_ =	swait.ge [sflag:s0], $0x10  }
0x1db: {  	[sflag:s0] =	ssyncset.done $0x0  }
0x1dc: {  	[sflag:s0] =	ssyncadd.s32 $0xFFFFFFF0;
	_ =	sdelay $0x2  }
0x1dd: {  	_ =	swait.ge [sflag:s0], $0x10  }
0x1de: {  	[sflag:s0] =	ssyncset.done $0x0  }
0x1df: {  	[sflag:s0] =	ssyncadd.s32 $0xFFFFFFF0;
	_ =	sdelay $0x2  }
0x1e0: {  	_ =	swait.ge [sflag:s0], $0x10  }
0x1e1: {  	[sflag:s0] =	ssyncset.done $0x0  }
0x1e2: {  	[sflag:s0] =	ssyncadd.s32 $0xFFFFFFF0;
	_ =	sdelay $0x2  }
0x1e3: {  	_ =	swait.ge [sflag:s0], $0x10  }
0x1e4: {  	[sflag:s0] =	ssyncset.done $0x0  }
0x1e5: {  	[sflag:s0] =	ssyncadd.s32 $0xFFFFFFF0;
	_ =	sdelay $0x2  }
0x1e6: {  	_ =	swait.ge [sflag:s0], $0x10  }
0x1e7: {  	[sflag:s0] =	ssyncset.done $0x0  }
0x1e8: {  	[sflag:s0] =	ssyncadd.s32 $0xFFFFFFF0;
	_ =	sdelay $0x2  }
0x1e9: {  	_ =	swait.ge [sflag:s0], $0x10  }
0x1ea: {  	[sflag:s0] =	ssyncset.done $0x0  }
0x1eb: {  	[sflag:s0] =	ssyncadd.s32 $0xFFFFFFF0;
	_ =	sdelay $0x2  }
0x1ec: {  	_ =	swait.ge [sflag:s0], $0x10  }
0x1ed: {  	[sflag:s0] =	ssyncset.done $0x0  }
0x1ee: {  	[sflag:s0] =	ssyncadd.s32 $0xFFFFFFF0;
	_ =	sdelay $0x2  }
0x1ef: {  	_ =	swait.ge [sflag:s0], $0x10  }
0x1f0: {  	[sflag:s0] =	ssyncset.done $0x0  }
0x1f1: {  	[sflag:s0] =	ssyncadd.s32 $0xFFFFFFF0;
	_ =	sdelay $0x2  }
0x1f2: {  	_ =	swait.ge [sflag:s0], $0x10  }
0x1f3: {  	[sflag:s0] =	ssyncset.done $0x0  }
0x1f4: {  	[sflag:s0] =	ssyncadd.s32 $0xFFFFFFF0;
	_ =	sdelay $0x2  }
0x1f5: {  	_ =	swait.ge [sflag:s0], $0x10  }
0x1f6: {  	[sflag:s0] =	ssyncset.done $0x0  }
0x1f7: {  	[sflag:s0] =	ssyncadd.s32 $0xFFFFFFF0;
	_ =	sdelay $0x2  }
0x1f8: {  	_ =	swait.ge [sflag:s0], $0x10  }
0x1f9: {  	[sflag:s0] =	ssyncset.done $0x0  }
0x1fa: {  	[sflag:s0] =	ssyncadd.s32 $0xFFFFFFF0;
	_ =	sdelay $0x2  }
0x1fb: {  	_ =	swait.ge [sflag:s0], $0x10  }
0x1fc: {  	[sflag:s0] =	ssyncset.done $0x0  }
0x1fd: {  	[sflag:s0] =	ssyncadd.s32 $0xFFFFFFF0;
	_ =	sdelay $0x2  }
0x1fe: {  	_ =	swait.ge [sflag:s0], $0x10  }
0x1ff: {  	[sflag:s0] =	ssyncset.done $0x0  }
0x200: {  	[sflag:s0] =	ssyncadd.s32 $0xFFFFFFF0;
	_ =	sdelay $0x2  }
0x201: {  	_ =	swait.ge [sflag:s0], $0x10  }
0x202: {  	[sflag:s0] =	ssyncset.done $0x0  }
0x203: {  	[sflag:s0] =	ssyncadd.s32 $0xFFFFFFF0;
	_ =	sdelay $0x2  }
0x204: {  	_ =	swait.ge [sflag:s0], $0x10  }
0x205: {  	[sflag:s0] =	ssyncset.done $0x0  }
0x206: {  	[sflag:s0] =	ssyncadd.s32 $0xFFFFFFF0;
	_ =	sdelay $0x2  }
0x207: {  	_ =	swait.ge [sflag:s0], $0x10  }
0x208: {  	[sflag:s0] =	ssyncset.done $0x0  }
0x209: {  	[sflag:s0] =	ssyncadd.s32 $0xFFFFFFF0;
	_ =	sdelay $0x2  }
0x20a: {  	_ =	swait.ge [sflag:s0], $0x10  }
0x20b: {  	[sflag:s0] =	ssyncset.done $0x0  }
0x20c: {  	[sflag:s0] =	ssyncadd.s32 $0xFFFFFFF0;
	_ =	sdelay $0x2  }
0x20d: {  	_ =	swait.ge [sflag:s0], $0x10  }
0x20e: {  	[sflag:s0] =	ssyncset.done $0x0  }
0x20f: {  	[sflag:s0] =	ssyncadd.s32 $0xFFFFFFF0;
	_ =	sdelay $0x2  }
0x210: {  	_ =	swait.ge [sflag:s0], $0x10  }
0x211: {  	[sflag:s0] =	ssyncset.done $0x0  }
0x212: {  	[sflag:s0] =	ssyncadd.s32 $0xFFFFFFF0;
	_ =	sdelay $0x2  }
0x213: {  	_ =	swait.ge [sflag:s0], $0x10  }
0x214: {  	[sflag:s0] =	ssyncset.done $0x0  }
0x215: {  	[sflag:s0] =	ssyncadd.s32 $0xFFFFFFF0;
	_ =	sdelay $0x2  }
0x216: {  	_ =	swait.ge [sflag:s0], $0x10  }
0x217: {  	[sflag:s0] =	ssyncset.done $0x0  }
0x218: {  	[sflag:s0] =	ssyncadd.s32 $0xFFFFFFF0;
	_ =	sdelay $0x2  }
0x219: {  	_ =	swait.ge [sflag:s0], $0x10  }
0x21a: {  	[sflag:s0] =	ssyncset.done $0x0  }
0x21b: {  	[sflag:s0] =	ssyncadd.s32 $0xFFFFFFF0;
	_ =	sdelay $0x2  }
0x21c: {  	_ =	swait.ge [sflag:s0], $0x10  }
0x21d: {  	[sflag:s0] =	ssyncset.done $0x0  }
0x21e: {  	[sflag:s0] =	ssyncadd.s32 $0xFFFFFFF0;
	_ =	sdelay $0x2  }
0x21f: {  	_ =	swait.ge [sflag:s0], $0x10  }
0x220: {  	[sflag:s0] =	ssyncset.done $0x0  }
0x221: {  	[sflag:s0] =	ssyncadd.s32 $0xFFFFFFF0;
	_ =	sdelay $0x2  }
0x222: {  	_ =	swait.ge [sflag:s0], $0x10  }
0x223: {  	[sflag:s0] =	ssyncset.done $0x0  }
0x224: {  	[sflag:s0] =	ssyncadd.s32 $0xFFFFFFF0;
	_ =	sdelay $0x2  }
0x225: {  	_ =	swait.ge [sflag:s0], $0x10  }
0x226: {  	[sflag:s0] =	ssyncset.done $0x0  }
0x227: {  	[sflag:s0] =	ssyncadd.s32 $0xFFFFFFF0;
	_ =	sdelay $0x2  }
0x228: {  	_ =	swait.ge [sflag:s0], $0x10  }
0x229: {  	[sflag:s0] =	ssyncset.done $0x0  }
0x22a: {  	[sflag:s0] =	ssyncadd.s32 $0xFFFFFFF0;
	_ =	sdelay $0x2  }
0x22b: {  	_ =	swait.ge [sflag:s0], $0x10  }
0x22c: {  	[sflag:s0] =	ssyncset.done $0x0  }
0x22d: {  	[sflag:s0] =	ssyncadd.s32 $0xFFFFFFF0;
	_ =	sdelay $0x2  }
0x22e: {  	_ =	swait.ge [sflag:s0], $0x10  }
0x22f: {  	[sflag:s0] =	ssyncset.done $0x0  }
0x230: {  	[sflag:s0] =	ssyncadd.s32 $0xFFFFFFF0;
	_ =	sdelay $0x2  }
0x231: {  	_ =	swait.ge [sflag:s0], $0x10  }
0x232: {  	[sflag:s0] =	ssyncset.done $0x0  }
0x233: {  	[sflag:s0] =	ssyncadd.s32 $0xFFFFFFF0;
	_ =	sdelay $0x2  }
0x234: {  	_ =	swait.ge [sflag:s0], $0x10  }
0x235: {  	[sflag:s0] =	ssyncset.done $0x0  }
0x236: {  	[sflag:s0] =	ssyncadd.s32 $0xFFFFFFF0;
	_ =	sdelay $0x2  }
0x237: {  	_ =	swait.ge [sflag:s0], $0x10  }
0x238: {  	[sflag:s0] =	ssyncset.done $0x0  }
0x239: {  	[sflag:s0] =	ssyncadd.s32 $0xFFFFFFF0;
	_ =	sdelay $0x2  }
0x23a: {  	_ =	swait.ge [sflag:s0], $0x10  }
0x23b: {  	[sflag:s0] =	ssyncset.done $0x0  }
0x23c: {  	[sflag:s0] =	ssyncadd.s32 $0xFFFFFFF0;
	_ =	sdelay $0x2  }
0x23d: {  	_ =	swait.ge [sflag:s0], $0x10  }
0x23e: {  	[sflag:s0] =	ssyncset.done $0x0  }
0x23f: {  	[sflag:s0] =	ssyncadd.s32 $0xFFFFFFF0;
	_ =	sdelay $0x2  }
0x240: {  	_ =	swait.ge [sflag:s0], $0x10  }
0x241: {  	[sflag:s0] =	ssyncset.done $0x0  }
0x242: {  	[sflag:s0] =	ssyncadd.s32 $0xFFFFFFF0;
	_ =	sdelay $0x2  }
0x243: {  	_ =	swait.ge [sflag:s0], $0x10  }
0x244: {  	[sflag:s0] =	ssyncset.done $0x0  }
0x245: {  	[sflag:s0] =	ssyncadd.s32 $0xFFFFFFF0;
	_ =	sdelay $0x2  }
0x246: {  	_ =	swait.ge [sflag:s0], $0x10  }
0x247: {  	[sflag:s0] =	ssyncset.done $0x0  }
0x248: {  	[sflag:s0] =	ssyncadd.s32 $0xFFFFFFF0;
	_ =	sdelay $0x2  }
0x249: {  	_ =	swait.ge [sflag:s0], $0x10  }
0x24a: {  	[sflag:s0] =	ssyncset.done $0x0  }
0x24b: {  	[sflag:s0] =	ssyncadd.s32 $0xFFFFFFF0;
	_ =	sdelay $0x2  }
0x24c: {  	_ =	swait.ge [sflag:s0], $0x10  }
0x24d: {  	[sflag:s0] =	ssyncset.done $0x0  }
0x24e: {  	[sflag:s0] =	ssyncadd.s32 $0xFFFFFFF0;
	_ =	sdelay $0x2  }
0x24f: {  	_ =	swait.ge [sflag:s0], $0x10  }
0x250: {  	[sflag:s0] =	ssyncset.done $0x0  }
0x251: {  	[sflag:s0] =	ssyncadd.s32 $0xFFFFFFF0;
	_ =	sdelay $0x2  }
0x252: {  	_ =	swait.ge [sflag:s0], $0x10  }
0x253: {  	[sflag:s0] =	ssyncset.done $0x0  }
0x254: {  	[sflag:s0] =	ssyncadd.s32 $0xFFFFFFF0;
	_ =	sdelay $0x2  }
0x255: {  	_ =	swait.ge [sflag:s0], $0x10  }
0x256: {  	[sflag:s0] =	ssyncset.done $0x0  }
0x257: {  	[sflag:s0] =	ssyncadd.s32 $0xFFFFFFF0;
	_ =	sdelay $0x2  }
0x258: {  	_ =	swait.ge [sflag:s0], $0x10  }
0x259: {  	[sflag:s0] =	ssyncset.done $0x0  }
0x25a: {  	[sflag:s0] =	ssyncadd.s32 $0xFFFFFFF0;
	_ =	sdelay $0x2  }
0x25b: {  	_ =	swait.ge [sflag:s0], $0x10  }
0x25c: {  	[sflag:s0] =	ssyncset.done $0x0  }
0x25d: {  	[sflag:s0] =	ssyncadd.s32 $0xFFFFFFF0;
	_ =	sdelay $0x2  }
0x25e: {  	_ =	swait.ge [sflag:s0], $0x10  }
0x25f: {  	[sflag:s0] =	ssyncset.done $0x0  }
0x260: {  	[sflag:s0] =	ssyncadd.s32 $0xFFFFFFF0;
	_ =	sdelay $0x2  }
0x261: {  	_ =	swait.ge [sflag:s0], $0x10  }
0x262: {  	[sflag:s0] =	ssyncset.done $0x0  }
0x263: {  	[sflag:s0] =	ssyncadd.s32 $0xFFFFFFF0;
	_ =	sdelay $0x2  }
0x264: {  	_ =	swait.ge [sflag:s0], $0x10  }
0x265: {  	[sflag:s0] =	ssyncset.done $0x0  }
0x266: {  	[sflag:s0] =	ssyncadd.s32 $0xFFFFFFF0;
	_ =	sdelay $0x2  }
0x267: {  	_ =	swait.ge [sflag:s0], $0x10  }
0x268: {  	[sflag:s0] =	ssyncset.done $0x0  }
0x269: {  	[sflag:s0] =	ssyncadd.s32 $0xFFFFFFF0;
	_ =	sdelay $0x2  }
0x26a: {  	_ =	swait.ge [sflag:s0], $0x10  }
0x26b: {  	[sflag:s0] =	ssyncset.done $0x0  }
0x26c: {  	[sflag:s0] =	ssyncadd.s32 $0xFFFFFFF0;
	_ =	sdelay $0x2  }
0x26d: {  	_ =	swait.ge [sflag:s0], $0x10  }
0x26e: {  	[sflag:s0] =	ssyncset.done $0x0  }
0x26f: {  	[sflag:s0] =	ssyncadd.s32 $0xFFFFFFF0;
	_ =	sdelay $0x2  }
0x270: {  	_ =	swait.ge [sflag:s0], $0x10  }
0x271: {  	[sflag:s0] =	ssyncset.done $0x0  }
0x272: {  	[sflag:s0] =	ssyncadd.s32 $0xFFFFFFF0;
	_ =	sdelay $0x2  }
0x273: {  	_ =	swait.ge [sflag:s0], $0x10  }
0x274: {  	[sflag:s0] =	ssyncset.done $0x0  }
0x275: {  	[sflag:s0] =	ssyncadd.s32 $0xFFFFFFF0;
	_ =	sdelay $0x2  }
0x276: {  	_ =	swait.ge [sflag:s0], $0x10  }
0x277: {  	[sflag:s0] =	ssyncset.done $0x0  }
0x278: {  	[sflag:s0] =	ssyncadd.s32 $0xFFFFFFF0;
	_ =	sdelay $0x2  }
0x279: {  	_ =	swait.ge [sflag:s0], $0x10  }
0x27a: {  	[sflag:s0] =	ssyncset.done $0x0  }
0x27b: {  	[sflag:s0] =	ssyncadd.s32 $0xFFFFFFF0;
	_ =	sdelay $0x2  }
0x27c: {  	_ =	swait.ge [sflag:s0], $0x10  }
0x27d: {  	[sflag:s0] =	ssyncset.done $0x0  }
0x27e: {  	[sflag:s0] =	ssyncadd.s32 $0xFFFFFFF0;
	_ =	sdelay $0x2  }
0x27f: {  	_ =	swait.ge [sflag:s0], $0x10  }
0x280: {  	[sflag:s0] =	ssyncset.done $0x0  }
0x281: {  	[sflag:s0] =	ssyncadd.s32 $0xFFFFFFF0;
	_ =	sdelay $0x2  }
0x282: {  	_ =	swait.ge [sflag:s0], $0x10  }
0x283: {  	[sflag:s0] =	ssyncset.done $0x0  }
0x284: {  	[sflag:s0] =	ssyncadd.s32 $0xFFFFFFF0;
	_ =	sdelay $0x2  }
0x285: {  	_ =	swait.ge [sflag:s0], $0x10  }
0x286: {  	[sflag:s0] =	ssyncset.done $0x0  }
0x287: {  	[sflag:s0] =	ssyncadd.s32 $0xFFFFFFF0;
	_ =	sdelay $0x2  }
0x288: {  	_ =	swait.ge [sflag:s0], $0x10  }
0x289: {  	[sflag:s0] =	ssyncset.done $0x0  }
0x28a: {  	[sflag:s0] =	ssyncadd.s32 $0xFFFFFFF0;
	_ =	sdelay $0x2  }
0x28b: {  	_ =	swait.ge [sflag:s0], $0x10  }
0x28c: {  	[sflag:s0] =	ssyncset.done $0x0  }
0x28d: {  	[sflag:s0] =	ssyncadd.s32 $0xFFFFFFF0;
	_ =	sdelay $0x2  }
0x28e: {  	_ =	swait.ge [sflag:s0], $0x10  }
0x28f: {  	[sflag:s0] =	ssyncset.done $0x0  }
0x290: {  	[sflag:s0] =	ssyncadd.s32 $0xFFFFFFF0;
	_ =	sdelay $0x2  }
0x291: {  	_ =	swait.ge [sflag:s0], $0x10  }
0x292: {  	[sflag:s0] =	ssyncset.done $0x0  }
0x293: {  	[sflag:s0] =	ssyncadd.s32 $0xFFFFFFF0;
	_ =	sdelay $0x2  }
0x294: {  	_ =	swait.ge [sflag:s0], $0x10  }
0x295: {  	[sflag:s0] =	ssyncset.done $0x0  }
0x296: {  	[sflag:s0] =	ssyncadd.s32 $0xFFFFFFF0;
	_ =	sdelay $0x2  }
0x297: {  	_ =	swait.ge [sflag:s0], $0x10  }
0x298: {  	[sflag:s0] =	ssyncset.done $0x0  }
0x299: {  	[sflag:s0] =	ssyncadd.s32 $0xFFFFFFF0;
	_ =	sdelay $0x2  }
0x29a: {  	_ =	swait.ge [sflag:s0], $0x10  }
0x29b: {  	[sflag:s0] =	ssyncset.done $0x0  }
0x29c: {  	[sflag:s0] =	ssyncadd.s32 $0xFFFFFFF0;
	_ =	sdelay $0x2  }
0x29d: {  	_ =	swait.ge [sflag:s0], $0x10  }
0x29e: {  	[sflag:s0] =	ssyncset.done $0x0  }
0x29f: {  	[sflag:s0] =	ssyncadd.s32 $0xFFFFFFF0;
	_ =	sdelay $0x2  }
0x2a0: {  	_ =	swait.ge [sflag:s0], $0x10  }
0x2a1: {  	[sflag:s0] =	ssyncset.done $0x0  }
0x2a2: {  	[sflag:s0] =	ssyncadd.s32 $0xFFFFFFF0;
	_ =	sdelay $0x2  }
0x2a3: {  	_ =	swait.ge [sflag:s0], $0x10  }
0x2a4: {  	[sflag:s0] =	ssyncset.done $0x0  }
0x2a5: {  	[sflag:s0] =	ssyncadd.s32 $0xFFFFFFF0;
	_ =	sdelay $0x2  }
0x2a6: {  	_ =	swait.ge [sflag:s0], $0x10  }
0x2a7: {  	[sflag:s0] =	ssyncset.done $0x0  }
0x2a8: {  	[sflag:s0] =	ssyncadd.s32 $0xFFFFFFF0;
	_ =	sdelay $0x2  }
0x2a9: {  	_ =	swait.ge [sflag:s0], $0x10  }
0x2aa: {  	[sflag:s0] =	ssyncset.done $0x0  }
0x2ab: {  	[sflag:s0] =	ssyncadd.s32 $0xFFFFFFF0;
	_ =	sdelay $0x2  }
0x2ac: {  	_ =	swait.ge [sflag:s0], $0x10  }
0x2ad: {  	[sflag:s0] =	ssyncset.done $0x0  }
0x2ae: {  	[sflag:s0] =	ssyncadd.s32 $0xFFFFFFF0;
	_ =	sdelay $0x2  }
0x2af: {  	_ =	swait.ge [sflag:s0], $0x10  }
0x2b0: {  	[sflag:s0] =	ssyncset.done $0x0  }
0x2b1: {  	[sflag:s0] =	ssyncadd.s32 $0xFFFFFFF0;
	_ =	sdelay $0x2  }
0x2b2: {  	_ =	swait.ge [sflag:s0], $0x10  }
0x2b3: {  	[sflag:s0] =	ssyncset.done $0x0  }
0x2b4: {  	[sflag:s0] =	ssyncadd.s32 $0xFFFFFFF0;
	_ =	sdelay $0x2  }
0x2b5: {  	_ =	swait.ge [sflag:s0], $0x10  }
0x2b6: {  	[sflag:s0] =	ssyncset.done $0x0  }
0x2b7: {  	[sflag:s0] =	ssyncadd.s32 $0xFFFFFFF0;
	_ =	sdelay $0x2  }
0x2b8: {  	_ =	swait.ge [sflag:s0], $0x10  }
0x2b9: {  	[sflag:s0] =	ssyncset.done $0x0  }
0x2ba: {  	[sflag:s0] =	ssyncadd.s32 $0xFFFFFFF0;
	_ =	sdelay $0x2  }
0x2bb: {  	_ =	swait.ge [sflag:s0], $0x10  }
0x2bc: {  	[sflag:s0] =	ssyncset.done $0x0  }
0x2bd: {  	[sflag:s0] =	ssyncadd.s32 $0xFFFFFFF0;
	_ =	sdelay $0x2  }
0x2be: {  	_ =	swait.ge [sflag:s0], $0x10  }
0x2bf: {  	[sflag:s0] =	ssyncset.done $0x0  }
0x2c0: {  	[sflag:s0] =	ssyncadd.s32 $0xFFFFFFF0;
	_ =	sdelay $0x2  }
0x2c1: {  	_ =	swait.ge [sflag:s0], $0x10  }
0x2c2: {  	[sflag:s0] =	ssyncset.done $0x0  }
0x2c3: {  	[sflag:s0] =	ssyncadd.s32 $0xFFFFFFF0;
	_ =	sdelay $0x2  }
0x2c4: {  	_ =	swait.ge [sflag:s0], $0x10  }
0x2c5: {  	[sflag:s0] =	ssyncset.done $0x0  }
0x2c6: {  	[sflag:s0] =	ssyncadd.s32 $0xFFFFFFF0;
	_ =	sdelay $0x2  }
0x2c7: {  	_ =	swait.ge [sflag:s0], $0x10  }
0x2c8: {  	[sflag:s0] =	ssyncset.done $0x0  }
0x2c9: {  	[sflag:s0] =	ssyncadd.s32 $0xFFFFFFF0;
	_ =	sdelay $0x2  }
0x2ca: {  	_ =	swait.ge [sflag:s0], $0x10  }
0x2cb: {  	[sflag:s0] =	ssyncset.done $0x0  }
0x2cc: {  	[sflag:s0] =	ssyncadd.s32 $0xFFFFFFF0;
	_ =	sdelay $0x2  }
0x2cd: {  	_ =	swait.ge [sflag:s0], $0x10  }
0x2ce: {  	[sflag:s0] =	ssyncset.done $0x0  }
0x2cf: {  	[sflag:s0] =	ssyncadd.s32 $0xFFFFFFF0;
	_ =	sdelay $0x2  }
0x2d0: {  	_ =	swait.ge [sflag:s0], $0x10  }
0x2d1: {  	[sflag:s0] =	ssyncset.done $0x0  }
0x2d2: {  	[sflag:s0] =	ssyncadd.s32 $0xFFFFFFF0;
	_ =	sdelay $0x2  }
0x2d3: {  	_ =	swait.ge [sflag:s0], $0x10  }
0x2d4: {  	[sflag:s0] =	ssyncset.done $0x0  }
0x2d5: {  	[sflag:s0] =	ssyncadd.s32 $0xFFFFFFF0;
	_ =	sdelay $0x2  }
0x2d6: {  	_ =	swait.ge [sflag:s0], $0x10  }
0x2d7: {  	[sflag:s0] =	ssyncset.done $0x0  }
0x2d8: {  	[sflag:s0] =	ssyncadd.s32 $0xFFFFFFF0;
	_ =	sdelay $0x2  }
0x2d9: {  	_ =	swait.ge [sflag:s0], $0x10  }
0x2da: {  	[sflag:s0] =	ssyncset.done $0x0  }
0x2db: {  	[sflag:s0] =	ssyncadd.s32 $0xFFFFFFF0;
	_ =	sdelay $0x2  }
0x2dc: {  	_ =	swait.ge [sflag:s0], $0x10  }
0x2dd: {  	[sflag:s0] =	ssyncset.done $0x0  }
0x2de: {  	[sflag:s0] =	ssyncadd.s32 $0xFFFFFFF0;
	_ =	sdelay $0x2  }
0x2df: {  	_ =	swait.ge [sflag:s0], $0x10  }
0x2e0: {  	[sflag:s0] =	ssyncset.done $0x0  }
0x2e1: {  	[sflag:s0] =	ssyncadd.s32 $0xFFFFFFF0;
	_ =	sdelay $0x2  }
0x2e2: {  	_ =	swait.ge [sflag:s0], $0x10  }
0x2e3: {  	[sflag:s0] =	ssyncset.done $0x0  }
0x2e4: {  	[sflag:s0] =	ssyncadd.s32 $0xFFFFFFF0;
	_ =	sdelay $0x2  }
0x2e5: {  	_ =	swait.ge [sflag:s0], $0x10  }
0x2e6: {  	[sflag:s0] =	ssyncset.done $0x0  }
0x2e7: {  	[sflag:s0] =	ssyncadd.s32 $0xFFFFFFF0;
	_ =	sdelay $0x2  }
0x2e8: {  	_ =	swait.ge [sflag:s0], $0x10  }
0x2e9: {  	[sflag:s0] =	ssyncset.done $0x0  }
0x2ea: {  	[sflag:s0] =	ssyncadd.s32 $0xFFFFFFF0;
	_ =	sdelay $0x2  }
0x2eb: {  	_ =	swait.ge [sflag:s0], $0x10  }
0x2ec: {  	[sflag:s0] =	ssyncset.done $0x0  }
0x2ed: {  	[sflag:s0] =	ssyncadd.s32 $0xFFFFFFF0;
	_ =	sdelay $0x2  }
0x2ee: {  	_ =	swait.ge [sflag:s0], $0x10  }
0x2ef: {  	[sflag:s0] =	ssyncset.done $0x0  }
0x2f0: {  	[sflag:s0] =	ssyncadd.s32 $0xFFFFFFF0;
	_ =	sdelay $0x2  }
0x2f1: {  	_ =	swait.ge [sflag:s0], $0x10  }
0x2f2: {  	[sflag:s0] =	ssyncset.done $0x0  }
0x2f3: {  	[sflag:s0] =	ssyncadd.s32 $0xFFFFFFF0;
	_ =	sdelay $0x2  }
0x2f4: {  	_ =	swait.ge [sflag:s0], $0x10  }
0x2f5: {  	[sflag:s0] =	ssyncset.done $0x0  }
0x2f6: {  	[sflag:s0] =	ssyncadd.s32 $0xFFFFFFF0;
	_ =	sdelay $0x2  }
0x2f7: {  	_ =	swait.ge [sflag:s0], $0x10  }
0x2f8: {  	[sflag:s0] =	ssyncset.done $0x0  }
0x2f9: {  	[sflag:s0] =	ssyncadd.s32 $0xFFFFFFF0;
	_ =	sdelay $0x2  }
0x2fa: {  	_ =	swait.ge [sflag:s0], $0x10  }
0x2fb: {  	[sflag:s0] =	ssyncset.done $0x0  }
0x2fc: {  	[sflag:s0] =	ssyncadd.s32 $0xFFFFFFF0;
	_ =	sdelay $0x2  }
0x2fd: {  	_ =	swait.ge [sflag:s0], $0x10  }
0x2fe: {  	[sflag:s0] =	ssyncset.done $0x0  }
0x2ff: {  	[sflag:s0] =	ssyncadd.s32 $0xFFFFFFF0;
	_ =	sdelay $0x2  }
0x300: {  	_ =	swait.ge [sflag:s0], $0x10  }
0x301: {  	[sflag:s0] =	ssyncset.done $0x0  }
0x302: {  	[sflag:s0] =	ssyncadd.s32 $0xFFFFFFF0;
	_ =	sdelay $0x2  }
0x303: {  	_ =	swait.ge [sflag:s0], $0x10  }
0x304: {  	[sflag:s0] =	ssyncset.done $0x0  }
0x305: {  	[sflag:s0] =	ssyncadd.s32 $0xFFFFFFF0;
	_ =	sdelay $0x2  }
0x306: {  	_ =	swait.ge [sflag:s0], $0x10  }
0x307: {  	[sflag:s0] =	ssyncset.done $0x0  }
0x308: {  	[sflag:s0] =	ssyncadd.s32 $0xFFFFFFF0;
	_ =	sdelay $0x2  }
0x309: {  	_ =	swait.ge [sflag:s0], $0x10  }
0x30a: {  	[sflag:s0] =	ssyncset.done $0x0  }
0x30b: {  	[sflag:s0] =	ssyncadd.s32 $0xFFFFFFF0;
	_ =	sdelay $0x2  }
0x30c: {  	_ =	swait.ge [sflag:s0], $0x10  }
0x30d: {  	[sflag:s0] =	ssyncset.done $0x0  }
0x30e: {  	[sflag:s0] =	ssyncadd.s32 $0xFFFFFFF0;
	_ =	sdelay $0x2  }
0x30f: {  	_ =	swait.ge [sflag:s0], $0x10  }
0x310: {  	[sflag:s0] =	ssyncset.done $0x0  }
0x311: {  	[sflag:s0] =	ssyncadd.s32 $0xFFFFFFF0;
	_ =	sdelay $0x2  }
0x312: {  	_ =	swait.ge [sflag:s0], $0x10  }
0x313: {  	[sflag:s0] =	ssyncset.done $0x0  }
0x314: {  	[sflag:s0] =	ssyncadd.s32 $0xFFFFFFF0;
	_ =	sdelay $0x2  }
0x315: {  	_ =	swait.ge [sflag:s0], $0x10  }
0x316: {  	[sflag:s0] =	ssyncset.done $0x0  }
0x317: {  	[sflag:s0] =	ssyncadd.s32 $0xFFFFFFF0;
	_ =	sdelay $0x2  }
0x318: {  	_ =	swait.ge [sflag:s0], $0x10  }
0x319: {  	[sflag:s0] =	ssyncset.done $0x0  }
0x31a: {  	[sflag:s0] =	ssyncadd.s32 $0xFFFFFFF0;
	_ =	sdelay $0x2  }
0x31b: {  	_ =	swait.ge [sflag:s0], $0x10  }
0x31c: {  	[sflag:s0] =	ssyncset.done $0x0  }
0x31d: {  	[sflag:s0] =	ssyncadd.s32 $0xFFFFFFF0;
	_ =	sdelay $0x2  }
0x31e: {  	_ =	swait.ge [sflag:s0], $0x10  }
0x31f: {  	[sflag:s0] =	ssyncset.done $0x0  }
0x320: {  	[sflag:s0] =	ssyncadd.s32 $0xFFFFFFF0;
	_ =	sdelay $0x2  }
0x321: {  	_ =	swait.ge [sflag:s0], $0x10  }
0x322: {  	[sflag:s0] =	ssyncset.done $0x0  }
0x323: {  	[sflag:s0] =	ssyncadd.s32 $0xFFFFFFF0;
	_ =	sdelay $0x2  }
0x324: {  	_ =	swait.ge [sflag:s0], $0x10  }
0x325: {  	[sflag:s0] =	ssyncset.done $0x0  }
0x326: {  	[sflag:s0] =	ssyncadd.s32 $0xFFFFFFF0;
	_ =	sdelay $0x2  }
0x327: {  	_ =	swait.ge [sflag:s0], $0x10  }
0x328: {  	[sflag:s0] =	ssyncset.done $0x0  }
0x329: {  	[sflag:s0] =	ssyncadd.s32 $0xFFFFFFF0;
	_ =	sdelay $0x2  }
0x32a: {  	_ =	swait.ge [sflag:s0], $0x10  }
0x32b: {  	[sflag:s0] =	ssyncset.done $0x0  }
0x32c: {  	[sflag:s0] =	ssyncadd.s32 $0xFFFFFFF0  }
0x32d: {  	_ =	strace $0x90000046  }
0x32e: {  	_ =	sfence  }
0x32f: {  	s28 =	sld [smem:$0x0];
	_ =	sdelay $0x1  }
0x330: {  	s29 =	srdreg.scid  }
0x331: {  	s30 =	sshll.u32 s29, $0xD;
	s31 =	sshrl.u32 s29, $0x2  }
0x332: {  	s2 =	sand.u32 $0x4000, s30;
	s1 =	sand.u32 $0x1, s29;
	s0 =	sadd.s32 s31, s28  }
0x333: {  	s1 =	sor.u32 s2, s1;
	s0 =	sshll.u32 s0, $0x11  }
0x334: {  	s0 =	sor.u32 s0, s1  }
0x335: {  	s0 =	sadd.s32 $0x8F2B, s0;
	(pc) =	sbr.abs _section_cstart, $3  }
0x336: {  	[sflag:s0] =	ssyncadd.remote.s32 $0x1  }
0x337: {  	_ =	strace $0x9FFFFFFF  }
0x338: {  	(tm) =	ssettm $0x7FFFFFFF  }
0x339: {  	_ =	shalt  }

</sc_bundles>
